<compile_context>
chip_gen: v7x
topology: tpu7x:2x2x1
jax: 0.10.2.dev20260603
libtpu: 0.0.44.dev20260713+nightly
codegen_flags: <defaults>
</compile_context>

<pallas_src>
import functools

import jax
import jax.numpy as jnp
from jax.experimental import pallas as pl
from jax.experimental.pallas import tpu as pltpu
from jax.experimental.pallas import tpu_sc as plsc

S, D = 2048, 2048
H, KVH, DH = 16, 4, 128
E, TOPK, F = 8, 2, 768
EPS = 1e-6
THETA = 1000000.0

HIGH = jax.lax.Precision.HIGHEST


def _rms(x, w, eps=EPS):
    v = jnp.mean(jnp.square(x), axis=-1, keepdims=True)
    return x * jax.lax.rsqrt(v + eps) * w



def _qkv_kernel(x_ref, lnw_ref, w_ref, o_ref):
    x = x_ref[...]
    xn = _rms(x, lnw_ref[...])
    o_ref[...] = jnp.dot(xn, w_ref[...], precision=None,
                         preferred_element_type=jnp.float32)


def _qkv(x, lnw, wqkv, br=256, bc=768):
    nr, nc = S // br, (H * DH + 2 * KVH * DH) // bc
    return pl.pallas_call(
        _qkv_kernel,
        grid=(nc, nr),
        in_specs=[
            pl.BlockSpec((br, D), lambda c, r: (r, 0)),
            pl.BlockSpec((1, D), lambda c, r: (0, 0)),
            pl.BlockSpec((D, bc), lambda c, r: (0, c)),
        ],
        out_specs=pl.BlockSpec((br, bc), lambda c, r: (r, c)),
        out_shape=jax.ShapeDtypeStruct((S, H * DH + 2 * KVH * DH), jnp.float32),
    )(x, lnw, wqkv)



def _rope_cos_sin(base_row, nrows):
    sh = (nrows, DH // 2)
    pos = (base_row +
           jax.lax.broadcasted_iota(jnp.int32, sh, 0)).astype(jnp.float32)
    inv = 1.0 / (THETA ** (
        jax.lax.broadcasted_iota(jnp.int32, sh, 1).astype(jnp.float32)
        * (2.0 / DH)))
    ang = pos * inv
    return jnp.cos(ang), jnp.sin(ang)


def _norm_rope(x, w, base_row, nrows):
    xn = _rms(x, w)
    c, s = _rope_cos_sin(base_row, nrows)
    x1 = xn[:, :DH // 2]
    x2 = xn[:, DH // 2:]
    return jnp.concatenate([x1 * c - x2 * s, x2 * c + x1 * s], axis=-1)


def _flash_kernel(q_ref, k_ref, v_ref, qw_ref, kw_ref, o_ref, kn_ref,
                  *, bq, bk):
    qb = pl.program_id(1)
    gh = H // KVH

    @pl.when(qb == 0)
    def _():
        kn_ref[...] = _norm_rope(k_ref[...], kw_ref[...], 0, S)

    scale = 1.0 / (DH ** 0.5)
    qi = qb * bq + jax.lax.broadcasted_iota(jnp.int32, (bq, bk), 0)
    ki_loc = jax.lax.broadcasted_iota(jnp.int32, (bq, bk), 1)

    qs = [_norm_rope(q_ref[:, h * DH:(h + 1) * DH], qw_ref[...],
                     qb * bq, bq) * scale for h in range(gh)]

    def body(kc, carry):
        kc_rows = pl.ds(kc * bk, bk)
        k_c = kn_ref[kc_rows, :]
        v_c = v_ref[kc_rows, :]
        mask = kc * bk + ki_loc <= qi
        out = []
        for h in range(gh):
            m, l, acc = carry[h]
            s = jax.lax.dot_general(qs[h], k_c, (((1,), (1,)), ((), ())),
                                    preferred_element_type=jnp.float32)
            s = jnp.where(mask, s, -1e30)
            m_new = jnp.maximum(m, jnp.max(s, axis=-1, keepdims=True))
            alpha = jnp.exp(m - m_new)
            p = jnp.exp(s - m_new)
            l_new = l * alpha + jnp.sum(p, axis=-1, keepdims=True)
            acc_new = acc * alpha + jnp.dot(p, v_c,
                                            preferred_element_type=jnp.float32)
            out.append((m_new, l_new, acc_new))
        return tuple(out)

    init1 = (jnp.full((bq, 1), -1e30, jnp.float32),
             jnp.zeros((bq, 1), jnp.float32),
             jnp.zeros((bq, DH), jnp.float32))
    nch = ((qb + 1) * bq + bk - 1) // bk
    fin = jax.lax.fori_loop(0, nch, body, (init1,) * gh)
    for h in range(gh):
        _, l, acc = fin[h]
        o_ref[:, h * DH:(h + 1) * DH] = acc / l


def _flash(qkv, qnw, knw, bq=512, bk=512):
    nq = S // bq
    gh = H // KVH
    kern = functools.partial(_flash_kernel, bq=bq, bk=bk)
    return pl.pallas_call(
        kern,
        grid=(KVH, nq),
        in_specs=[
            pl.BlockSpec((bq, gh * DH), lambda g, qb: (qb, g)),
            pl.BlockSpec((S, DH), lambda g, qb: (0, H + g)),
            pl.BlockSpec((S, DH), lambda g, qb: (0, H + KVH + g)),
            pl.BlockSpec((1, DH), lambda g, qb: (0, 0)),
            pl.BlockSpec((1, DH), lambda g, qb: (0, 0)),
        ],
        out_specs=pl.BlockSpec((bq, gh * DH), lambda g, qb: (qb, g)),
        out_shape=jax.ShapeDtypeStruct((S, H * DH), jnp.float32),
        scratch_shapes=[
            pltpu.VMEM((S, DH), jnp.float32),
        ],
    )(qkv, qkv, qkv, qnw, knw)



def _top2_weights(lg):
    mx = jnp.max(lg, axis=-1, keepdims=True)
    p = jnp.exp(lg - mx)
    p = p / jnp.sum(p, axis=-1, keepdims=True)
    v1 = jnp.max(p, axis=-1, keepdims=True)
    v2 = jnp.max(jnp.where(p >= v1, -1.0, p), axis=-1, keepdims=True)
    return jnp.where(p >= v2, p, 0.0) / (v1 + v2)


def _oproj_kernel(a_ref, x_ref, ow_ref, pw_ref, rw_ref,
                  res_ref, hn_ref, w_ref):
    ao = jnp.dot(a_ref[...], ow_ref[...], precision=None,
                 preferred_element_type=jnp.float32)
    h = x_ref[...] + ao
    res_ref[...] = h
    hn = _rms(h, pw_ref[...])
    hn_ref[...] = hn
    lg = jnp.dot(hn, rw_ref[...], precision=None,
                 preferred_element_type=jnp.float32)
    w_ref[...] = _top2_weights(lg)


def _oproj(attn, x, ow, pw, rw, br=256):
    nr = S // br
    return pl.pallas_call(
        _oproj_kernel,
        grid=(nr,),
        in_specs=[
            pl.BlockSpec((br, H * DH), lambda r: (r, 0)),
            pl.BlockSpec((br, D), lambda r: (r, 0)),
            pl.BlockSpec((H * DH, D), lambda r: (0, 0)),
            pl.BlockSpec((1, D), lambda r: (0, 0)),
            pl.BlockSpec((D, E), lambda r: (0, 0)),
        ],
        out_specs=[
            pl.BlockSpec((br, D), lambda r: (r, 0)),
            pl.BlockSpec((br, D), lambda r: (r, 0)),
            pl.BlockSpec((br, E), lambda r: (r, 0)),
        ],
        out_shape=[
            jax.ShapeDtypeStruct((S, D), jnp.float32),
            jax.ShapeDtypeStruct((S, D), jnp.float32),
            jax.ShapeDtypeStruct((S, E), jnp.float32),
        ],
    )(attn, x, ow, pw, rw)



BTM = 128
NPAD = S * TOPK + E * BTM
NT = NPAD // BTM
NW = 32
TPW = S // NW
CHD = 32
NCHD = TPW // CHD
CHG = 16
NCHG = TPW // CHG


def _route_kernel(w_ref, pos_ref, eid_ref, ws_ref):
    w = w_ref[...]
    sel = (w > 0.0)
    oh = sel.astype(jnp.float32)
    eid = jax.lax.broadcasted_iota(jnp.int32, (S, E), 1)

    rows = []
    for r in range(S // 256):
        gi = jax.lax.broadcasted_iota(jnp.int32, (256, S), 0) + r * 256
        ti = jax.lax.broadcasted_iota(jnp.int32, (256, S), 1)
        m = (ti < gi).astype(jnp.float32)
        rows.append(jnp.dot(m, oh, preferred_element_type=jnp.float32))
    a = jnp.concatenate(rows, axis=0)

    counts = jnp.sum(oh, axis=0, keepdims=True)
    ci = counts.astype(jnp.int32)
    pc = ((ci + BTM - 1) // BTM) * BTM
    te = jax.lax.broadcasted_iota(jnp.int32, (E, E), 0)
    tc = jax.lax.broadcasted_iota(jnp.int32, (E, E), 1)
    mstr = (te < tc).astype(jnp.float32)
    start = jnp.dot(pc.astype(jnp.float32), mstr,
                    preferred_element_type=jnp.float32)
    start_i = start.astype(jnp.int32)

    e0 = jnp.min(jnp.where(sel, eid, E), axis=-1, keepdims=True)
    e1 = jnp.max(jnp.where(sel, eid, -1), axis=-1, keepdims=True)
    posm = start_i + a.astype(jnp.int32)
    z = jnp.zeros_like(posm)
    pos0 = jnp.sum(jnp.where(eid == e0, posm, z), axis=-1, keepdims=True)
    pos1 = jnp.sum(jnp.where(eid == e1, posm, z), axis=-1, keepdims=True)
    pos_ref[...] = jnp.where(eid == 0, pos0,
                             jnp.where(eid == 1, pos1, z))
    zf = jnp.zeros_like(w)
    w0 = jnp.sum(jnp.where(eid == e0, w, zf), axis=-1, keepdims=True)
    w1 = jnp.sum(jnp.where(eid == e1, w, zf), axis=-1, keepdims=True)
    ws_ref[...] = jnp.where(eid == 0, w0, jnp.where(eid == 1, w1, zf))

    li = jax.lax.broadcasted_iota(jnp.int32, (8, 64), 1)
    st_tile = start_i // BTM
    cnt = jnp.zeros((8, 64), jnp.int32)
    for e in range(E):
        se = st_tile[:, e:e + 1]
        cnt = cnt + (se <= li).astype(jnp.int32)
    eid_ref[...] = cnt - 1


def _route(w):
    return pl.pallas_call(
        _route_kernel,
        grid=(1,),
        in_specs=[pl.BlockSpec((S, E), lambda i: (0, 0))],
        out_specs=[
            pl.BlockSpec((S, E), lambda i: (0, 0)),
            pl.BlockSpec((8, 64), lambda i: (0, 0)),
            pl.BlockSpec((S, E), lambda i: (0, 0)),
        ],
        out_shape=[
            jax.ShapeDtypeStruct((S, E), jnp.int32),
            jax.ShapeDtypeStruct((8, 64), jnp.int32),
            jax.ShapeDtypeStruct((S, E), jnp.float32),
        ],
    )(w)


def _gmm_kernel(eid_ref, x_ref, g_ref, u_ref, d_ref, y_ref):
    x = x_ref[...].astype(jnp.bfloat16)
    g = jnp.dot(x, g_ref[0], preferred_element_type=jnp.float32)
    u = jnp.dot(x, u_ref[0], preferred_element_type=jnp.float32)
    hf = ((g * jax.nn.sigmoid(g)) * u).astype(jnp.bfloat16)
    y_ref[...] = jnp.dot(hf, d_ref[0], preferred_element_type=jnp.float32)


def _gmm(xpad, tile_eid, gk, uk, dk):
    grid_spec = pltpu.PrefetchScalarGridSpec(
        num_scalar_prefetch=1,
        grid=(NT,),
        in_specs=[
            pl.BlockSpec((BTM, D), lambda i, eid: (i, 0)),
            pl.BlockSpec((1, D, F), lambda i, eid: (eid[i], 0, 0)),
            pl.BlockSpec((1, D, F), lambda i, eid: (eid[i], 0, 0)),
            pl.BlockSpec((1, F, D), lambda i, eid: (eid[i], 0, 0)),
        ],
        out_specs=pl.BlockSpec((BTM, D), lambda i, eid: (i, 0)),
    )
    return pl.pallas_call(
        _gmm_kernel,
        grid_spec=grid_spec,
        out_shape=jax.ShapeDtypeStruct((NPAD, D), jnp.float32),
    )(tile_eid, xpad, gk, uk, dk)


def _combine_kernel(res_ref, y0_ref, y1_ref, ws_ref, o_ref):
    ws = ws_ref[...]
    o_ref[...] = (res_ref[...]
                  + ws[:, 0:1] * y0_ref[...]
                  + ws[:, 1:2] * y1_ref[...])


def _combine(res, y0, y1, ws, br=512):
    return pl.pallas_call(
        _combine_kernel,
        grid=(S // br,),
        in_specs=[
            pl.BlockSpec((br, D), lambda r: (r, 0)),
            pl.BlockSpec((br, D), lambda r: (r, 0)),
            pl.BlockSpec((br, D), lambda r: (r, 0)),
            pl.BlockSpec((br, E), lambda r: (r, 0)),
        ],
        out_specs=pl.BlockSpec((br, D), lambda r: (r, 0)),
        out_shape=jax.ShapeDtypeStruct((S, D), jnp.float32),
    )(res, y0, y1, ws)


def _sc_mesh():
    return plsc.VectorSubcoreMesh(core_axis_name="c", subcore_axis_name="s")


def _sc_dispatch(hn, pos0r, pos1r):

    @functools.partial(
        pl.kernel,
        out_type=jax.ShapeDtypeStruct((NPAD, D), jnp.float32),
        mesh=_sc_mesh(),
        scratch_types=[
            pltpu.VMEM((CHD, D), jnp.float32),
            pltpu.VMEM((NCHD, CHD), jnp.int32),
            pltpu.VMEM((NCHD, CHD), jnp.int32),
            pltpu.SemaphoreType.DMA,
            pltpu.SemaphoreType.DMA,
        ],
    )
    def k(hn_hbm, p0_hbm, p1_hbm, xpad_hbm, rows_v, i0_v, i1_v, s0, s1):
        wid = jax.lax.axis_index("s") * 2 + jax.lax.axis_index("c")
        base = wid * TPW
        pltpu.sync_copy(p0_hbm.at[wid], i0_v)
        pltpu.sync_copy(p1_hbm.at[wid], i1_v)

        for c in range(NCHD):
            pltpu.sync_copy(hn_hbm.at[pl.ds(base + c * CHD, CHD)], rows_v)
            a = pltpu.async_copy(rows_v, xpad_hbm.at[i0_v.at[c]], s0)
            b = pltpu.async_copy(rows_v, xpad_hbm.at[i1_v.at[c]], s1)
            a.wait()
            b.wait()

    return k(hn, pos0r, pos1r)


def _sc_gather(y, pos0r, pos1r):

    @functools.partial(
        pl.kernel,
        out_type=(jax.ShapeDtypeStruct((S, D), jnp.float32),
                  jax.ShapeDtypeStruct((S, D), jnp.float32)),
        mesh=_sc_mesh(),
        scratch_types=[
            pltpu.VMEM((CHG, D), jnp.float32),
            pltpu.VMEM((CHG, D), jnp.float32),
            pltpu.VMEM((NCHG, CHG), jnp.int32),
            pltpu.VMEM((NCHG, CHG), jnp.int32),
            pltpu.SemaphoreType.DMA,
            pltpu.SemaphoreType.DMA,
        ],
    )
    def k(y_hbm, p0_hbm, p1_hbm, y0_hbm, y1_hbm,
          b0_v, b1_v, i0_v, i1_v, s0, s1):
        wid = jax.lax.axis_index("s") * 2 + jax.lax.axis_index("c")
        base = wid * TPW
        pltpu.sync_copy(p0_hbm.at[wid], i0_v)
        pltpu.sync_copy(p1_hbm.at[wid], i1_v)

        for c in range(NCHG):
            a = pltpu.async_copy(y_hbm.at[i0_v.at[c]], b0_v, s0)
            b = pltpu.async_copy(y_hbm.at[i1_v.at[c]], b1_v, s1)
            a.wait()
            b.wait()
            rows = pl.ds(base + c * CHG, CHG)
            pltpu.sync_copy(b0_v, y0_hbm.at[rows])
            pltpu.sync_copy(b1_v, y1_hbm.at[rows])

    return k(y, pos0r, pos1r)


def _moe_routed(hn, w, res2, gkb, ukb, dkb):
    pos, tile_eid8, ws = _route(w)
    p0, p1 = pos[:, 0], pos[:, 1]
    tile_eid = tile_eid8[0, :NT]
    xpad = _sc_dispatch(hn, p0.reshape(NW, NCHD, CHD),
                        p1.reshape(NW, NCHD, CHD))
    y = _gmm(xpad, tile_eid, gkb, ukb, dkb)
    y0g, y1g = _sc_gather(y, p0.reshape(NW, NCHG, CHG),
                          p1.reshape(NW, NCHG, CHG))
    return _combine(res2, y0g, y1g, ws)



def kernel(hidden_states, input_ln_w, q_w, k_w, v_w, o_w, q_norm_w,
           k_norm_w, post_ln_w, router_w, gate_k, up_k, down_k):
    x = hidden_states.reshape(S, D)
    wqkv = jnp.concatenate([q_w, k_w, v_w], axis=1)

    qkv = _qkv(x, input_ln_w.reshape(1, D), wqkv)
    attn = _flash(qkv, q_norm_w.reshape(1, DH), k_norm_w.reshape(1, DH))
    res2, hn, w = _oproj(attn, x, o_w, post_ln_w.reshape(1, D), router_w)
    out = _moe_routed(hn, w, res2,
                      gate_k.astype(jnp.bfloat16), up_k.astype(jnp.bfloat16),
                      down_k.astype(jnp.bfloat16))
    return out.reshape(1, S, D)

# --- scband reference (transcript-rebuilt; emitter-appended) ---
"""Pipeline reference for scband-qwen3-moe-decoder-layer-74457553043827 (READ-ONLY COPY).

The authoritative reference and input builder live on the scoring server;
editing this copy changes nothing except your own understanding.
"""

import jax, jax.numpy as jnp
import numpy as np

B, S, D = 1, 2048, 2048
H, KVH, DH = 16, 4, 128
E, TOPK, F = 8, 2, 768
EPS = 1e-6
THETA = 1000000.0


def _rmsnorm(x, w):
    v = jnp.mean(jnp.square(x.astype(jnp.float32)), axis=-1, keepdims=True)
    return (x * jax.lax.rsqrt(v + EPS)) * w


def setup_inputs(seed: int = 0):
    key = jax.random.key(seed)
    ks = jax.random.split(key, 12)
    s = 0.02
    return {
        'hidden_states': jax.random.normal(ks[0], (B, S, D), jnp.float32),
        'input_ln_w': jnp.ones((D,), jnp.float32),
        'q_w': jax.random.normal(ks[1], (D, H * DH), jnp.float32) * s,
        'k_w': jax.random.normal(ks[2], (D, KVH * DH), jnp.float32) * s,
        'v_w': jax.random.normal(ks[3], (D, KVH * DH), jnp.float32) * s,
        'o_w': jax.random.normal(ks[4], (H * DH, D), jnp.float32) * s,
        'q_norm_w': jnp.ones((DH,), jnp.float32),
        'k_norm_w': jnp.ones((DH,), jnp.float32),
        'post_ln_w': jnp.ones((D,), jnp.float32),
        'router_w': jax.random.normal(ks[5], (D, E), jnp.float32) * s,
        'gate_k': jax.random.normal(ks[6], (E, D, F), jnp.float32) * s,
        'up_k': jax.random.normal(ks[7], (E, D, F), jnp.float32) * s,
        'down_k': jax.random.normal(ks[8], (E, F, D), jnp.float32) * s,
    }


def reference(hidden_states, input_ln_w, q_w, k_w, v_w, o_w, q_norm_w, k_norm_w, post_ln_w, router_w, gate_k, up_k, down_k):
    # ---- self-attention with Q/K RMSNorm (Qwen3MoeAttention) ----
    residual = hidden_states
    h = _rmsnorm(hidden_states, input_ln_w)
    q = (h @ q_w).reshape(B, S, H, DH)
    k = (h @ k_w).reshape(B, S, KVH, DH)
    v = (h @ v_w).reshape(B, S, KVH, DH)
    q = _rmsnorm(q, q_norm_w)
    k = _rmsnorm(k, k_norm_w)
    q = q.transpose(0, 2, 1, 3)
    k = k.transpose(0, 2, 1, 3)
    v = v.transpose(0, 2, 1, 3)
    pos = jnp.arange(S, dtype=jnp.float32)
    inv = 1.0 / (THETA ** (jnp.arange(0, DH, 2, dtype=jnp.float32) / DH))
    ang = pos[:, None] * inv[None, :]
    cos = jnp.concatenate([jnp.cos(ang), jnp.cos(ang)], axis=-1)[None, None, :, :]
    sin = jnp.concatenate([jnp.sin(ang), jnp.sin(ang)], axis=-1)[None, None, :, :]

    def rope(x):
        x1, x2 = jnp.split(x, 2, axis=-1)
        return x * cos + jnp.concatenate([-x2, x1], axis=-1) * sin

    q = rope(q)
    k = rope(k)
    rep = H // KVH
    k = jnp.repeat(k, rep, axis=1)
    v = jnp.repeat(v, rep, axis=1)
    scores = jnp.einsum('bhqd,bhkd->bhqk', q, k) / jnp.sqrt(jnp.float32(DH))
    mask = jnp.tril(jnp.ones((S, S), dtype=bool))
    scores = jnp.where(mask[None, None, :, :], scores, jnp.float32(-1e30))
    attn = jax.nn.softmax(scores, axis=-1)
    attn_out = jnp.einsum('bhqk,bhkd->bhqd', attn, v)
    attn_out = attn_out.transpose(0, 2, 1, 3).reshape(B, S, H * DH) @ o_w
    h = residual + attn_out

    # ---- sparse MoE block (Qwen3MoeSparseBlock) ----
    residual2 = h
    hn = _rmsnorm(h, post_ln_w)
    T = B * S
    hs = hn.reshape(T, D)
    router_logits = hs @ router_w
    probs = jax.nn.softmax(router_logits.astype(jnp.float32), axis=-1)
    topv, topi = jax.lax.top_k(probs, TOPK)
    topv = topv / jnp.sum(topv, axis=-1, keepdims=True)  # norm_topk_prob=True
    w_full = jnp.zeros((T, E), jnp.float32).at[jnp.arange(T)[:, None], topi].add(topv)
    gate = jnp.einsum('td,edf->etf', hs, gate_k)
    up = jnp.einsum('td,edf->etf', hs, up_k)
    expert_out = jnp.einsum('etf,efd->etd', jax.nn.silu(gate) * up, down_k)
    moe_out = jnp.einsum('te,etd->td', w_full, expert_out).reshape(B, S, D)
    return residual2 + moe_out

if __name__ == "__main__":
    import jax
    _d = setup_inputs()
    print(jax.jit(kernel)(*tuple(_d.values())))

</pallas_src>

<mosaic_0001>
#map = affine_map<(d0, d1) -> (0, 0)>
#map1 = affine_map<(d0, d1) -> (0, 0, 0)>
module attributes {stable_mosaic.version = 14 : i64} {
  func.func @k(%arg0: i32, %arg1: i32, %arg2: memref<5120x2048xf32, #tpu.memory_space<hbm>>, %arg3: memref<32x4x16xi32, #tpu.memory_space<hbm>>, %arg4: memref<32x4x16xi32, #tpu.memory_space<hbm>>, %arg5: memref<2048x2048xf32, #tpu.memory_space<hbm>>, %arg6: memref<2048x2048xf32, #tpu.memory_space<hbm>>, %arg7: memref<16x2048xf32, #tpu.memory_space<vmem>>, %arg8: memref<16x2048xf32, #tpu.memory_space<vmem>>, %arg9: memref<4x16xi32, #tpu.memory_space<vmem>>, %arg10: memref<4x16xi32, #tpu.memory_space<vmem>>, %arg11: memref<!tpu.dma_semaphore, #tpu.memory_space<semaphore_mem>>, %arg12: memref<!tpu.dma_semaphore, #tpu.memory_space<semaphore_mem>>) attributes {dimension_semantics = [#tpu.dimension_semantics<core_parallel>, #tpu.dimension_semantics<subcore_parallel>], iteration_bounds = array<i64: 2, 16>, scalar_prefetch = 0 : i64, scratch_operands = 6 : i64, tpu.core_type = #tpu.core_type<sc_vector_subcore>, window_params = [{transform_indices = #map}, {transform_indices = #map1}, {transform_indices = #map1}, {transform_indices = #map}, {transform_indices = #map}]} {
    %mul3A = arith.constant 2 : i32
    %mul3A_0 = arith.muli %arg1, %mul3A : i32
    %add3A = arith.addi %mul3A_0, %arg0 : i32
    %mul3A_1 = arith.constant 64 : i32
    %mul3A_2 = arith.muli %add3A, %mul3A_1 : i32
    "tpu.region"() ({
      %run_scoped3A = tpu.sem_alloc : memref<!tpu.dma_semaphore, #tpu.memory_space<semaphore_mem>>
      %dma_start3A_121 = arith.constant 0 : i32
      %dma_start3A_122 = arith.constant 0 : i32
      %dma_start3A_123 = tpu.memref_slice %arg3[%add3A, %dma_start3A_121, %dma_start3A_122] : memref<32x4x16xi32, #tpu.memory_space<hbm>> -> memref<1x4x16xi32, #tpu.memory_space<hbm>>
      %dma_start3A_124 = tpu.memref_squeeze %dma_start3A_123 : memref<1x4x16xi32, #tpu.memory_space<hbm>> -> memref<4x16xi32, #tpu.memory_space<hbm>>
      %dma_start3A_125 = arith.constant 0 : i32
      %dma_start3A_126 = arith.constant 0 : i32
      %dma_start3A_127 = tpu.memref_slice %arg3[%add3A, %dma_start3A_125, %dma_start3A_126] : memref<32x4x16xi32, #tpu.memory_space<hbm>> -> memref<1x4x16xi32, #tpu.memory_space<hbm>>
      %dma_start3A_128 = tpu.memref_squeeze %dma_start3A_127 : memref<1x4x16xi32, #tpu.memory_space<hbm>> -> memref<4x16xi32, #tpu.memory_space<hbm>>
      tpu.enqueue_dma source(%dma_start3A_128 : memref<4x16xi32, #tpu.memory_space<hbm>>) target(%arg9 : memref<4x16xi32, #tpu.memory_space<vmem>>) target_semaphore(%run_scoped3A : memref<!tpu.dma_semaphore, #tpu.memory_space<semaphore_mem>>)
      %dma_wait3A_129 = arith.constant 0 : i32
      %dma_wait3A_130 = arith.constant 0 : i32
      %dma_wait3A_131 = tpu.memref_slice %arg3[%add3A, %dma_wait3A_129, %dma_wait3A_130] : memref<32x4x16xi32, #tpu.memory_space<hbm>> -> memref<1x4x16xi32, #tpu.memory_space<hbm>>
      %dma_wait3A_132 = tpu.memref_squeeze %dma_wait3A_131 : memref<1x4x16xi32, #tpu.memory_space<hbm>> -> memref<4x16xi32, #tpu.memory_space<hbm>>
      %dma_wait3A_133 = arith.constant 0 : i32
      %dma_wait3A_134 = arith.constant 0 : i32
      %dma_wait3A_135 = tpu.memref_slice %arg3[%add3A, %dma_wait3A_133, %dma_wait3A_134] : memref<32x4x16xi32, #tpu.memory_space<hbm>> -> memref<1x4x16xi32, #tpu.memory_space<hbm>>
      %dma_wait3A_136 = tpu.memref_squeeze %dma_wait3A_135 : memref<1x4x16xi32, #tpu.memory_space<hbm>> -> memref<4x16xi32, #tpu.memory_space<hbm>>
      tpu.wait_dma2 semaphore(%run_scoped3A : memref<!tpu.dma_semaphore, #tpu.memory_space<semaphore_mem>>) src(%dma_wait3A_136 : memref<4x16xi32, #tpu.memory_space<hbm>>) dst(%arg9 : memref<4x16xi32, #tpu.memory_space<vmem>>)
      tpu.yield
    }) : () -> ()
    "tpu.region"() ({
      %run_scoped3A = tpu.sem_alloc : memref<!tpu.dma_semaphore, #tpu.memory_space<semaphore_mem>>
      %dma_start3A_121 = arith.constant 0 : i32
      %dma_start3A_122 = arith.constant 0 : i32
      %dma_start3A_123 = tpu.memref_slice %arg4[%add3A, %dma_start3A_121, %dma_start3A_122] : memref<32x4x16xi32, #tpu.memory_space<hbm>> -> memref<1x4x16xi32, #tpu.memory_space<hbm>>
      %dma_start3A_124 = tpu.memref_squeeze %dma_start3A_123 : memref<1x4x16xi32, #tpu.memory_space<hbm>> -> memref<4x16xi32, #tpu.memory_space<hbm>>
      %dma_start3A_125 = arith.constant 0 : i32
      %dma_start3A_126 = arith.constant 0 : i32
      %dma_start3A_127 = tpu.memref_slice %arg4[%add3A, %dma_start3A_125, %dma_start3A_126] : memref<32x4x16xi32, #tpu.memory_space<hbm>> -> memref<1x4x16xi32, #tpu.memory_space<hbm>>
      %dma_start3A_128 = tpu.memref_squeeze %dma_start3A_127 : memref<1x4x16xi32, #tpu.memory_space<hbm>> -> memref<4x16xi32, #tpu.memory_space<hbm>>
      tpu.enqueue_dma source(%dma_start3A_128 : memref<4x16xi32, #tpu.memory_space<hbm>>) target(%arg10 : memref<4x16xi32, #tpu.memory_space<vmem>>) target_semaphore(%run_scoped3A : memref<!tpu.dma_semaphore, #tpu.memory_space<semaphore_mem>>)
      %dma_wait3A_129 = arith.constant 0 : i32
      %dma_wait3A_130 = arith.constant 0 : i32
      %dma_wait3A_131 = tpu.memref_slice %arg4[%add3A, %dma_wait3A_129, %dma_wait3A_130] : memref<32x4x16xi32, #tpu.memory_space<hbm>> -> memref<1x4x16xi32, #tpu.memory_space<hbm>>
      %dma_wait3A_132 = tpu.memref_squeeze %dma_wait3A_131 : memref<1x4x16xi32, #tpu.memory_space<hbm>> -> memref<4x16xi32, #tpu.memory_space<hbm>>
      %dma_wait3A_133 = arith.constant 0 : i32
      %dma_wait3A_134 = arith.constant 0 : i32
      %dma_wait3A_135 = tpu.memref_slice %arg4[%add3A, %dma_wait3A_133, %dma_wait3A_134] : memref<32x4x16xi32, #tpu.memory_space<hbm>> -> memref<1x4x16xi32, #tpu.memory_space<hbm>>
      %dma_wait3A_136 = tpu.memref_squeeze %dma_wait3A_135 : memref<1x4x16xi32, #tpu.memory_space<hbm>> -> memref<4x16xi32, #tpu.memory_space<hbm>>
      tpu.wait_dma2 semaphore(%run_scoped3A : memref<!tpu.dma_semaphore, #tpu.memory_space<semaphore_mem>>) src(%dma_wait3A_136 : memref<4x16xi32, #tpu.memory_space<hbm>>) dst(%arg10 : memref<4x16xi32, #tpu.memory_space<vmem>>)
      tpu.yield
    }) : () -> ()
    %dma_start3A = arith.constant 0 : i32
    %dma_start3A_3 = arith.constant 0 : i32
    %dma_start3A_4 = tpu.memref_slice %arg9[%dma_start3A, %dma_start3A_3] : memref<4x16xi32, #tpu.memory_space<vmem>> -> memref<1x16xi32, #tpu.memory_space<vmem>>
    %dma_start3A_5 = tpu.memref_squeeze %dma_start3A_4 : memref<1x16xi32, #tpu.memory_space<vmem>> -> memref<16xi32, #tpu.memory_space<vmem>>
    %dma_start3A_6 = arith.constant 0 : i32
    %dma_start3A_7 = arith.constant 0 : i32
    %dma_start3A_8 = tpu.memref_slice %arg2[%dma_start3A_6, %dma_start3A_7] : memref<5120x2048xf32, #tpu.memory_space<hbm>> -> memref<5120x2048xf32, #tpu.memory_space<hbm>>
    tpu.enqueue_indirect_dma source(%dma_start3A_8 : memref<5120x2048xf32, #tpu.memory_space<hbm>>) target(%arg7 : memref<16x2048xf32, #tpu.memory_space<vmem>>) offsets(%dma_start3A_5 : memref<16xi32, #tpu.memory_space<vmem>>) semaphore(%arg11 : memref<!tpu.dma_semaphore, #tpu.memory_space<semaphore_mem>>)
    %dma_start3A_9 = arith.constant 0 : i32
    %dma_start3A_10 = arith.constant 0 : i32
    %dma_start3A_11 = tpu.memref_slice %arg10[%dma_start3A_9, %dma_start3A_10] : memref<4x16xi32, #tpu.memory_space<vmem>> -> memref<1x16xi32, #tpu.memory_space<vmem>>
    %dma_start3A_12 = tpu.memref_squeeze %dma_start3A_11 : memref<1x16xi32, #tpu.memory_space<vmem>> -> memref<16xi32, #tpu.memory_space<vmem>>
    %dma_start3A_13 = arith.constant 0 : i32
    %dma_start3A_14 = arith.constant 0 : i32
    %dma_start3A_15 = tpu.memref_slice %arg2[%dma_start3A_13, %dma_start3A_14] : memref<5120x2048xf32, #tpu.memory_space<hbm>> -> memref<5120x2048xf32, #tpu.memory_space<hbm>>
    tpu.enqueue_indirect_dma source(%dma_start3A_15 : memref<5120x2048xf32, #tpu.memory_space<hbm>>) target(%arg8 : memref<16x2048xf32, #tpu.memory_space<vmem>>) offsets(%dma_start3A_12 : memref<16xi32, #tpu.memory_space<vmem>>) semaphore(%arg12 : memref<!tpu.dma_semaphore, #tpu.memory_space<semaphore_mem>>)
    %dma_wait3A = arith.constant 0 : i32
    %dma_wait3A_16 = arith.constant 0 : i32
    %dma_wait3A_17 = tpu.memref_slice %arg9[%dma_wait3A, %dma_wait3A_16] : memref<4x16xi32, #tpu.memory_space<vmem>> -> memref<1x16xi32, #tpu.memory_space<vmem>>
    %dma_wait3A_18 = tpu.memref_squeeze %dma_wait3A_17 : memref<1x16xi32, #tpu.memory_space<vmem>> -> memref<16xi32, #tpu.memory_space<vmem>>
    %dma_wait3A_19 = arith.constant 0 : i32
    %dma_wait3A_20 = arith.constant 0 : i32
    %dma_wait3A_21 = tpu.memref_slice %arg2[%dma_wait3A_19, %dma_wait3A_20] : memref<5120x2048xf32, #tpu.memory_space<hbm>> -> memref<5120x2048xf32, #tpu.memory_space<hbm>>
    tpu.wait_indirect_dma semaphore(%arg11 : memref<!tpu.dma_semaphore, #tpu.memory_space<semaphore_mem>>) src(%dma_wait3A_21 : memref<5120x2048xf32, #tpu.memory_space<hbm>>) dst(%arg7 : memref<16x2048xf32, #tpu.memory_space<vmem>>)
    %dma_wait3A_22 = arith.constant 0 : i32
    %dma_wait3A_23 = arith.constant 0 : i32
    %dma_wait3A_24 = tpu.memref_slice %arg10[%dma_wait3A_22, %dma_wait3A_23] : memref<4x16xi32, #tpu.memory_space<vmem>> -> memref<1x16xi32, #tpu.memory_space<vmem>>
    %dma_wait3A_25 = tpu.memref_squeeze %dma_wait3A_24 : memref<1x16xi32, #tpu.memory_space<vmem>> -> memref<16xi32, #tpu.memory_space<vmem>>
    %dma_wait3A_26 = arith.constant 0 : i32
    %dma_wait3A_27 = arith.constant 0 : i32
    %dma_wait3A_28 = tpu.memref_slice %arg2[%dma_wait3A_26, %dma_wait3A_27] : memref<5120x2048xf32, #tpu.memory_space<hbm>> -> memref<5120x2048xf32, #tpu.memory_space<hbm>>
    tpu.wait_indirect_dma semaphore(%arg12 : memref<!tpu.dma_semaphore, #tpu.memory_space<semaphore_mem>>) src(%dma_wait3A_28 : memref<5120x2048xf32, #tpu.memory_space<hbm>>) dst(%arg8 : memref<16x2048xf32, #tpu.memory_space<vmem>>)
    %add3A_29 = arith.constant 0 : i32
    %add3A_30 = arith.addi %mul3A_2, %add3A_29 : i32
    "tpu.region"() ({
      %run_scoped3A = tpu.sem_alloc : memref<!tpu.dma_semaphore, #tpu.memory_space<semaphore_mem>>
      %dma_start3A_121 = arith.constant 0 : i32
      %dma_start3A_122 = tpu.memref_slice %arg5[%add3A_30, %dma_start3A_121] : memref<2048x2048xf32, #tpu.memory_space<hbm>> -> memref<16x2048xf32, #tpu.memory_space<hbm>>
      %dma_start3A_123 = arith.constant 0 : i32
      %dma_start3A_124 = tpu.memref_slice %arg5[%add3A_30, %dma_start3A_123] : memref<2048x2048xf32, #tpu.memory_space<hbm>> -> memref<16x2048xf32, #tpu.memory_space<hbm>>
      tpu.enqueue_dma source(%arg7 : memref<16x2048xf32, #tpu.memory_space<vmem>>) target(%dma_start3A_124 : memref<16x2048xf32, #tpu.memory_space<hbm>>) target_semaphore(%run_scoped3A : memref<!tpu.dma_semaphore, #tpu.memory_space<semaphore_mem>>)
      %dma_wait3A_125 = arith.constant 0 : i32
      %dma_wait3A_126 = tpu.memref_slice %arg5[%add3A_30, %dma_wait3A_125] : memref<2048x2048xf32, #tpu.memory_space<hbm>> -> memref<16x2048xf32, #tpu.memory_space<hbm>>
      %dma_wait3A_127 = arith.constant 0 : i32
      %dma_wait3A_128 = tpu.memref_slice %arg5[%add3A_30, %dma_wait3A_127] : memref<2048x2048xf32, #tpu.memory_space<hbm>> -> memref<16x2048xf32, #tpu.memory_space<hbm>>
      tpu.wait_dma2 semaphore(%run_scoped3A : memref<!tpu.dma_semaphore, #tpu.memory_space<semaphore_mem>>) src(%arg7 : memref<16x2048xf32, #tpu.memory_space<vmem>>) dst(%dma_wait3A_128 : memref<16x2048xf32, #tpu.memory_space<hbm>>)
      tpu.yield
    }) : () -> ()
    "tpu.region"() ({
      %run_scoped3A = tpu.sem_alloc : memref<!tpu.dma_semaphore, #tpu.memory_space<semaphore_mem>>
      %dma_start3A_121 = arith.constant 0 : i32
      %dma_start3A_122 = tpu.memref_slice %arg6[%add3A_30, %dma_start3A_121] : memref<2048x2048xf32, #tpu.memory_space<hbm>> -> memref<16x2048xf32, #tpu.memory_space<hbm>>
      %dma_start3A_123 = arith.constant 0 : i32
      %dma_start3A_124 = tpu.memref_slice %arg6[%add3A_30, %dma_start3A_123] : memref<2048x2048xf32, #tpu.memory_space<hbm>> -> memref<16x2048xf32, #tpu.memory_space<hbm>>
      tpu.enqueue_dma source(%arg8 : memref<16x2048xf32, #tpu.memory_space<vmem>>) target(%dma_start3A_124 : memref<16x2048xf32, #tpu.memory_space<hbm>>) target_semaphore(%run_scoped3A : memref<!tpu.dma_semaphore, #tpu.memory_space<semaphore_mem>>)
      %dma_wait3A_125 = arith.constant 0 : i32
      %dma_wait3A_126 = tpu.memref_slice %arg6[%add3A_30, %dma_wait3A_125] : memref<2048x2048xf32, #tpu.memory_space<hbm>> -> memref<16x2048xf32, #tpu.memory_space<hbm>>
      %dma_wait3A_127 = arith.constant 0 : i32
      %dma_wait3A_128 = tpu.memref_slice %arg6[%add3A_30, %dma_wait3A_127] : memref<2048x2048xf32, #tpu.memory_space<hbm>> -> memref<16x2048xf32, #tpu.memory_space<hbm>>
      tpu.wait_dma2 semaphore(%run_scoped3A : memref<!tpu.dma_semaphore, #tpu.memory_space<semaphore_mem>>) src(%arg8 : memref<16x2048xf32, #tpu.memory_space<vmem>>) dst(%dma_wait3A_128 : memref<16x2048xf32, #tpu.memory_space<hbm>>)
      tpu.yield
    }) : () -> ()
    %dma_start3A_31 = arith.constant 1 : i32
    %dma_start3A_32 = arith.constant 0 : i32
    %dma_start3A_33 = tpu.memref_slice %arg9[%dma_start3A_31, %dma_start3A_32] : memref<4x16xi32, #tpu.memory_space<vmem>> -> memref<1x16xi32, #tpu.memory_space<vmem>>
    %dma_start3A_34 = tpu.memref_squeeze %dma_start3A_33 : memref<1x16xi32, #tpu.memory_space<vmem>> -> memref<16xi32, #tpu.memory_space<vmem>>
    %dma_start3A_35 = arith.constant 0 : i32
    %dma_start3A_36 = arith.constant 0 : i32
    %dma_start3A_37 = tpu.memref_slice %arg2[%dma_start3A_35, %dma_start3A_36] : memref<5120x2048xf32, #tpu.memory_space<hbm>> -> memref<5120x2048xf32, #tpu.memory_space<hbm>>
    tpu.enqueue_indirect_dma source(%dma_start3A_37 : memref<5120x2048xf32, #tpu.memory_space<hbm>>) target(%arg7 : memref<16x2048xf32, #tpu.memory_space<vmem>>) offsets(%dma_start3A_34 : memref<16xi32, #tpu.memory_space<vmem>>) semaphore(%arg11 : memref<!tpu.dma_semaphore, #tpu.memory_space<semaphore_mem>>)
    %dma_start3A_38 = arith.constant 1 : i32
    %dma_start3A_39 = arith.constant 0 : i32
    %dma_start3A_40 = tpu.memref_slice %arg10[%dma_start3A_38, %dma_start3A_39] : memref<4x16xi32, #tpu.memory_space<vmem>> -> memref<1x16xi32, #tpu.memory_space<vmem>>
    %dma_start3A_41 = tpu.memref_squeeze %dma_start3A_40 : memref<1x16xi32, #tpu.memory_space<vmem>> -> memref<16xi32, #tpu.memory_space<vmem>>
    %dma_start3A_42 = arith.constant 0 : i32
    %dma_start3A_43 = arith.constant 0 : i32
    %dma_start3A_44 = tpu.memref_slice %arg2[%dma_start3A_42, %dma_start3A_43] : memref<5120x2048xf32, #tpu.memory_space<hbm>> -> memref<5120x2048xf32, #tpu.memory_space<hbm>>
    tpu.enqueue_indirect_dma source(%dma_start3A_44 : memref<5120x2048xf32, #tpu.memory_space<hbm>>) target(%arg8 : memref<16x2048xf32, #tpu.memory_space<vmem>>) offsets(%dma_start3A_41 : memref<16xi32, #tpu.memory_space<vmem>>) semaphore(%arg12 : memref<!tpu.dma_semaphore, #tpu.memory_space<semaphore_mem>>)
    %dma_wait3A_45 = arith.constant 1 : i32
    %dma_wait3A_46 = arith.constant 0 : i32
    %dma_wait3A_47 = tpu.memref_slice %arg9[%dma_wait3A_45, %dma_wait3A_46] : memref<4x16xi32, #tpu.memory_space<vmem>> -> memref<1x16xi32, #tpu.memory_space<vmem>>
    %dma_wait3A_48 = tpu.memref_squeeze %dma_wait3A_47 : memref<1x16xi32, #tpu.memory_space<vmem>> -> memref<16xi32, #tpu.memory_space<vmem>>
    %dma_wait3A_49 = arith.constant 0 : i32
    %dma_wait3A_50 = arith.constant 0 : i32
    %dma_wait3A_51 = tpu.memref_slice %arg2[%dma_wait3A_49, %dma_wait3A_50] : memref<5120x2048xf32, #tpu.memory_space<hbm>> -> memref<5120x2048xf32, #tpu.memory_space<hbm>>
    tpu.wait_indirect_dma semaphore(%arg11 : memref<!tpu.dma_semaphore, #tpu.memory_space<semaphore_mem>>) src(%dma_wait3A_51 : memref<5120x2048xf32, #tpu.memory_space<hbm>>) dst(%arg7 : memref<16x2048xf32, #tpu.memory_space<vmem>>)
    %dma_wait3A_52 = arith.constant 1 : i32
    %dma_wait3A_53 = arith.constant 0 : i32
    %dma_wait3A_54 = tpu.memref_slice %arg10[%dma_wait3A_52, %dma_wait3A_53] : memref<4x16xi32, #tpu.memory_space<vmem>> -> memref<1x16xi32, #tpu.memory_space<vmem>>
    %dma_wait3A_55 = tpu.memref_squeeze %dma_wait3A_54 : memref<1x16xi32, #tpu.memory_space<vmem>> -> memref<16xi32, #tpu.memory_space<vmem>>
    %dma_wait3A_56 = arith.constant 0 : i32
    %dma_wait3A_57 = arith.constant 0 : i32
    %dma_wait3A_58 = tpu.memref_slice %arg2[%dma_wait3A_56, %dma_wait3A_57] : memref<5120x2048xf32, #tpu.memory_space<hbm>> -> memref<5120x2048xf32, #tpu.memory_space<hbm>>
    tpu.wait_indirect_dma semaphore(%arg12 : memref<!tpu.dma_semaphore, #tpu.memory_space<semaphore_mem>>) src(%dma_wait3A_58 : memref<5120x2048xf32, #tpu.memory_space<hbm>>) dst(%arg8 : memref<16x2048xf32, #tpu.memory_space<vmem>>)
    %add3A_59 = arith.constant 16 : i32
    %add3A_60 = arith.addi %mul3A_2, %add3A_59 : i32
    "tpu.region"() ({
      %run_scoped3A = tpu.sem_alloc : memref<!tpu.dma_semaphore, #tpu.memory_space<semaphore_mem>>
      %dma_start3A_121 = arith.constant 0 : i32
      %dma_start3A_122 = tpu.memref_slice %arg5[%add3A_60, %dma_start3A_121] : memref<2048x2048xf32, #tpu.memory_space<hbm>> -> memref<16x2048xf32, #tpu.memory_space<hbm>>
      %dma_start3A_123 = arith.constant 0 : i32
      %dma_start3A_124 = tpu.memref_slice %arg5[%add3A_60, %dma_start3A_123] : memref<2048x2048xf32, #tpu.memory_space<hbm>> -> memref<16x2048xf32, #tpu.memory_space<hbm>>
      tpu.enqueue_dma source(%arg7 : memref<16x2048xf32, #tpu.memory_space<vmem>>) target(%dma_start3A_124 : memref<16x2048xf32, #tpu.memory_space<hbm>>) target_semaphore(%run_scoped3A : memref<!tpu.dma_semaphore, #tpu.memory_space<semaphore_mem>>)
      %dma_wait3A_125 = arith.constant 0 : i32
      %dma_wait3A_126 = tpu.memref_slice %arg5[%add3A_60, %dma_wait3A_125] : memref<2048x2048xf32, #tpu.memory_space<hbm>> -> memref<16x2048xf32, #tpu.memory_space<hbm>>
      %dma_wait3A_127 = arith.constant 0 : i32
      %dma_wait3A_128 = tpu.memref_slice %arg5[%add3A_60, %dma_wait3A_127] : memref<2048x2048xf32, #tpu.memory_space<hbm>> -> memref<16x2048xf32, #tpu.memory_space<hbm>>
      tpu.wait_dma2 semaphore(%run_scoped3A : memref<!tpu.dma_semaphore, #tpu.memory_space<semaphore_mem>>) src(%arg7 : memref<16x2048xf32, #tpu.memory_space<vmem>>) dst(%dma_wait3A_128 : memref<16x2048xf32, #tpu.memory_space<hbm>>)
      tpu.yield
    }) : () -> ()
    "tpu.region"() ({
      %run_scoped3A = tpu.sem_alloc : memref<!tpu.dma_semaphore, #tpu.memory_space<semaphore_mem>>
      %dma_start3A_121 = arith.constant 0 : i32
      %dma_start3A_122 = tpu.memref_slice %arg6[%add3A_60, %dma_start3A_121] : memref<2048x2048xf32, #tpu.memory_space<hbm>> -> memref<16x2048xf32, #tpu.memory_space<hbm>>
      %dma_start3A_123 = arith.constant 0 : i32
      %dma_start3A_124 = tpu.memref_slice %arg6[%add3A_60, %dma_start3A_123] : memref<2048x2048xf32, #tpu.memory_space<hbm>> -> memref<16x2048xf32, #tpu.memory_space<hbm>>
      tpu.enqueue_dma source(%arg8 : memref<16x2048xf32, #tpu.memory_space<vmem>>) target(%dma_start3A_124 : memref<16x2048xf32, #tpu.memory_space<hbm>>) target_semaphore(%run_scoped3A : memref<!tpu.dma_semaphore, #tpu.memory_space<semaphore_mem>>)
      %dma_wait3A_125 = arith.constant 0 : i32
      %dma_wait3A_126 = tpu.memref_slice %arg6[%add3A_60, %dma_wait3A_125] : memref<2048x2048xf32, #tpu.memory_space<hbm>> -> memref<16x2048xf32, #tpu.memory_space<hbm>>
      %dma_wait3A_127 = arith.constant 0 : i32
      %dma_wait3A_128 = tpu.memref_slice %arg6[%add3A_60, %dma_wait3A_127] : memref<2048x2048xf32, #tpu.memory_space<hbm>> -> memref<16x2048xf32, #tpu.memory_space<hbm>>
      tpu.wait_dma2 semaphore(%run_scoped3A : memref<!tpu.dma_semaphore, #tpu.memory_space<semaphore_mem>>) src(%arg8 : memref<16x2048xf32, #tpu.memory_space<vmem>>) dst(%dma_wait3A_128 : memref<16x2048xf32, #tpu.memory_space<hbm>>)
      tpu.yield
    }) : () -> ()
    %dma_start3A_61 = arith.constant 2 : i32
    %dma_start3A_62 = arith.constant 0 : i32
    %dma_start3A_63 = tpu.memref_slice %arg9[%dma_start3A_61, %dma_start3A_62] : memref<4x16xi32, #tpu.memory_space<vmem>> -> memref<1x16xi32, #tpu.memory_space<vmem>>
    %dma_start3A_64 = tpu.memref_squeeze %dma_start3A_63 : memref<1x16xi32, #tpu.memory_space<vmem>> -> memref<16xi32, #tpu.memory_space<vmem>>
    %dma_start3A_65 = arith.constant 0 : i32
    %dma_start3A_66 = arith.constant 0 : i32
    %dma_start3A_67 = tpu.memref_slice %arg2[%dma_start3A_65, %dma_start3A_66] : memref<5120x2048xf32, #tpu.memory_space<hbm>> -> memref<5120x2048xf32, #tpu.memory_space<hbm>>
    tpu.enqueue_indirect_dma source(%dma_start3A_67 : memref<5120x2048xf32, #tpu.memory_space<hbm>>) target(%arg7 : memref<16x2048xf32, #tpu.memory_space<vmem>>) offsets(%dma_start3A_64 : memref<16xi32, #tpu.memory_space<vmem>>) semaphore(%arg11 : memref<!tpu.dma_semaphore, #tpu.memory_space<semaphore_mem>>)
    %dma_start3A_68 = arith.constant 2 : i32
    %dma_start3A_69 = arith.constant 0 : i32
    %dma_start3A_70 = tpu.memref_slice %arg10[%dma_start3A_68, %dma_start3A_69] : memref<4x16xi32, #tpu.memory_space<vmem>> -> memref<1x16xi32, #tpu.memory_space<vmem>>
    %dma_start3A_71 = tpu.memref_squeeze %dma_start3A_70 : memref<1x16xi32, #tpu.memory_space<vmem>> -> memref<16xi32, #tpu.memory_space<vmem>>
    %dma_start3A_72 = arith.constant 0 : i32
    %dma_start3A_73 = arith.constant 0 : i32
    %dma_start3A_74 = tpu.memref_slice %arg2[%dma_start3A_72, %dma_start3A_73] : memref<5120x2048xf32, #tpu.memory_space<hbm>> -> memref<5120x2048xf32, #tpu.memory_space<hbm>>
    tpu.enqueue_indirect_dma source(%dma_start3A_74 : memref<5120x2048xf32, #tpu.memory_space<hbm>>) target(%arg8 : memref<16x2048xf32, #tpu.memory_space<vmem>>) offsets(%dma_start3A_71 : memref<16xi32, #tpu.memory_space<vmem>>) semaphore(%arg12 : memref<!tpu.dma_semaphore, #tpu.memory_space<semaphore_mem>>)
    %dma_wait3A_75 = arith.constant 2 : i32
    %dma_wait3A_76 = arith.constant 0 : i32
    %dma_wait3A_77 = tpu.memref_slice %arg9[%dma_wait3A_75, %dma_wait3A_76] : memref<4x16xi32, #tpu.memory_space<vmem>> -> memref<1x16xi32, #tpu.memory_space<vmem>>
    %dma_wait3A_78 = tpu.memref_squeeze %dma_wait3A_77 : memref<1x16xi32, #tpu.memory_space<vmem>> -> memref<16xi32, #tpu.memory_space<vmem>>
    %dma_wait3A_79 = arith.constant 0 : i32
    %dma_wait3A_80 = arith.constant 0 : i32
    %dma_wait3A_81 = tpu.memref_slice %arg2[%dma_wait3A_79, %dma_wait3A_80] : memref<5120x2048xf32, #tpu.memory_space<hbm>> -> memref<5120x2048xf32, #tpu.memory_space<hbm>>
    tpu.wait_indirect_dma semaphore(%arg11 : memref<!tpu.dma_semaphore, #tpu.memory_space<semaphore_mem>>) src(%dma_wait3A_81 : memref<5120x2048xf32, #tpu.memory_space<hbm>>) dst(%arg7 : memref<16x2048xf32, #tpu.memory_space<vmem>>)
    %dma_wait3A_82 = arith.constant 2 : i32
    %dma_wait3A_83 = arith.constant 0 : i32
    %dma_wait3A_84 = tpu.memref_slice %arg10[%dma_wait3A_82, %dma_wait3A_83] : memref<4x16xi32, #tpu.memory_space<vmem>> -> memref<1x16xi32, #tpu.memory_space<vmem>>
    %dma_wait3A_85 = tpu.memref_squeeze %dma_wait3A_84 : memref<1x16xi32, #tpu.memory_space<vmem>> -> memref<16xi32, #tpu.memory_space<vmem>>
    %dma_wait3A_86 = arith.constant 0 : i32
    %dma_wait3A_87 = arith.constant 0 : i32
    %dma_wait3A_88 = tpu.memref_slice %arg2[%dma_wait3A_86, %dma_wait3A_87] : memref<5120x2048xf32, #tpu.memory_space<hbm>> -> memref<5120x2048xf32, #tpu.memory_space<hbm>>
    tpu.wait_indirect_dma semaphore(%arg12 : memref<!tpu.dma_semaphore, #tpu.memory_space<semaphore_mem>>) src(%dma_wait3A_88 : memref<5120x2048xf32, #tpu.memory_space<hbm>>) dst(%arg8 : memref<16x2048xf32, #tpu.memory_space<vmem>>)
    %add3A_89 = arith.constant 32 : i32
    %add3A_90 = arith.addi %mul3A_2, %add3A_89 : i32
    "tpu.region"() ({
      %run_scoped3A = tpu.sem_alloc : memref<!tpu.dma_semaphore, #tpu.memory_space<semaphore_mem>>
      %dma_start3A_121 = arith.constant 0 : i32
      %dma_start3A_122 = tpu.memref_slice %arg5[%add3A_90, %dma_start3A_121] : memref<2048x2048xf32, #tpu.memory_space<hbm>> -> memref<16x2048xf32, #tpu.memory_space<hbm>>
      %dma_start3A_123 = arith.constant 0 : i32
      %dma_start3A_124 = tpu.memref_slice %arg5[%add3A_90, %dma_start3A_123] : memref<2048x2048xf32, #tpu.memory_space<hbm>> -> memref<16x2048xf32, #tpu.memory_space<hbm>>
      tpu.enqueue_dma source(%arg7 : memref<16x2048xf32, #tpu.memory_space<vmem>>) target(%dma_start3A_124 : memref<16x2048xf32, #tpu.memory_space<hbm>>) target_semaphore(%run_scoped3A : memref<!tpu.dma_semaphore, #tpu.memory_space<semaphore_mem>>)
      %dma_wait3A_125 = arith.constant 0 : i32
      %dma_wait3A_126 = tpu.memref_slice %arg5[%add3A_90, %dma_wait3A_125] : memref<2048x2048xf32, #tpu.memory_space<hbm>> -> memref<16x2048xf32, #tpu.memory_space<hbm>>
      %dma_wait3A_127 = arith.constant 0 : i32
      %dma_wait3A_128 = tpu.memref_slice %arg5[%add3A_90, %dma_wait3A_127] : memref<2048x2048xf32, #tpu.memory_space<hbm>> -> memref<16x2048xf32, #tpu.memory_space<hbm>>
      tpu.wait_dma2 semaphore(%run_scoped3A : memref<!tpu.dma_semaphore, #tpu.memory_space<semaphore_mem>>) src(%arg7 : memref<16x2048xf32, #tpu.memory_space<vmem>>) dst(%dma_wait3A_128 : memref<16x2048xf32, #tpu.memory_space<hbm>>)
      tpu.yield
    }) : () -> ()
    "tpu.region"() ({
      %run_scoped3A = tpu.sem_alloc : memref<!tpu.dma_semaphore, #tpu.memory_space<semaphore_mem>>
      %dma_start3A_121 = arith.constant 0 : i32
      %dma_start3A_122 = tpu.memref_slice %arg6[%add3A_90, %dma_start3A_121] : memref<2048x2048xf32, #tpu.memory_space<hbm>> -> memref<16x2048xf32, #tpu.memory_space<hbm>>
      %dma_start3A_123 = arith.constant 0 : i32
      %dma_start3A_124 = tpu.memref_slice %arg6[%add3A_90, %dma_start3A_123] : memref<2048x2048xf32, #tpu.memory_space<hbm>> -> memref<16x2048xf32, #tpu.memory_space<hbm>>
      tpu.enqueue_dma source(%arg8 : memref<16x2048xf32, #tpu.memory_space<vmem>>) target(%dma_start3A_124 : memref<16x2048xf32, #tpu.memory_space<hbm>>) target_semaphore(%run_scoped3A : memref<!tpu.dma_semaphore, #tpu.memory_space<semaphore_mem>>)
      %dma_wait3A_125 = arith.constant 0 : i32
      %dma_wait3A_126 = tpu.memref_slice %arg6[%add3A_90, %dma_wait3A_125] : memref<2048x2048xf32, #tpu.memory_space<hbm>> -> memref<16x2048xf32, #tpu.memory_space<hbm>>
      %dma_wait3A_127 = arith.constant 0 : i32
      %dma_wait3A_128 = tpu.memref_slice %arg6[%add3A_90, %dma_wait3A_127] : memref<2048x2048xf32, #tpu.memory_space<hbm>> -> memref<16x2048xf32, #tpu.memory_space<hbm>>
      tpu.wait_dma2 semaphore(%run_scoped3A : memref<!tpu.dma_semaphore, #tpu.memory_space<semaphore_mem>>) src(%arg8 : memref<16x2048xf32, #tpu.memory_space<vmem>>) dst(%dma_wait3A_128 : memref<16x2048xf32, #tpu.memory_space<hbm>>)
      tpu.yield
    }) : () -> ()
    %dma_start3A_91 = arith.constant 3 : i32
    %dma_start3A_92 = arith.constant 0 : i32
    %dma_start3A_93 = tpu.memref_slice %arg9[%dma_start3A_91, %dma_start3A_92] : memref<4x16xi32, #tpu.memory_space<vmem>> -> memref<1x16xi32, #tpu.memory_space<vmem>>
    %dma_start3A_94 = tpu.memref_squeeze %dma_start3A_93 : memref<1x16xi32, #tpu.memory_space<vmem>> -> memref<16xi32, #tpu.memory_space<vmem>>
    %dma_start3A_95 = arith.constant 0 : i32
    %dma_start3A_96 = arith.constant 0 : i32
    %dma_start3A_97 = tpu.memref_slice %arg2[%dma_start3A_95, %dma_start3A_96] : memref<5120x2048xf32, #tpu.memory_space<hbm>> -> memref<5120x2048xf32, #tpu.memory_space<hbm>>
    tpu.enqueue_indirect_dma source(%dma_start3A_97 : memref<5120x2048xf32, #tpu.memory_space<hbm>>) target(%arg7 : memref<16x2048xf32, #tpu.memory_space<vmem>>) offsets(%dma_start3A_94 : memref<16xi32, #tpu.memory_space<vmem>>) semaphore(%arg11 : memref<!tpu.dma_semaphore, #tpu.memory_space<semaphore_mem>>)
    %dma_start3A_98 = arith.constant 3 : i32
    %dma_start3A_99 = arith.constant 0 : i32
    %dma_start3A_100 = tpu.memref_slice %arg10[%dma_start3A_98, %dma_start3A_99] : memref<4x16xi32, #tpu.memory_space<vmem>> -> memref<1x16xi32, #tpu.memory_space<vmem>>
    %dma_start3A_101 = tpu.memref_squeeze %dma_start3A_100 : memref<1x16xi32, #tpu.memory_space<vmem>> -> memref<16xi32, #tpu.memory_space<vmem>>
    %dma_start3A_102 = arith.constant 0 : i32
    %dma_start3A_103 = arith.constant 0 : i32
    %dma_start3A_104 = tpu.memref_slice %arg2[%dma_start3A_102, %dma_start3A_103] : memref<5120x2048xf32, #tpu.memory_space<hbm>> -> memref<5120x2048xf32, #tpu.memory_space<hbm>>
    tpu.enqueue_indirect_dma source(%dma_start3A_104 : memref<5120x2048xf32, #tpu.memory_space<hbm>>) target(%arg8 : memref<16x2048xf32, #tpu.memory_space<vmem>>) offsets(%dma_start3A_101 : memref<16xi32, #tpu.memory_space<vmem>>) semaphore(%arg12 : memref<!tpu.dma_semaphore, #tpu.memory_space<semaphore_mem>>)
    %dma_wait3A_105 = arith.constant 3 : i32
    %dma_wait3A_106 = arith.constant 0 : i32
    %dma_wait3A_107 = tpu.memref_slice %arg9[%dma_wait3A_105, %dma_wait3A_106] : memref<4x16xi32, #tpu.memory_space<vmem>> -> memref<1x16xi32, #tpu.memory_space<vmem>>
    %dma_wait3A_108 = tpu.memref_squeeze %dma_wait3A_107 : memref<1x16xi32, #tpu.memory_space<vmem>> -> memref<16xi32, #tpu.memory_space<vmem>>
    %dma_wait3A_109 = arith.constant 0 : i32
    %dma_wait3A_110 = arith.constant 0 : i32
    %dma_wait3A_111 = tpu.memref_slice %arg2[%dma_wait3A_109, %dma_wait3A_110] : memref<5120x2048xf32, #tpu.memory_space<hbm>> -> memref<5120x2048xf32, #tpu.memory_space<hbm>>
    tpu.wait_indirect_dma semaphore(%arg11 : memref<!tpu.dma_semaphore, #tpu.memory_space<semaphore_mem>>) src(%dma_wait3A_111 : memref<5120x2048xf32, #tpu.memory_space<hbm>>) dst(%arg7 : memref<16x2048xf32, #tpu.memory_space<vmem>>)
    %dma_wait3A_112 = arith.constant 3 : i32
    %dma_wait3A_113 = arith.constant 0 : i32
    %dma_wait3A_114 = tpu.memref_slice %arg10[%dma_wait3A_112, %dma_wait3A_113] : memref<4x16xi32, #tpu.memory_space<vmem>> -> memref<1x16xi32, #tpu.memory_space<vmem>>
    %dma_wait3A_115 = tpu.memref_squeeze %dma_wait3A_114 : memref<1x16xi32, #tpu.memory_space<vmem>> -> memref<16xi32, #tpu.memory_space<vmem>>
    %dma_wait3A_116 = arith.constant 0 : i32
    %dma_wait3A_117 = arith.constant 0 : i32
    %dma_wait3A_118 = tpu.memref_slice %arg2[%dma_wait3A_116, %dma_wait3A_117] : memref<5120x2048xf32, #tpu.memory_space<hbm>> -> memref<5120x2048xf32, #tpu.memory_space<hbm>>
    tpu.wait_indirect_dma semaphore(%arg12 : memref<!tpu.dma_semaphore, #tpu.memory_space<semaphore_mem>>) src(%dma_wait3A_118 : memref<5120x2048xf32, #tpu.memory_space<hbm>>) dst(%arg8 : memref<16x2048xf32, #tpu.memory_space<vmem>>)
    %add3A_119 = arith.constant 48 : i32
    %add3A_120 = arith.addi %mul3A_2, %add3A_119 : i32
    "tpu.region"() ({
      %run_scoped3A = tpu.sem_alloc : memref<!tpu.dma_semaphore, #tpu.memory_space<semaphore_mem>>
      %dma_start3A_121 = arith.constant 0 : i32
      %dma_start3A_122 = tpu.memref_slice %arg5[%add3A_120, %dma_start3A_121] : memref<2048x2048xf32, #tpu.memory_space<hbm>> -> memref<16x2048xf32, #tpu.memory_space<hbm>>
      %dma_start3A_123 = arith.constant 0 : i32
      %dma_start3A_124 = tpu.memref_slice %arg5[%add3A_120, %dma_start3A_123] : memref<2048x2048xf32, #tpu.memory_space<hbm>> -> memref<16x2048xf32, #tpu.memory_space<hbm>>
      tpu.enqueue_dma source(%arg7 : memref<16x2048xf32, #tpu.memory_space<vmem>>) target(%dma_start3A_124 : memref<16x2048xf32, #tpu.memory_space<hbm>>) target_semaphore(%run_scoped3A : memref<!tpu.dma_semaphore, #tpu.memory_space<semaphore_mem>>)
      %dma_wait3A_125 = arith.constant 0 : i32
      %dma_wait3A_126 = tpu.memref_slice %arg5[%add3A_120, %dma_wait3A_125] : memref<2048x2048xf32, #tpu.memory_space<hbm>> -> memref<16x2048xf32, #tpu.memory_space<hbm>>
      %dma_wait3A_127 = arith.constant 0 : i32
      %dma_wait3A_128 = tpu.memref_slice %arg5[%add3A_120, %dma_wait3A_127] : memref<2048x2048xf32, #tpu.memory_space<hbm>> -> memref<16x2048xf32, #tpu.memory_space<hbm>>
      tpu.wait_dma2 semaphore(%run_scoped3A : memref<!tpu.dma_semaphore, #tpu.memory_space<semaphore_mem>>) src(%arg7 : memref<16x2048xf32, #tpu.memory_space<vmem>>) dst(%dma_wait3A_128 : memref<16x2048xf32, #tpu.memory_space<hbm>>)
      tpu.yield
    }) : () -> ()
    "tpu.region"() ({
      %run_scoped3A = tpu.sem_alloc : memref<!tpu.dma_semaphore, #tpu.memory_space<semaphore_mem>>
      %dma_start3A_121 = arith.constant 0 : i32
      %dma_start3A_122 = tpu.memref_slice %arg6[%add3A_120, %dma_start3A_121] : memref<2048x2048xf32, #tpu.memory_space<hbm>> -> memref<16x2048xf32, #tpu.memory_space<hbm>>
      %dma_start3A_123 = arith.constant 0 : i32
      %dma_start3A_124 = tpu.memref_slice %arg6[%add3A_120, %dma_start3A_123] : memref<2048x2048xf32, #tpu.memory_space<hbm>> -> memref<16x2048xf32, #tpu.memory_space<hbm>>
      tpu.enqueue_dma source(%arg8 : memref<16x2048xf32, #tpu.memory_space<vmem>>) target(%dma_start3A_124 : memref<16x2048xf32, #tpu.memory_space<hbm>>) target_semaphore(%run_scoped3A : memref<!tpu.dma_semaphore, #tpu.memory_space<semaphore_mem>>)
      %dma_wait3A_125 = arith.constant 0 : i32
      %dma_wait3A_126 = tpu.memref_slice %arg6[%add3A_120, %dma_wait3A_125] : memref<2048x2048xf32, #tpu.memory_space<hbm>> -> memref<16x2048xf32, #tpu.memory_space<hbm>>
      %dma_wait3A_127 = arith.constant 0 : i32
      %dma_wait3A_128 = tpu.memref_slice %arg6[%add3A_120, %dma_wait3A_127] : memref<2048x2048xf32, #tpu.memory_space<hbm>> -> memref<16x2048xf32, #tpu.memory_space<hbm>>
      tpu.wait_dma2 semaphore(%run_scoped3A : memref<!tpu.dma_semaphore, #tpu.memory_space<semaphore_mem>>) src(%arg8 : memref<16x2048xf32, #tpu.memory_space<vmem>>) dst(%dma_wait3A_128 : memref<16x2048xf32, #tpu.memory_space<hbm>>)
      tpu.yield
    }) : () -> ()
    return
  }
}

#map = affine_map<(d0, d1) -> (0, 0)>
#map1 = affine_map<(d0, d1) -> (0, 0, 0)>
module attributes {stable_mosaic.version = 14 : i64} {
  func.func @k(%arg0: i32, %arg1: i32, %arg2: memref<2048x2048xf32, #tpu.memory_space<hbm>>, %arg3: memref<32x2x32xi32, #tpu.memory_space<hbm>>, %arg4: memref<32x2x32xi32, #tpu.memory_space<hbm>>, %arg5: memref<5120x2048xf32, #tpu.memory_space<hbm>>, %arg6: memref<32x2048xf32, #tpu.memory_space<vmem>>, %arg7: memref<2x32xi32, #tpu.memory_space<vmem>>, %arg8: memref<2x32xi32, #tpu.memory_space<vmem>>, %arg9: memref<!tpu.dma_semaphore, #tpu.memory_space<semaphore_mem>>, %arg10: memref<!tpu.dma_semaphore, #tpu.memory_space<semaphore_mem>>) attributes {dimension_semantics = [#tpu.dimension_semantics<core_parallel>, #tpu.dimension_semantics<subcore_parallel>], iteration_bounds = array<i64: 2, 16>, scalar_prefetch = 0 : i64, scratch_operands = 5 : i64, tpu.core_type = #tpu.core_type<sc_vector_subcore>, window_params = [{transform_indices = #map}, {transform_indices = #map1}, {transform_indices = #map1}, {transform_indices = #map}]} {
    %mul3A = arith.constant 2 : i32
    %mul3A_0 = arith.muli %arg1, %mul3A : i32
    %add3A = arith.addi %mul3A_0, %arg0 : i32
    %mul3A_1 = arith.constant 64 : i32
    %mul3A_2 = arith.muli %add3A, %mul3A_1 : i32
    "tpu.region"() ({
      %run_scoped3A = tpu.sem_alloc : memref<!tpu.dma_semaphore, #tpu.memory_space<semaphore_mem>>
      %dma_start3A_61 = arith.constant 0 : i32
      %dma_start3A_62 = arith.constant 0 : i32
      %dma_start3A_63 = tpu.memref_slice %arg3[%add3A, %dma_start3A_61, %dma_start3A_62] : memref<32x2x32xi32, #tpu.memory_space<hbm>> -> memref<1x2x32xi32, #tpu.memory_space<hbm>>
      %dma_start3A_64 = tpu.memref_squeeze %dma_start3A_63 : memref<1x2x32xi32, #tpu.memory_space<hbm>> -> memref<2x32xi32, #tpu.memory_space<hbm>>
      %dma_start3A_65 = arith.constant 0 : i32
      %dma_start3A_66 = arith.constant 0 : i32
      %dma_start3A_67 = tpu.memref_slice %arg3[%add3A, %dma_start3A_65, %dma_start3A_66] : memref<32x2x32xi32, #tpu.memory_space<hbm>> -> memref<1x2x32xi32, #tpu.memory_space<hbm>>
      %dma_start3A_68 = tpu.memref_squeeze %dma_start3A_67 : memref<1x2x32xi32, #tpu.memory_space<hbm>> -> memref<2x32xi32, #tpu.memory_space<hbm>>
      tpu.enqueue_dma source(%dma_start3A_68 : memref<2x32xi32, #tpu.memory_space<hbm>>) target(%arg7 : memref<2x32xi32, #tpu.memory_space<vmem>>) target_semaphore(%run_scoped3A : memref<!tpu.dma_semaphore, #tpu.memory_space<semaphore_mem>>)
      %dma_wait3A_69 = arith.constant 0 : i32
      %dma_wait3A_70 = arith.constant 0 : i32
      %dma_wait3A_71 = tpu.memref_slice %arg3[%add3A, %dma_wait3A_69, %dma_wait3A_70] : memref<32x2x32xi32, #tpu.memory_space<hbm>> -> memref<1x2x32xi32, #tpu.memory_space<hbm>>
      %dma_wait3A_72 = tpu.memref_squeeze %dma_wait3A_71 : memref<1x2x32xi32, #tpu.memory_space<hbm>> -> memref<2x32xi32, #tpu.memory_space<hbm>>
      %dma_wait3A_73 = arith.constant 0 : i32
      %dma_wait3A_74 = arith.constant 0 : i32
      %dma_wait3A_75 = tpu.memref_slice %arg3[%add3A, %dma_wait3A_73, %dma_wait3A_74] : memref<32x2x32xi32, #tpu.memory_space<hbm>> -> memref<1x2x32xi32, #tpu.memory_space<hbm>>
      %dma_wait3A_76 = tpu.memref_squeeze %dma_wait3A_75 : memref<1x2x32xi32, #tpu.memory_space<hbm>> -> memref<2x32xi32, #tpu.memory_space<hbm>>
      tpu.wait_dma2 semaphore(%run_scoped3A : memref<!tpu.dma_semaphore, #tpu.memory_space<semaphore_mem>>) src(%dma_wait3A_76 : memref<2x32xi32, #tpu.memory_space<hbm>>) dst(%arg7 : memref<2x32xi32, #tpu.memory_space<vmem>>)
      tpu.yield
    }) : () -> ()
    "tpu.region"() ({
      %run_scoped3A = tpu.sem_alloc : memref<!tpu.dma_semaphore, #tpu.memory_space<semaphore_mem>>
      %dma_start3A_61 = arith.constant 0 : i32
      %dma_start3A_62 = arith.constant 0 : i32
      %dma_start3A_63 = tpu.memref_slice %arg4[%add3A, %dma_start3A_61, %dma_start3A_62] : memref<32x2x32xi32, #tpu.memory_space<hbm>> -> memref<1x2x32xi32, #tpu.memory_space<hbm>>
      %dma_start3A_64 = tpu.memref_squeeze %dma_start3A_63 : memref<1x2x32xi32, #tpu.memory_space<hbm>> -> memref<2x32xi32, #tpu.memory_space<hbm>>
      %dma_start3A_65 = arith.constant 0 : i32
      %dma_start3A_66 = arith.constant 0 : i32
      %dma_start3A_67 = tpu.memref_slice %arg4[%add3A, %dma_start3A_65, %dma_start3A_66] : memref<32x2x32xi32, #tpu.memory_space<hbm>> -> memref<1x2x32xi32, #tpu.memory_space<hbm>>
      %dma_start3A_68 = tpu.memref_squeeze %dma_start3A_67 : memref<1x2x32xi32, #tpu.memory_space<hbm>> -> memref<2x32xi32, #tpu.memory_space<hbm>>
      tpu.enqueue_dma source(%dma_start3A_68 : memref<2x32xi32, #tpu.memory_space<hbm>>) target(%arg8 : memref<2x32xi32, #tpu.memory_space<vmem>>) target_semaphore(%run_scoped3A : memref<!tpu.dma_semaphore, #tpu.memory_space<semaphore_mem>>)
      %dma_wait3A_69 = arith.constant 0 : i32
      %dma_wait3A_70 = arith.constant 0 : i32
      %dma_wait3A_71 = tpu.memref_slice %arg4[%add3A, %dma_wait3A_69, %dma_wait3A_70] : memref<32x2x32xi32, #tpu.memory_space<hbm>> -> memref<1x2x32xi32, #tpu.memory_space<hbm>>
      %dma_wait3A_72 = tpu.memref_squeeze %dma_wait3A_71 : memref<1x2x32xi32, #tpu.memory_space<hbm>> -> memref<2x32xi32, #tpu.memory_space<hbm>>
      %dma_wait3A_73 = arith.constant 0 : i32
      %dma_wait3A_74 = arith.constant 0 : i32
      %dma_wait3A_75 = tpu.memref_slice %arg4[%add3A, %dma_wait3A_73, %dma_wait3A_74] : memref<32x2x32xi32, #tpu.memory_space<hbm>> -> memref<1x2x32xi32, #tpu.memory_space<hbm>>
      %dma_wait3A_76 = tpu.memref_squeeze %dma_wait3A_75 : memref<1x2x32xi32, #tpu.memory_space<hbm>> -> memref<2x32xi32, #tpu.memory_space<hbm>>
      tpu.wait_dma2 semaphore(%run_scoped3A : memref<!tpu.dma_semaphore, #tpu.memory_space<semaphore_mem>>) src(%dma_wait3A_76 : memref<2x32xi32, #tpu.memory_space<hbm>>) dst(%arg8 : memref<2x32xi32, #tpu.memory_space<vmem>>)
      tpu.yield
    }) : () -> ()
    %add3A_3 = arith.constant 0 : i32
    %add3A_4 = arith.addi %mul3A_2, %add3A_3 : i32
    "tpu.region"() ({
      %run_scoped3A = tpu.sem_alloc : memref<!tpu.dma_semaphore, #tpu.memory_space<semaphore_mem>>
      %dma_start3A_61 = arith.constant 0 : i32
      %dma_start3A_62 = tpu.memref_slice %arg2[%add3A_4, %dma_start3A_61] : memref<2048x2048xf32, #tpu.memory_space<hbm>> -> memref<32x2048xf32, #tpu.memory_space<hbm>>
      %dma_start3A_63 = arith.constant 0 : i32
      %dma_start3A_64 = tpu.memref_slice %arg2[%add3A_4, %dma_start3A_63] : memref<2048x2048xf32, #tpu.memory_space<hbm>> -> memref<32x2048xf32, #tpu.memory_space<hbm>>
      tpu.enqueue_dma source(%dma_start3A_64 : memref<32x2048xf32, #tpu.memory_space<hbm>>) target(%arg6 : memref<32x2048xf32, #tpu.memory_space<vmem>>) target_semaphore(%run_scoped3A : memref<!tpu.dma_semaphore, #tpu.memory_space<semaphore_mem>>)
      %dma_wait3A_65 = arith.constant 0 : i32
      %dma_wait3A_66 = tpu.memref_slice %arg2[%add3A_4, %dma_wait3A_65] : memref<2048x2048xf32, #tpu.memory_space<hbm>> -> memref<32x2048xf32, #tpu.memory_space<hbm>>
      %dma_wait3A_67 = arith.constant 0 : i32
      %dma_wait3A_68 = tpu.memref_slice %arg2[%add3A_4, %dma_wait3A_67] : memref<2048x2048xf32, #tpu.memory_space<hbm>> -> memref<32x2048xf32, #tpu.memory_space<hbm>>
      tpu.wait_dma2 semaphore(%run_scoped3A : memref<!tpu.dma_semaphore, #tpu.memory_space<semaphore_mem>>) src(%dma_wait3A_68 : memref<32x2048xf32, #tpu.memory_space<hbm>>) dst(%arg6 : memref<32x2048xf32, #tpu.memory_space<vmem>>)
      tpu.yield
    }) : () -> ()
    %dma_start3A = arith.constant 0 : i32
    %dma_start3A_5 = arith.constant 0 : i32
    %dma_start3A_6 = tpu.memref_slice %arg7[%dma_start3A, %dma_start3A_5] : memref<2x32xi32, #tpu.memory_space<vmem>> -> memref<1x32xi32, #tpu.memory_space<vmem>>
    %dma_start3A_7 = tpu.memref_squeeze %dma_start3A_6 : memref<1x32xi32, #tpu.memory_space<vmem>> -> memref<32xi32, #tpu.memory_space<vmem>>
    %dma_start3A_8 = arith.constant 0 : i32
    %dma_start3A_9 = arith.constant 0 : i32
    %dma_start3A_10 = tpu.memref_slice %arg5[%dma_start3A_8, %dma_start3A_9] : memref<5120x2048xf32, #tpu.memory_space<hbm>> -> memref<5120x2048xf32, #tpu.memory_space<hbm>>
    tpu.enqueue_indirect_dma source(%arg6 : memref<32x2048xf32, #tpu.memory_space<vmem>>) target(%dma_start3A_10 : memref<5120x2048xf32, #tpu.memory_space<hbm>>) offsets(%dma_start3A_7 : memref<32xi32, #tpu.memory_space<vmem>>) semaphore(%arg9 : memref<!tpu.dma_semaphore, #tpu.memory_space<semaphore_mem>>)
    %dma_start3A_11 = arith.constant 0 : i32
    %dma_start3A_12 = arith.constant 0 : i32
    %dma_start3A_13 = tpu.memref_slice %arg8[%dma_start3A_11, %dma_start3A_12] : memref<2x32xi32, #tpu.memory_space<vmem>> -> memref<1x32xi32, #tpu.memory_space<vmem>>
    %dma_start3A_14 = tpu.memref_squeeze %dma_start3A_13 : memref<1x32xi32, #tpu.memory_space<vmem>> -> memref<32xi32, #tpu.memory_space<vmem>>
    %dma_start3A_15 = arith.constant 0 : i32
    %dma_start3A_16 = arith.constant 0 : i32
    %dma_start3A_17 = tpu.memref_slice %arg5[%dma_start3A_15, %dma_start3A_16] : memref<5120x2048xf32, #tpu.memory_space<hbm>> -> memref<5120x2048xf32, #tpu.memory_space<hbm>>
    tpu.enqueue_indirect_dma source(%arg6 : memref<32x2048xf32, #tpu.memory_space<vmem>>) target(%dma_start3A_17 : memref<5120x2048xf32, #tpu.memory_space<hbm>>) offsets(%dma_start3A_14 : memref<32xi32, #tpu.memory_space<vmem>>) semaphore(%arg10 : memref<!tpu.dma_semaphore, #tpu.memory_space<semaphore_mem>>)
    %dma_wait3A = arith.constant 0 : i32
    %dma_wait3A_18 = arith.constant 0 : i32
    %dma_wait3A_19 = tpu.memref_slice %arg7[%dma_wait3A, %dma_wait3A_18] : memref<2x32xi32, #tpu.memory_space<vmem>> -> memref<1x32xi32, #tpu.memory_space<vmem>>
    %dma_wait3A_20 = tpu.memref_squeeze %dma_wait3A_19 : memref<1x32xi32, #tpu.memory_space<vmem>> -> memref<32xi32, #tpu.memory_space<vmem>>
    %dma_wait3A_21 = arith.constant 0 : i32
    %dma_wait3A_22 = arith.constant 0 : i32
    %dma_wait3A_23 = tpu.memref_slice %arg5[%dma_wait3A_21, %dma_wait3A_22] : memref<5120x2048xf32, #tpu.memory_space<hbm>> -> memref<5120x2048xf32, #tpu.memory_space<hbm>>
    tpu.wait_indirect_dma semaphore(%arg9 : memref<!tpu.dma_semaphore, #tpu.memory_space<semaphore_mem>>) src(%arg6 : memref<32x2048xf32, #tpu.memory_space<vmem>>) dst(%dma_wait3A_23 : memref<5120x2048xf32, #tpu.memory_space<hbm>>)
    %dma_wait3A_24 = arith.constant 0 : i32
    %dma_wait3A_25 = arith.constant 0 : i32
    %dma_wait3A_26 = tpu.memref_slice %arg8[%dma_wait3A_24, %dma_wait3A_25] : memref<2x32xi32, #tpu.memory_space<vmem>> -> memref<1x32xi32, #tpu.memory_space<vmem>>
    %dma_wait3A_27 = tpu.memref_squeeze %dma_wait3A_26 : memref<1x32xi32, #tpu.memory_space<vmem>> -> memref<32xi32, #tpu.memory_space<vmem>>
    %dma_wait3A_28 = arith.constant 0 : i32
    %dma_wait3A_29 = arith.constant 0 : i32
    %dma_wait3A_30 = tpu.memref_slice %arg5[%dma_wait3A_28, %dma_wait3A_29] : memref<5120x2048xf32, #tpu.memory_space<hbm>> -> memref<5120x2048xf32, #tpu.memory_space<hbm>>
    tpu.wait_indirect_dma semaphore(%arg10 : memref<!tpu.dma_semaphore, #tpu.memory_space<semaphore_mem>>) src(%arg6 : memref<32x2048xf32, #tpu.memory_space<vmem>>) dst(%dma_wait3A_30 : memref<5120x2048xf32, #tpu.memory_space<hbm>>)
    %add3A_31 = arith.constant 32 : i32
    %add3A_32 = arith.addi %mul3A_2, %add3A_31 : i32
    "tpu.region"() ({
      %run_scoped3A = tpu.sem_alloc : memref<!tpu.dma_semaphore, #tpu.memory_space<semaphore_mem>>
      %dma_start3A_61 = arith.constant 0 : i32
      %dma_start3A_62 = tpu.memref_slice %arg2[%add3A_32, %dma_start3A_61] : memref<2048x2048xf32, #tpu.memory_space<hbm>> -> memref<32x2048xf32, #tpu.memory_space<hbm>>
      %dma_start3A_63 = arith.constant 0 : i32
      %dma_start3A_64 = tpu.memref_slice %arg2[%add3A_32, %dma_start3A_63] : memref<2048x2048xf32, #tpu.memory_space<hbm>> -> memref<32x2048xf32, #tpu.memory_space<hbm>>
      tpu.enqueue_dma source(%dma_start3A_64 : memref<32x2048xf32, #tpu.memory_space<hbm>>) target(%arg6 : memref<32x2048xf32, #tpu.memory_space<vmem>>) target_semaphore(%run_scoped3A : memref<!tpu.dma_semaphore, #tpu.memory_space<semaphore_mem>>)
      %dma_wait3A_65 = arith.constant 0 : i32
      %dma_wait3A_66 = tpu.memref_slice %arg2[%add3A_32, %dma_wait3A_65] : memref<2048x2048xf32, #tpu.memory_space<hbm>> -> memref<32x2048xf32, #tpu.memory_space<hbm>>
      %dma_wait3A_67 = arith.constant 0 : i32
      %dma_wait3A_68 = tpu.memref_slice %arg2[%add3A_32, %dma_wait3A_67] : memref<2048x2048xf32, #tpu.memory_space<hbm>> -> memref<32x2048xf32, #tpu.memory_space<hbm>>
      tpu.wait_dma2 semaphore(%run_scoped3A : memref<!tpu.dma_semaphore, #tpu.memory_space<semaphore_mem>>) src(%dma_wait3A_68 : memref<32x2048xf32, #tpu.memory_space<hbm>>) dst(%arg6 : memref<32x2048xf32, #tpu.memory_space<vmem>>)
      tpu.yield
    }) : () -> ()
    %dma_start3A_33 = arith.constant 1 : i32
    %dma_start3A_34 = arith.constant 0 : i32
    %dma_start3A_35 = tpu.memref_slice %arg7[%dma_start3A_33, %dma_start3A_34] : memref<2x32xi32, #tpu.memory_space<vmem>> -> memref<1x32xi32, #tpu.memory_space<vmem>>
    %dma_start3A_36 = tpu.memref_squeeze %dma_start3A_35 : memref<1x32xi32, #tpu.memory_space<vmem>> -> memref<32xi32, #tpu.memory_space<vmem>>
    %dma_start3A_37 = arith.constant 0 : i32
    %dma_start3A_38 = arith.constant 0 : i32
    %dma_start3A_39 = tpu.memref_slice %arg5[%dma_start3A_37, %dma_start3A_38] : memref<5120x2048xf32, #tpu.memory_space<hbm>> -> memref<5120x2048xf32, #tpu.memory_space<hbm>>
    tpu.enqueue_indirect_dma source(%arg6 : memref<32x2048xf32, #tpu.memory_space<vmem>>) target(%dma_start3A_39 : memref<5120x2048xf32, #tpu.memory_space<hbm>>) offsets(%dma_start3A_36 : memref<32xi32, #tpu.memory_space<vmem>>) semaphore(%arg9 : memref<!tpu.dma_semaphore, #tpu.memory_space<semaphore_mem>>)
    %dma_start3A_40 = arith.constant 1 : i32
    %dma_start3A_41 = arith.constant 0 : i32
    %dma_start3A_42 = tpu.memref_slice %arg8[%dma_start3A_40, %dma_start3A_41] : memref<2x32xi32, #tpu.memory_space<vmem>> -> memref<1x32xi32, #tpu.memory_space<vmem>>
    %dma_start3A_43 = tpu.memref_squeeze %dma_start3A_42 : memref<1x32xi32, #tpu.memory_space<vmem>> -> memref<32xi32, #tpu.memory_space<vmem>>
    %dma_start3A_44 = arith.constant 0 : i32
    %dma_start3A_45 = arith.constant 0 : i32
    %dma_start3A_46 = tpu.memref_slice %arg5[%dma_start3A_44, %dma_start3A_45] : memref<5120x2048xf32, #tpu.memory_space<hbm>> -> memref<5120x2048xf32, #tpu.memory_space<hbm>>
    tpu.enqueue_indirect_dma source(%arg6 : memref<32x2048xf32, #tpu.memory_space<vmem>>) target(%dma_start3A_46 : memref<5120x2048xf32, #tpu.memory_space<hbm>>) offsets(%dma_start3A_43 : memref<32xi32, #tpu.memory_space<vmem>>) semaphore(%arg10 : memref<!tpu.dma_semaphore, #tpu.memory_space<semaphore_mem>>)
    %dma_wait3A_47 = arith.constant 1 : i32
    %dma_wait3A_48 = arith.constant 0 : i32
    %dma_wait3A_49 = tpu.memref_slice %arg7[%dma_wait3A_47, %dma_wait3A_48] : memref<2x32xi32, #tpu.memory_space<vmem>> -> memref<1x32xi32, #tpu.memory_space<vmem>>
    %dma_wait3A_50 = tpu.memref_squeeze %dma_wait3A_49 : memref<1x32xi32, #tpu.memory_space<vmem>> -> memref<32xi32, #tpu.memory_space<vmem>>
    %dma_wait3A_51 = arith.constant 0 : i32
    %dma_wait3A_52 = arith.constant 0 : i32
    %dma_wait3A_53 = tpu.memref_slice %arg5[%dma_wait3A_51, %dma_wait3A_52] : memref<5120x2048xf32, #tpu.memory_space<hbm>> -> memref<5120x2048xf32, #tpu.memory_space<hbm>>
    tpu.wait_indirect_dma semaphore(%arg9 : memref<!tpu.dma_semaphore, #tpu.memory_space<semaphore_mem>>) src(%arg6 : memref<32x2048xf32, #tpu.memory_space<vmem>>) dst(%dma_wait3A_53 : memref<5120x2048xf32, #tpu.memory_space<hbm>>)
    %dma_wait3A_54 = arith.constant 1 : i32
    %dma_wait3A_55 = arith.constant 0 : i32
    %dma_wait3A_56 = tpu.memref_slice %arg8[%dma_wait3A_54, %dma_wait3A_55] : memref<2x32xi32, #tpu.memory_space<vmem>> -> memref<1x32xi32, #tpu.memory_space<vmem>>
    %dma_wait3A_57 = tpu.memref_squeeze %dma_wait3A_56 : memref<1x32xi32, #tpu.memory_space<vmem>> -> memref<32xi32, #tpu.memory_space<vmem>>
    %dma_wait3A_58 = arith.constant 0 : i32
    %dma_wait3A_59 = arith.constant 0 : i32
    %dma_wait3A_60 = tpu.memref_slice %arg5[%dma_wait3A_58, %dma_wait3A_59] : memref<5120x2048xf32, #tpu.memory_space<hbm>> -> memref<5120x2048xf32, #tpu.memory_space<hbm>>
    tpu.wait_indirect_dma semaphore(%arg10 : memref<!tpu.dma_semaphore, #tpu.memory_space<semaphore_mem>>) src(%arg6 : memref<32x2048xf32, #tpu.memory_space<vmem>>) dst(%dma_wait3A_60 : memref<5120x2048xf32, #tpu.memory_space<hbm>>)
    return
  }
}

module attributes {stable_mosaic.version = 14 : i64} {
  func.func @_qkv_kernel(%arg0: i32, %arg1: i32, %arg2: memref<256x2048xf32, #tpu.memory_space<vmem>>, %arg3: memref<1x2048xf32, #tpu.memory_space<vmem>>, %arg4: memref<2048x768xf32, #tpu.memory_space<vmem>>, %arg5: memref<256x768xf32, #tpu.memory_space<vmem>>) attributes {dimension_semantics = [#tpu.dimension_semantics<arbitrary>, #tpu.dimension_semantics<arbitrary>], iteration_bounds = array<i64: 4, 8>, scalar_prefetch = 0 : i64, scratch_operands = 0 : i64, tpu.core_type = #tpu.core_type<tc>, window_params = [{transform_indices = @transform_0, window_bounds = array<i64: 256, 2048>}, {pipeline_mode = #tpu.pipeline_mode<synchronous>, transform_indices = @transform_1, window_bounds = array<i64: 1, 2048>}, {transform_indices = @transform_2, window_bounds = array<i64: 2048, 768>}, {transform_indices = @transform_3, window_bounds = array<i64: 256, 768>}]} {
    %get3A = arith.constant 0 : index
    %get3A_0 = arith.constant 0 : index
    %get3A_1 = vector.load %arg2[%get3A, %get3A_0] : memref<256x2048xf32, #tpu.memory_space<vmem>>, vector<256x2048xf32>
    %get3A_2 = arith.constant 0 : index
    %get3A_3 = arith.constant 0 : index
    %get3A_4 = vector.load %arg3[%get3A_2, %get3A_3] : memref<1x2048xf32, #tpu.memory_space<vmem>>, vector<1x2048xf32>
    %square3A = arith.mulf %get3A_1, %get3A_1 : vector<256x2048xf32>
    %reduce_sum3A = arith.constant dense<0.000000e+00> : vector<256xf32>
    %reduce_sum3A_5 = vector.multi_reduction <add>, %square3A, %reduce_sum3A [1] : vector<256x2048xf32> to vector<256xf32>
    %broadcast_in_dim3A = vector.shape_cast %reduce_sum3A_5 : vector<256xf32> to vector<256x1xf32>
    %div3A = arith.constant 2.048000e+03 : f32
    %div3A_6 = vector.broadcast %div3A : f32 to vector<256x1xf32>
    %div3A_7 = arith.divf %broadcast_in_dim3A, %div3A_6 : vector<256x1xf32>
    %add3A = arith.constant 9.99999997E-7 : f32
    %add3A_8 = vector.broadcast %add3A : f32 to vector<256x1xf32>
    %add3A_9 = arith.addf %div3A_7, %add3A_8 : vector<256x1xf32>
    %rsqrt3A = math.rsqrt %add3A_9 : vector<256x1xf32>
    %mul3A = vector.broadcast %rsqrt3A : vector<256x1xf32> to vector<256x2048xf32>
    %mul3A_10 = arith.mulf %get3A_1, %mul3A : vector<256x2048xf32>
    %mul3A_11 = vector.broadcast %get3A_4 : vector<1x2048xf32> to vector<256x2048xf32>
    %mul3A_12 = arith.mulf %mul3A_10, %mul3A_11 : vector<256x2048xf32>
    %get3A_13 = arith.constant 0 : index
    %get3A_14 = arith.constant 0 : index
    %get3A_15 = vector.load %arg4[%get3A_13, %get3A_14] : memref<2048x768xf32, #tpu.memory_space<vmem>>, vector<2048x768xf32>
    %dot_general3A = arith.constant dense<0.000000e+00> : vector<256x768xf32>
    %dot_general3A_16 = tpu.matmul %mul3A_12, %get3A_15, %dot_general3A {dimension_numbers = #tpu.dot_dimension_numbers<[1], [0], [0], [1], [0, 0, 1, 1], [], []>, transpose_lhs_hint = false} : vector<256x2048xf32>, vector<2048x768xf32>, vector<256x768xf32> -> vector<256x768xf32>
    %swap3A = arith.constant 0 : index
    %swap3A_17 = arith.constant 0 : index
    %swap3A_18 = vector.load %arg5[%swap3A, %swap3A_17] : memref<256x768xf32, #tpu.memory_space<vmem>>, vector<256x768xf32>
    tpu.vector_store %arg5[%swap3A, %swap3A_17], %dot_general3A_16 {strides = array<i32>} : memref<256x768xf32, #tpu.memory_space<vmem>>, vector<256x768xf32>,
    return
  }
  func.func @transform_0(%arg0: i32, %arg1: i32) -> (i32, i32) {
    %c0_i32 = arith.constant 0 : i32
    %c0_i32_0 = arith.constant 0 : i32
    return %arg1, %c0_i32 : i32, i32
  }
  func.func @transform_1(%arg0: i32, %arg1: i32) -> (i32, i32) {
    %c0_i32 = arith.constant 0 : i32
    %c0_i32_0 = arith.constant 0 : i32
    %c0_i32_1 = arith.constant 0 : i32
    return %c0_i32, %c0_i32_0 : i32, i32
  }
  func.func @transform_2(%arg0: i32, %arg1: i32) -> (i32, i32) {
    %c0_i32 = arith.constant 0 : i32
    %c0_i32_0 = arith.constant 0 : i32
    return %c0_i32, %arg0 : i32, i32
  }
  func.func @transform_3(%arg0: i32, %arg1: i32) -> (i32, i32) {
    %c0_i32 = arith.constant 0 : i32
    return %arg1, %arg0 : i32, i32
  }
}

module attributes {stable_mosaic.version = 14 : i64} {
  func.func @_flash_kernel(%arg0: i32, %arg1: i32, %arg2: memref<512x512xf32, #tpu.memory_space<vmem>>, %arg3: memref<2048x128xf32, #tpu.memory_space<vmem>>, %arg4: memref<2048x128xf32, #tpu.memory_space<vmem>>, %arg5: memref<1x128xf32, #tpu.memory_space<vmem>>, %arg6: memref<1x128xf32, #tpu.memory_space<vmem>>, %arg7: memref<512x512xf32, #tpu.memory_space<vmem>>, %arg8: memref<2048x128xf32, #tpu.memory_space<vmem>>) attributes {dimension_semantics = [#tpu.dimension_semantics<arbitrary>, #tpu.dimension_semantics<arbitrary>], iteration_bounds = array<i64: 4, 4>, scalar_prefetch = 0 : i64, scratch_operands = 1 : i64, tpu.core_type = #tpu.core_type<tc>, window_params = [{transform_indices = @transform_0, window_bounds = array<i64: 512, 512>}, {transform_indices = @transform_1, window_bounds = array<i64: 2048, 128>}, {transform_indices = @transform_2, window_bounds = array<i64: 2048, 128>}, {pipeline_mode = #tpu.pipeline_mode<synchronous>, transform_indices = @transform_3, window_bounds = array<i64: 1, 128>}, {pipeline_mode = #tpu.pipeline_mode<synchronous>, transform_indices = @transform_4, window_bounds = array<i64: 1, 128>}, {transform_indices = @transform_5, window_bounds = array<i64: 512, 512>}]} {
    %eq3A = arith.constant 0 : i32
    %eq3A_0 = arith.cmpi eq, %arg1, %eq3A : i32
    %convert_element_type3A = arith.extui %eq3A_0 : i1 to i32
    %cond3A = arith.constant 0 : i32
    %cond3A_1 = arith.cmpi ne, %convert_element_type3A, %cond3A : i32
    scf.if %cond3A_1 {
      %get3A_266 = arith.constant 0 : index
      %get3A_267 = arith.constant 0 : index
      %get3A_268 = vector.load %arg3[%get3A_266, %get3A_267] : memref<2048x128xf32, #tpu.memory_space<vmem>>, vector<2048x128xf32>
      %get3A_269 = arith.constant 0 : index
      %get3A_270 = arith.constant 0 : index
      %get3A_271 = vector.load %arg6[%get3A_269, %get3A_270] : memref<1x128xf32, #tpu.memory_space<vmem>>, vector<1x128xf32>
      %square3A_272 = arith.mulf %get3A_268, %get3A_268 : vector<2048x128xf32>
      %reduce_sum3A_273 = arith.constant dense<0.000000e+00> : vector<2048xf32>
      %reduce_sum3A_274 = vector.multi_reduction <add>, %square3A_272, %reduce_sum3A_273 [1] : vector<2048x128xf32> to vector<2048xf32>
      %broadcast_in_dim3A_275 = vector.shape_cast %reduce_sum3A_274 : vector<2048xf32> to vector<2048x1xf32>
      %div3A_276 = arith.constant 1.280000e+02 : f32
      %div3A_277 = vector.broadcast %div3A_276 : f32 to vector<2048x1xf32>
      %div3A_278 = arith.divf %broadcast_in_dim3A_275, %div3A_277 : vector<2048x1xf32>
      %add3A_279 = arith.constant 9.99999997E-7 : f32
      %add3A_280 = vector.broadcast %add3A_279 : f32 to vector<2048x1xf32>
      %add3A_281 = arith.addf %div3A_278, %add3A_280 : vector<2048x1xf32>
      %rsqrt3A_282 = math.rsqrt %add3A_281 : vector<2048x1xf32>
      %mul3A_283 = vector.broadcast %rsqrt3A_282 : vector<2048x1xf32> to vector<2048x128xf32>
      %mul3A_284 = arith.mulf %get3A_268, %mul3A_283 : vector<2048x128xf32>
      %mul3A_285 = vector.broadcast %get3A_271 : vector<1x128xf32> to vector<2048x128xf32>
      %mul3A_286 = arith.mulf %mul3A_284, %mul3A_285 : vector<2048x128xf32>
      %iota3A_287 = tpu.iota {dimensions = array<i32: 0>} : vector<2048x64xi32>
      %add3A_288 = arith.constant 0 : i32
      %add3A_289 = vector.broadcast %add3A_288 : i32 to vector<2048x64xi32>
      %add3A_290 = arith.addi %add3A_289, %iota3A_287 : vector<2048x64xi32>
      %convert_element_type3A_291 = arith.sitofp %add3A_290 : vector<2048x64xi32> to vector<2048x64xf32>
      %iota3A_292 = tpu.iota {dimensions = array<i32: 1>} : vector<2048x64xi32>
      %convert_element_type3A_293 = arith.sitofp %iota3A_292 : vector<2048x64xi32> to vector<2048x64xf32>
      %mul3A_294 = arith.constant 1.562500e-02 : f32
      %mul3A_295 = vector.broadcast %mul3A_294 : f32 to vector<2048x64xf32>
      %mul3A_296 = arith.mulf %convert_element_type3A_293, %mul3A_295 : vector<2048x64xf32>
      %pow3A_297 = arith.constant 1.000000e+06 : f32
      %pow3A_298 = vector.broadcast %pow3A_297 : f32 to vector<2048x64xf32>
      %pow3A_299 = math.powf %pow3A_298, %mul3A_296 : vector<2048x64xf32>
      %div3A_300 = arith.constant 1.000000e+00 : f32
      %div3A_301 = vector.broadcast %div3A_300 : f32 to vector<2048x64xf32>
      %div3A_302 = arith.divf %div3A_301, %pow3A_299 : vector<2048x64xf32>
      %mul3A_303 = arith.mulf %convert_element_type3A_291, %div3A_302 : vector<2048x64xf32>
      %cos3A_304 = math.cos %mul3A_303 : vector<2048x64xf32>
      %sin3A_305 = math.sin %mul3A_303 : vector<2048x64xf32>
      %slice3A_306 = vector.extract_strided_slice %mul3A_286 {offsets = [0, 0], sizes = [2048, 64], strides = [1, 1]} : vector<2048x128xf32> to vector<2048x64xf32>
      %slice3A_307 = vector.extract_strided_slice %mul3A_286 {offsets = [0, 64], sizes = [2048, 64], strides = [1, 1]} : vector<2048x128xf32> to vector<2048x64xf32>
      %mul3A_308 = arith.mulf %slice3A_306, %cos3A_304 : vector<2048x64xf32>
      %mul3A_309 = arith.mulf %slice3A_307, %sin3A_305 : vector<2048x64xf32>
      %sub3A_310 = arith.subf %mul3A_308, %mul3A_309 : vector<2048x64xf32>
      %mul3A_311 = arith.mulf %slice3A_307, %cos3A_304 : vector<2048x64xf32>
      %mul3A_312 = arith.mulf %slice3A_306, %sin3A_305 : vector<2048x64xf32>
      %add3A_313 = arith.addf %mul3A_311, %mul3A_312 : vector<2048x64xf32>
      %concatenate3A_314 = tpu.concatenate %sub3A_310, %add3A_313 in 1 : vector<2048x64xf32>, vector<2048x64xf32> -> vector<2048x128xf32>
      %swap3A_315 = arith.constant 0 : index
      %swap3A_316 = arith.constant 0 : index
      %swap3A_317 = vector.load %arg8[%swap3A_315, %swap3A_316] : memref<2048x128xf32, #tpu.memory_space<vmem>>, vector<2048x128xf32>
      tpu.vector_store %arg8[%swap3A_315, %swap3A_316], %concatenate3A_314 {strides = array<i32>} : memref<2048x128xf32, #tpu.memory_space<vmem>>, vector<2048x128xf32>,
    } else {
    }
    %mul3A = arith.constant 512 : i32
    %mul3A_2 = arith.muli %arg1, %mul3A : i32
    %iota3A = tpu.iota {dimensions = array<i32: 0>} : vector<512x512xi32>
    %add3A = vector.broadcast %mul3A_2 : i32 to vector<512x512xi32>
    %add3A_3 = arith.addi %add3A, %iota3A : vector<512x512xi32>
    %iota3A_4 = tpu.iota {dimensions = array<i32: 1>} : vector<512x512xi32>
    %get3A = arith.constant 0 : index
    %get3A_5 = arith.constant 0 : index
    %get3A_6 = vector.load %arg2[%get3A, %get3A_5] : memref<512x512xf32, #tpu.memory_space<vmem>>, vector<512x128xf32>
    %get3A_7 = arith.constant 0 : index
    %get3A_8 = arith.constant 0 : index
    %get3A_9 = vector.load %arg5[%get3A_7, %get3A_8] : memref<1x128xf32, #tpu.memory_space<vmem>>, vector<1x128xf32>
    %mul3A_10 = arith.constant 512 : i32
    %mul3A_11 = arith.muli %arg1, %mul3A_10 : i32
    %square3A = arith.mulf %get3A_6, %get3A_6 : vector<512x128xf32>
    %reduce_sum3A = arith.constant dense<0.000000e+00> : vector<512xf32>
    %reduce_sum3A_12 = vector.multi_reduction <add>, %square3A, %reduce_sum3A [1] : vector<512x128xf32> to vector<512xf32>
    %broadcast_in_dim3A = vector.shape_cast %reduce_sum3A_12 : vector<512xf32> to vector<512x1xf32>
    %div3A = arith.constant 1.280000e+02 : f32
    %div3A_13 = vector.broadcast %div3A : f32 to vector<512x1xf32>
    %div3A_14 = arith.divf %broadcast_in_dim3A, %div3A_13 : vector<512x1xf32>
    %add3A_15 = arith.constant 9.99999997E-7 : f32
    %add3A_16 = vector.broadcast %add3A_15 : f32 to vector<512x1xf32>
    %add3A_17 = arith.addf %div3A_14, %add3A_16 : vector<512x1xf32>
    %rsqrt3A = math.rsqrt %add3A_17 : vector<512x1xf32>
    %mul3A_18 = vector.broadcast %rsqrt3A : vector<512x1xf32> to vector<512x128xf32>
    %mul3A_19 = arith.mulf %get3A_6, %mul3A_18 : vector<512x128xf32>
    %mul3A_20 = vector.broadcast %get3A_9 : vector<1x128xf32> to vector<512x128xf32>
    %mul3A_21 = arith.mulf %mul3A_19, %mul3A_20 : vector<512x128xf32>
    %iota3A_22 = tpu.iota {dimensions = array<i32: 0>} : vector<512x64xi32>
    %add3A_23 = vector.broadcast %mul3A_11 : i32 to vector<512x64xi32>
    %add3A_24 = arith.addi %add3A_23, %iota3A_22 : vector<512x64xi32>
    %convert_element_type3A_25 = arith.sitofp %add3A_24 : vector<512x64xi32> to vector<512x64xf32>
    %iota3A_26 = tpu.iota {dimensions = array<i32: 1>} : vector<512x64xi32>
    %convert_element_type3A_27 = arith.sitofp %iota3A_26 : vector<512x64xi32> to vector<512x64xf32>
    %mul3A_28 = arith.constant 1.562500e-02 : f32
    %mul3A_29 = vector.broadcast %mul3A_28 : f32 to vector<512x64xf32>
    %mul3A_30 = arith.mulf %convert_element_type3A_27, %mul3A_29 : vector<512x64xf32>
    %pow3A = arith.constant 1.000000e+06 : f32
    %pow3A_31 = vector.broadcast %pow3A : f32 to vector<512x64xf32>
    %pow3A_32 = math.powf %pow3A_31, %mul3A_30 : vector<512x64xf32>
    %div3A_33 = arith.constant 1.000000e+00 : f32
    %div3A_34 = vector.broadcast %div3A_33 : f32 to vector<512x64xf32>
    %div3A_35 = arith.divf %div3A_34, %pow3A_32 : vector<512x64xf32>
    %mul3A_36 = arith.mulf %convert_element_type3A_25, %div3A_35 : vector<512x64xf32>
    %cos3A = math.cos %mul3A_36 : vector<512x64xf32>
    %sin3A = math.sin %mul3A_36 : vector<512x64xf32>
    %slice3A = vector.extract_strided_slice %mul3A_21 {offsets = [0, 0], sizes = [512, 64], strides = [1, 1]} : vector<512x128xf32> to vector<512x64xf32>
    %slice3A_37 = vector.extract_strided_slice %mul3A_21 {offsets = [0, 64], sizes = [512, 64], strides = [1, 1]} : vector<512x128xf32> to vector<512x64xf32>
    %mul3A_38 = arith.mulf %slice3A, %cos3A : vector<512x64xf32>
    %mul3A_39 = arith.mulf %slice3A_37, %sin3A : vector<512x64xf32>
    %sub3A = arith.subf %mul3A_38, %mul3A_39 : vector<512x64xf32>
    %mul3A_40 = arith.mulf %slice3A_37, %cos3A : vector<512x64xf32>
    %mul3A_41 = arith.mulf %slice3A, %sin3A : vector<512x64xf32>
    %add3A_42 = arith.addf %mul3A_40, %mul3A_41 : vector<512x64xf32>
    %concatenate3A = tpu.concatenate %sub3A, %add3A_42 in 1 : vector<512x64xf32>, vector<512x64xf32> -> vector<512x128xf32>
    %mul3A_43 = arith.constant 0.0883883461 : f32
    %mul3A_44 = vector.broadcast %mul3A_43 : f32 to vector<512x128xf32>
    %mul3A_45 = arith.mulf %concatenate3A, %mul3A_44 : vector<512x128xf32>
    %get3A_46 = arith.constant 0 : index
    %get3A_47 = arith.constant 128 : index
    %get3A_48 = vector.load %arg2[%get3A_46, %get3A_47] : memref<512x512xf32, #tpu.memory_space<vmem>>, vector<512x128xf32>
    %get3A_49 = arith.constant 0 : index
    %get3A_50 = arith.constant 0 : index
    %get3A_51 = vector.load %arg5[%get3A_49, %get3A_50] : memref<1x128xf32, #tpu.memory_space<vmem>>, vector<1x128xf32>
    %mul3A_52 = arith.constant 512 : i32
    %mul3A_53 = arith.muli %arg1, %mul3A_52 : i32
    %square3A_54 = arith.mulf %get3A_48, %get3A_48 : vector<512x128xf32>
    %reduce_sum3A_55 = arith.constant dense<0.000000e+00> : vector<512xf32>
    %reduce_sum3A_56 = vector.multi_reduction <add>, %square3A_54, %reduce_sum3A_55 [1] : vector<512x128xf32> to vector<512xf32>
    %broadcast_in_dim3A_57 = vector.shape_cast %reduce_sum3A_56 : vector<512xf32> to vector<512x1xf32>
    %div3A_58 = arith.constant 1.280000e+02 : f32
    %div3A_59 = vector.broadcast %div3A_58 : f32 to vector<512x1xf32>
    %div3A_60 = arith.divf %broadcast_in_dim3A_57, %div3A_59 : vector<512x1xf32>
    %add3A_61 = arith.constant 9.99999997E-7 : f32
    %add3A_62 = vector.broadcast %add3A_61 : f32 to vector<512x1xf32>
    %add3A_63 = arith.addf %div3A_60, %add3A_62 : vector<512x1xf32>
    %rsqrt3A_64 = math.rsqrt %add3A_63 : vector<512x1xf32>
    %mul3A_65 = vector.broadcast %rsqrt3A_64 : vector<512x1xf32> to vector<512x128xf32>
    %mul3A_66 = arith.mulf %get3A_48, %mul3A_65 : vector<512x128xf32>
    %mul3A_67 = vector.broadcast %get3A_51 : vector<1x128xf32> to vector<512x128xf32>
    %mul3A_68 = arith.mulf %mul3A_66, %mul3A_67 : vector<512x128xf32>
    %iota3A_69 = tpu.iota {dimensions = array<i32: 0>} : vector<512x64xi32>
    %add3A_70 = vector.broadcast %mul3A_53 : i32 to vector<512x64xi32>
    %add3A_71 = arith.addi %add3A_70, %iota3A_69 : vector<512x64xi32>
    %convert_element_type3A_72 = arith.sitofp %add3A_71 : vector<512x64xi32> to vector<512x64xf32>
    %iota3A_73 = tpu.iota {dimensions = array<i32: 1>} : vector<512x64xi32>
    %convert_element_type3A_74 = arith.sitofp %iota3A_73 : vector<512x64xi32> to vector<512x64xf32>
    %mul3A_75 = arith.constant 1.562500e-02 : f32
    %mul3A_76 = vector.broadcast %mul3A_75 : f32 to vector<512x64xf32>
    %mul3A_77 = arith.mulf %convert_element_type3A_74, %mul3A_76 : vector<512x64xf32>
    %pow3A_78 = arith.constant 1.000000e+06 : f32
    %pow3A_79 = vector.broadcast %pow3A_78 : f32 to vector<512x64xf32>
    %pow3A_80 = math.powf %pow3A_79, %mul3A_77 : vector<512x64xf32>
    %div3A_81 = arith.constant 1.000000e+00 : f32
    %div3A_82 = vector.broadcast %div3A_81 : f32 to vector<512x64xf32>
    %div3A_83 = arith.divf %div3A_82, %pow3A_80 : vector<512x64xf32>
    %mul3A_84 = arith.mulf %convert_element_type3A_72, %div3A_83 : vector<512x64xf32>
    %cos3A_85 = math.cos %mul3A_84 : vector<512x64xf32>
    %sin3A_86 = math.sin %mul3A_84 : vector<512x64xf32>
    %slice3A_87 = vector.extract_strided_slice %mul3A_68 {offsets = [0, 0], sizes = [512, 64], strides = [1, 1]} : vector<512x128xf32> to vector<512x64xf32>
    %slice3A_88 = vector.extract_strided_slice %mul3A_68 {offsets = [0, 64], sizes = [512, 64], strides = [1, 1]} : vector<512x128xf32> to vector<512x64xf32>
    %mul3A_89 = arith.mulf %slice3A_87, %cos3A_85 : vector<512x64xf32>
    %mul3A_90 = arith.mulf %slice3A_88, %sin3A_86 : vector<512x64xf32>
    %sub3A_91 = arith.subf %mul3A_89, %mul3A_90 : vector<512x64xf32>
    %mul3A_92 = arith.mulf %slice3A_88, %cos3A_85 : vector<512x64xf32>
    %mul3A_93 = arith.mulf %slice3A_87, %sin3A_86 : vector<512x64xf32>
    %add3A_94 = arith.addf %mul3A_92, %mul3A_93 : vector<512x64xf32>
    %concatenate3A_95 = tpu.concatenate %sub3A_91, %add3A_94 in 1 : vector<512x64xf32>, vector<512x64xf32> -> vector<512x128xf32>
    %mul3A_96 = arith.constant 0.0883883461 : f32
    %mul3A_97 = vector.broadcast %mul3A_96 : f32 to vector<512x128xf32>
    %mul3A_98 = arith.mulf %concatenate3A_95, %mul3A_97 : vector<512x128xf32>
    %get3A_99 = arith.constant 0 : index
    %get3A_100 = arith.constant 256 : index
    %get3A_101 = vector.load %arg2[%get3A_99, %get3A_100] : memref<512x512xf32, #tpu.memory_space<vmem>>, vector<512x128xf32>
    %get3A_102 = arith.constant 0 : index
    %get3A_103 = arith.constant 0 : index
    %get3A_104 = vector.load %arg5[%get3A_102, %get3A_103] : memref<1x128xf32, #tpu.memory_space<vmem>>, vector<1x128xf32>
    %mul3A_105 = arith.constant 512 : i32
    %mul3A_106 = arith.muli %arg1, %mul3A_105 : i32
    %square3A_107 = arith.mulf %get3A_101, %get3A_101 : vector<512x128xf32>
    %reduce_sum3A_108 = arith.constant dense<0.000000e+00> : vector<512xf32>
    %reduce_sum3A_109 = vector.multi_reduction <add>, %square3A_107, %reduce_sum3A_108 [1] : vector<512x128xf32> to vector<512xf32>
    %broadcast_in_dim3A_110 = vector.shape_cast %reduce_sum3A_109 : vector<512xf32> to vector<512x1xf32>
    %div3A_111 = arith.constant 1.280000e+02 : f32
    %div3A_112 = vector.broadcast %div3A_111 : f32 to vector<512x1xf32>
    %div3A_113 = arith.divf %broadcast_in_dim3A_110, %div3A_112 : vector<512x1xf32>
    %add3A_114 = arith.constant 9.99999997E-7 : f32
    %add3A_115 = vector.broadcast %add3A_114 : f32 to vector<512x1xf32>
    %add3A_116 = arith.addf %div3A_113, %add3A_115 : vector<512x1xf32>
    %rsqrt3A_117 = math.rsqrt %add3A_116 : vector<512x1xf32>
    %mul3A_118 = vector.broadcast %rsqrt3A_117 : vector<512x1xf32> to vector<512x128xf32>
    %mul3A_119 = arith.mulf %get3A_101, %mul3A_118 : vector<512x128xf32>
    %mul3A_120 = vector.broadcast %get3A_104 : vector<1x128xf32> to vector<512x128xf32>
    %mul3A_121 = arith.mulf %mul3A_119, %mul3A_120 : vector<512x128xf32>
    %iota3A_122 = tpu.iota {dimensions = array<i32: 0>} : vector<512x64xi32>
    %add3A_123 = vector.broadcast %mul3A_106 : i32 to vector<512x64xi32>
    %add3A_124 = arith.addi %add3A_123, %iota3A_122 : vector<512x64xi32>
    %convert_element_type3A_125 = arith.sitofp %add3A_124 : vector<512x64xi32> to vector<512x64xf32>
    %iota3A_126 = tpu.iota {dimensions = array<i32: 1>} : vector<512x64xi32>
    %convert_element_type3A_127 = arith.sitofp %iota3A_126 : vector<512x64xi32> to vector<512x64xf32>
    %mul3A_128 = arith.constant 1.562500e-02 : f32
    %mul3A_129 = vector.broadcast %mul3A_128 : f32 to vector<512x64xf32>
    %mul3A_130 = arith.mulf %convert_element_type3A_127, %mul3A_129 : vector<512x64xf32>
    %pow3A_131 = arith.constant 1.000000e+06 : f32
    %pow3A_132 = vector.broadcast %pow3A_131 : f32 to vector<512x64xf32>
    %pow3A_133 = math.powf %pow3A_132, %mul3A_130 : vector<512x64xf32>
    %div3A_134 = arith.constant 1.000000e+00 : f32
    %div3A_135 = vector.broadcast %div3A_134 : f32 to vector<512x64xf32>
    %div3A_136 = arith.divf %div3A_135, %pow3A_133 : vector<512x64xf32>
    %mul3A_137 = arith.mulf %convert_element_type3A_125, %div3A_136 : vector<512x64xf32>
    %cos3A_138 = math.cos %mul3A_137 : vector<512x64xf32>
    %sin3A_139 = math.sin %mul3A_137 : vector<512x64xf32>
    %slice3A_140 = vector.extract_strided_slice %mul3A_121 {offsets = [0, 0], sizes = [512, 64], strides = [1, 1]} : vector<512x128xf32> to vector<512x64xf32>
    %slice3A_141 = vector.extract_strided_slice %mul3A_121 {offsets = [0, 64], sizes = [512, 64], strides = [1, 1]} : vector<512x128xf32> to vector<512x64xf32>
    %mul3A_142 = arith.mulf %slice3A_140, %cos3A_138 : vector<512x64xf32>
    %mul3A_143 = arith.mulf %slice3A_141, %sin3A_139 : vector<512x64xf32>
    %sub3A_144 = arith.subf %mul3A_142, %mul3A_143 : vector<512x64xf32>
    %mul3A_145 = arith.mulf %slice3A_141, %cos3A_138 : vector<512x64xf32>
    %mul3A_146 = arith.mulf %slice3A_140, %sin3A_139 : vector<512x64xf32>
    %add3A_147 = arith.addf %mul3A_145, %mul3A_146 : vector<512x64xf32>
    %concatenate3A_148 = tpu.concatenate %sub3A_144, %add3A_147 in 1 : vector<512x64xf32>, vector<512x64xf32> -> vector<512x128xf32>
    %mul3A_149 = arith.constant 0.0883883461 : f32
    %mul3A_150 = vector.broadcast %mul3A_149 : f32 to vector<512x128xf32>
    %mul3A_151 = arith.mulf %concatenate3A_148, %mul3A_150 : vector<512x128xf32>
    %get3A_152 = arith.constant 0 : index
    %get3A_153 = arith.constant 384 : index
    %get3A_154 = vector.load %arg2[%get3A_152, %get3A_153] : memref<512x512xf32, #tpu.memory_space<vmem>>, vector<512x128xf32>
    %get3A_155 = arith.constant 0 : index
    %get3A_156 = arith.constant 0 : index
    %get3A_157 = vector.load %arg5[%get3A_155, %get3A_156] : memref<1x128xf32, #tpu.memory_space<vmem>>, vector<1x128xf32>
    %mul3A_158 = arith.constant 512 : i32
    %mul3A_159 = arith.muli %arg1, %mul3A_158 : i32
    %square3A_160 = arith.mulf %get3A_154, %get3A_154 : vector<512x128xf32>
    %reduce_sum3A_161 = arith.constant dense<0.000000e+00> : vector<512xf32>
    %reduce_sum3A_162 = vector.multi_reduction <add>, %square3A_160, %reduce_sum3A_161 [1] : vector<512x128xf32> to vector<512xf32>
    %broadcast_in_dim3A_163 = vector.shape_cast %reduce_sum3A_162 : vector<512xf32> to vector<512x1xf32>
    %div3A_164 = arith.constant 1.280000e+02 : f32
    %div3A_165 = vector.broadcast %div3A_164 : f32 to vector<512x1xf32>
    %div3A_166 = arith.divf %broadcast_in_dim3A_163, %div3A_165 : vector<512x1xf32>
    %add3A_167 = arith.constant 9.99999997E-7 : f32
    %add3A_168 = vector.broadcast %add3A_167 : f32 to vector<512x1xf32>
    %add3A_169 = arith.addf %div3A_166, %add3A_168 : vector<512x1xf32>
    %rsqrt3A_170 = math.rsqrt %add3A_169 : vector<512x1xf32>
    %mul3A_171 = vector.broadcast %rsqrt3A_170 : vector<512x1xf32> to vector<512x128xf32>
    %mul3A_172 = arith.mulf %get3A_154, %mul3A_171 : vector<512x128xf32>
    %mul3A_173 = vector.broadcast %get3A_157 : vector<1x128xf32> to vector<512x128xf32>
    %mul3A_174 = arith.mulf %mul3A_172, %mul3A_173 : vector<512x128xf32>
    %iota3A_175 = tpu.iota {dimensions = array<i32: 0>} : vector<512x64xi32>
    %add3A_176 = vector.broadcast %mul3A_159 : i32 to vector<512x64xi32>
    %add3A_177 = arith.addi %add3A_176, %iota3A_175 : vector<512x64xi32>
    %convert_element_type3A_178 = arith.sitofp %add3A_177 : vector<512x64xi32> to vector<512x64xf32>
    %iota3A_179 = tpu.iota {dimensions = array<i32: 1>} : vector<512x64xi32>
    %convert_element_type3A_180 = arith.sitofp %iota3A_179 : vector<512x64xi32> to vector<512x64xf32>
    %mul3A_181 = arith.constant 1.562500e-02 : f32
    %mul3A_182 = vector.broadcast %mul3A_181 : f32 to vector<512x64xf32>
    %mul3A_183 = arith.mulf %convert_element_type3A_180, %mul3A_182 : vector<512x64xf32>
    %pow3A_184 = arith.constant 1.000000e+06 : f32
    %pow3A_185 = vector.broadcast %pow3A_184 : f32 to vector<512x64xf32>
    %pow3A_186 = math.powf %pow3A_185, %mul3A_183 : vector<512x64xf32>
    %div3A_187 = arith.constant 1.000000e+00 : f32
    %div3A_188 = vector.broadcast %div3A_187 : f32 to vector<512x64xf32>
    %div3A_189 = arith.divf %div3A_188, %pow3A_186 : vector<512x64xf32>
    %mul3A_190 = arith.mulf %convert_element_type3A_178, %div3A_189 : vector<512x64xf32>
    %cos3A_191 = math.cos %mul3A_190 : vector<512x64xf32>
    %sin3A_192 = math.sin %mul3A_190 : vector<512x64xf32>
    %slice3A_193 = vector.extract_strided_slice %mul3A_174 {offsets = [0, 0], sizes = [512, 64], strides = [1, 1]} : vector<512x128xf32> to vector<512x64xf32>
    %slice3A_194 = vector.extract_strided_slice %mul3A_174 {offsets = [0, 64], sizes = [512, 64], strides = [1, 1]} : vector<512x128xf32> to vector<512x64xf32>
    %mul3A_195 = arith.mulf %slice3A_193, %cos3A_191 : vector<512x64xf32>
    %mul3A_196 = arith.mulf %slice3A_194, %sin3A_192 : vector<512x64xf32>
    %sub3A_197 = arith.subf %mul3A_195, %mul3A_196 : vector<512x64xf32>
    %mul3A_198 = arith.mulf %slice3A_194, %cos3A_191 : vector<512x64xf32>
    %mul3A_199 = arith.mulf %slice3A_193, %sin3A_192 : vector<512x64xf32>
    %add3A_200 = arith.addf %mul3A_198, %mul3A_199 : vector<512x64xf32>
    %concatenate3A_201 = tpu.concatenate %sub3A_197, %add3A_200 in 1 : vector<512x64xf32>, vector<512x64xf32> -> vector<512x128xf32>
    %mul3A_202 = arith.constant 0.0883883461 : f32
    %mul3A_203 = vector.broadcast %mul3A_202 : f32 to vector<512x128xf32>
    %mul3A_204 = arith.mulf %concatenate3A_201, %mul3A_203 : vector<512x128xf32>
    %broadcast_in_dim3A_205 = arith.constant -1.000000e+30 : f32
    %broadcast_in_dim3A_206 = vector.broadcast %broadcast_in_dim3A_205 : f32 to vector<512x1xf32>
    %broadcast_in_dim3A_207 = arith.constant 0.000000e+00 : f32
    %broadcast_in_dim3A_208 = vector.broadcast %broadcast_in_dim3A_207 : f32 to vector<512x1xf32>
    %broadcast_in_dim3A_209 = arith.constant 0.000000e+00 : f32
    %broadcast_in_dim3A_210 = vector.broadcast %broadcast_in_dim3A_209 : f32 to vector<512x128xf32>
    %add3A_211 = arith.constant 1 : i32
    %add3A_212 = arith.addi %arg1, %add3A_211 : i32
    %mul3A_213 = arith.constant 512 : i32
    %mul3A_214 = arith.muli %add3A_212, %mul3A_213 : i32
    %add3A_215 = arith.constant 512 : i32
    %add3A_216 = arith.addi %mul3A_214, %add3A_215 : i32
    %sub3A_217 = arith.constant 1 : i32
    %sub3A_218 = arith.subi %add3A_216, %sub3A_217 : i32
    %jit3A = arith.constant 512 : i32
    %div3A_219 = arith.divsi %sub3A_218, %jit3A : i32
    %sign3A = arith.constant 0 : i32
    %sign3A_220 = arith.cmpi sgt, %sub3A_218, %sign3A : i32
    %sign3A_221 = arith.extui %sign3A_220 : i1 to i32
    %sign3A_222 = arith.constant 0 : i32
    %sign3A_223 = arith.cmpi slt, %sub3A_218, %sign3A_222 : i32
    %sign3A_224 = arith.extui %sign3A_223 : i1 to i32
    %sign3A_225 = arith.subi %sign3A_221, %sign3A_224 : i32
    %sign3A_226 = arith.constant 0 : i32
    %sign3A_227 = arith.cmpi sgt, %jit3A, %sign3A_226 : i32
    %sign3A_228 = arith.extui %sign3A_227 : i1 to i32
    %sign3A_229 = arith.constant 0 : i32
    %sign3A_230 = arith.cmpi slt, %jit3A, %sign3A_229 : i32
    %sign3A_231 = arith.extui %sign3A_230 : i1 to i32
    %sign3A_232 = arith.subi %sign3A_228, %sign3A_231 : i32
    %ne3A = arith.cmpi ne, %sign3A_225, %sign3A_232 : i32
    %rem3A = arith.remsi %sub3A_218, %jit3A : i32
    %ne3A_233 = arith.constant 0 : i32
    %ne3A_234 = arith.cmpi ne, %rem3A, %ne3A_233 : i32
    %and3A = arith.andi %ne3A, %ne3A_234 : i1
    %sub3A_235 = arith.constant 1 : i32
    %sub3A_236 = arith.subi %div3A_219, %sub3A_235 : i32
    %select_n3A = arith.select %and3A, %sub3A_236, %div3A_219 : i32
    %while3A = arith.constant 0 : i32
    %while3A_237 = arith.subi %select_n3A, %while3A : i32
    %while3A_238 = arith.addi %while3A, %while3A_237 : i32
    %while3A_239 = arith.constant 1 : i32
    %while3A_240 = arith.divsi %while3A_237, %while3A_239 : i32
    %while3A_241 = arith.muli %while3A_240, %while3A_239 : i32
    %while3A_242 = arith.addi %while3A, %while3A_241 : i32
    %while3A_243 = arith.constant 1 : i32
    %while3A_244:12 = scf.for %while3A_266 = %while3A to %while3A_242 step %while3A_243 iter_args(%while3A_267 = %broadcast_in_dim3A_206, %while3A_268 = %broadcast_in_dim3A_208, %while3A_269 = %broadcast_in_dim3A_210, %while3A_270 = %broadcast_in_dim3A_206, %while3A_271 = %broadcast_in_dim3A_208, %while3A_272 = %broadcast_in_dim3A_210, %while3A_273 = %broadcast_in_dim3A_206, %while3A_274 = %broadcast_in_dim3A_208, %while3A_275 = %broadcast_in_dim3A_210, %while3A_276 = %broadcast_in_dim3A_206, %while3A_277 = %broadcast_in_dim3A_208, %while3A_278 = %broadcast_in_dim3A_210) -> (vector<512x1xf32>, vector<512x1xf32>, vector<512x128xf32>, vector<512x1xf32>, vector<512x1xf32>, vector<512x128xf32>, vector<512x1xf32>, vector<512x1xf32>, vector<512x128xf32>, vector<512x1xf32>, vector<512x1xf32>, vector<512x128xf32>)  : i32 {
      %mul3A_279 = arith.constant 512 : i32
      %mul3A_280 = arith.muli %while3A_266, %mul3A_279 : i32
      %get3A_281 = arith.index_cast %mul3A_280 : i32 to index
      %get3A_282 = arith.constant 0 : index
      %get3A_283 = vector.load %arg8[%get3A_281, %get3A_282] : memref<2048x128xf32, #tpu.memory_space<vmem>>, vector<512x128xf32>
      %get3A_284 = arith.index_cast %mul3A_280 : i32 to index
      %get3A_285 = arith.constant 0 : index
      %get3A_286 = vector.load %arg4[%get3A_284, %get3A_285] : memref<2048x128xf32, #tpu.memory_space<vmem>>, vector<512x128xf32>
      %mul3A_287 = arith.constant 512 : i32
      %mul3A_288 = arith.muli %while3A_266, %mul3A_287 : i32
      %add3A_289 = vector.broadcast %mul3A_288 : i32 to vector<512x512xi32>
      %add3A_290 = arith.addi %add3A_289, %iota3A_4 : vector<512x512xi32>
      %le3A = arith.cmpi sle, %add3A_290, %add3A_3 : vector<512x512xi32>
      %dot_general3A = arith.constant dense<0.000000e+00> : vector<512x512xf32>
      %dot_general3A_291 = tpu.matmul %mul3A_45, %get3A_283, %dot_general3A {dimension_numbers = #tpu.dot_dimension_numbers<[1], [1], [0], [0], [0, 0, 1, 0], [], []>, transpose_lhs_hint = false} : vector<512x128xf32>, vector<512x128xf32>, vector<512x512xf32> -> vector<512x512xf32>
      %jit3A_292 = arith.constant -1.000000e+30 : f32
      %broadcast_in_dim3A_293 = vector.broadcast %jit3A_292 : f32 to vector<512x512xf32>
      %select_n3A_294 = arith.select %le3A, %dot_general3A_291, %broadcast_in_dim3A_293 : vector<512x512xi1>, vector<512x512xf32>
      %reduce_max3A = arith.constant dense<0xFF800000> : vector<512xf32>
      %reduce_max3A_295 = vector.multi_reduction <maximumf>, %select_n3A_294, %reduce_max3A [1] : vector<512x512xf32> to vector<512xf32>
      %broadcast_in_dim3A_296 = vector.shape_cast %reduce_max3A_295 : vector<512xf32> to vector<512x1xf32>
      %max3A = arith.maximumf %while3A_267, %broadcast_in_dim3A_296 : vector<512x1xf32>
      %sub3A_297 = arith.subf %while3A_267, %max3A : vector<512x1xf32>
      %exp3A = math.exp %sub3A_297 : vector<512x1xf32>
      %sub3A_298 = vector.broadcast %max3A : vector<512x1xf32> to vector<512x512xf32>
      %sub3A_299 = arith.subf %select_n3A_294, %sub3A_298 : vector<512x512xf32>
      %exp3A_300 = math.exp %sub3A_299 : vector<512x512xf32>
      %mul3A_301 = arith.mulf %while3A_268, %exp3A : vector<512x1xf32>
      %reduce_sum3A_302 = arith.constant dense<0.000000e+00> : vector<512xf32>
      %reduce_sum3A_303 = vector.multi_reduction <add>, %exp3A_300, %reduce_sum3A_302 [1] : vector<512x512xf32> to vector<512xf32>
      %broadcast_in_dim3A_304 = vector.shape_cast %reduce_sum3A_303 : vector<512xf32> to vector<512x1xf32>
      %add3A_305 = arith.addf %mul3A_301, %broadcast_in_dim3A_304 : vector<512x1xf32>
      %mul3A_306 = vector.broadcast %exp3A : vector<512x1xf32> to vector<512x128xf32>
      %mul3A_307 = arith.mulf %while3A_269, %mul3A_306 : vector<512x128xf32>
      %dot_general3A_308 = arith.constant dense<0.000000e+00> : vector<512x128xf32>
      %dot_general3A_309 = tpu.matmul %exp3A_300, %get3A_286, %dot_general3A_308 {dimension_numbers = #tpu.dot_dimension_numbers<[1], [0], [0], [1], [0, 0, 1, 1], [], []>, transpose_lhs_hint = false} : vector<512x512xf32>, vector<512x128xf32>, vector<512x128xf32> -> vector<512x128xf32>
      %add3A_310 = arith.addf %mul3A_307, %dot_general3A_309 : vector<512x128xf32>
      %dot_general3A_311 = arith.constant dense<0.000000e+00> : vector<512x512xf32>
      %dot_general3A_312 = tpu.matmul %mul3A_98, %get3A_283, %dot_general3A_311 {dimension_numbers = #tpu.dot_dimension_numbers<[1], [1], [0], [0], [0, 0, 1, 0], [], []>, transpose_lhs_hint = false} : vector<512x128xf32>, vector<512x128xf32>, vector<512x512xf32> -> vector<512x512xf32>
      %jit3A_313 = arith.constant -1.000000e+30 : f32
      %broadcast_in_dim3A_314 = vector.broadcast %jit3A_313 : f32 to vector<512x512xf32>
      %select_n3A_315 = arith.select %le3A, %dot_general3A_312, %broadcast_in_dim3A_314 : vector<512x512xi1>, vector<512x512xf32>
      %reduce_max3A_316 = arith.constant dense<0xFF800000> : vector<512xf32>
      %reduce_max3A_317 = vector.multi_reduction <maximumf>, %select_n3A_315, %reduce_max3A_316 [1] : vector<512x512xf32> to vector<512xf32>
      %broadcast_in_dim3A_318 = vector.shape_cast %reduce_max3A_317 : vector<512xf32> to vector<512x1xf32>
      %max3A_319 = arith.maximumf %while3A_270, %broadcast_in_dim3A_318 : vector<512x1xf32>
      %sub3A_320 = arith.subf %while3A_270, %max3A_319 : vector<512x1xf32>
      %exp3A_321 = math.exp %sub3A_320 : vector<512x1xf32>
      %sub3A_322 = vector.broadcast %max3A_319 : vector<512x1xf32> to vector<512x512xf32>
      %sub3A_323 = arith.subf %select_n3A_315, %sub3A_322 : vector<512x512xf32>
      %exp3A_324 = math.exp %sub3A_323 : vector<512x512xf32>
      %mul3A_325 = arith.mulf %while3A_271, %exp3A_321 : vector<512x1xf32>
      %reduce_sum3A_326 = arith.constant dense<0.000000e+00> : vector<512xf32>
      %reduce_sum3A_327 = vector.multi_reduction <add>, %exp3A_324, %reduce_sum3A_326 [1] : vector<512x512xf32> to vector<512xf32>
      %broadcast_in_dim3A_328 = vector.shape_cast %reduce_sum3A_327 : vector<512xf32> to vector<512x1xf32>
      %add3A_329 = arith.addf %mul3A_325, %broadcast_in_dim3A_328 : vector<512x1xf32>
      %mul3A_330 = vector.broadcast %exp3A_321 : vector<512x1xf32> to vector<512x128xf32>
      %mul3A_331 = arith.mulf %while3A_272, %mul3A_330 : vector<512x128xf32>
      %dot_general3A_332 = arith.constant dense<0.000000e+00> : vector<512x128xf32>
      %dot_general3A_333 = tpu.matmul %exp3A_324, %get3A_286, %dot_general3A_332 {dimension_numbers = #tpu.dot_dimension_numbers<[1], [0], [0], [1], [0, 0, 1, 1], [], []>, transpose_lhs_hint = false} : vector<512x512xf32>, vector<512x128xf32>, vector<512x128xf32> -> vector<512x128xf32>
      %add3A_334 = arith.addf %mul3A_331, %dot_general3A_333 : vector<512x128xf32>
      %dot_general3A_335 = arith.constant dense<0.000000e+00> : vector<512x512xf32>
      %dot_general3A_336 = tpu.matmul %mul3A_151, %get3A_283, %dot_general3A_335 {dimension_numbers = #tpu.dot_dimension_numbers<[1], [1], [0], [0], [0, 0, 1, 0], [], []>, transpose_lhs_hint = false} : vector<512x128xf32>, vector<512x128xf32>, vector<512x512xf32> -> vector<512x512xf32>
      %jit3A_337 = arith.constant -1.000000e+30 : f32
      %broadcast_in_dim3A_338 = vector.broadcast %jit3A_337 : f32 to vector<512x512xf32>
      %select_n3A_339 = arith.select %le3A, %dot_general3A_336, %broadcast_in_dim3A_338 : vector<512x512xi1>, vector<512x512xf32>
      %reduce_max3A_340 = arith.constant dense<0xFF800000> : vector<512xf32>
      %reduce_max3A_341 = vector.multi_reduction <maximumf>, %select_n3A_339, %reduce_max3A_340 [1] : vector<512x512xf32> to vector<512xf32>
      %broadcast_in_dim3A_342 = vector.shape_cast %reduce_max3A_341 : vector<512xf32> to vector<512x1xf32>
      %max3A_343 = arith.maximumf %while3A_273, %broadcast_in_dim3A_342 : vector<512x1xf32>
      %sub3A_344 = arith.subf %while3A_273, %max3A_343 : vector<512x1xf32>
      %exp3A_345 = math.exp %sub3A_344 : vector<512x1xf32>
      %sub3A_346 = vector.broadcast %max3A_343 : vector<512x1xf32> to vector<512x512xf32>
      %sub3A_347 = arith.subf %select_n3A_339, %sub3A_346 : vector<512x512xf32>
      %exp3A_348 = math.exp %sub3A_347 : vector<512x512xf32>
      %mul3A_349 = arith.mulf %while3A_274, %exp3A_345 : vector<512x1xf32>
      %reduce_sum3A_350 = arith.constant dense<0.000000e+00> : vector<512xf32>
      %reduce_sum3A_351 = vector.multi_reduction <add>, %exp3A_348, %reduce_sum3A_350 [1] : vector<512x512xf32> to vector<512xf32>
      %broadcast_in_dim3A_352 = vector.shape_cast %reduce_sum3A_351 : vector<512xf32> to vector<512x1xf32>
      %add3A_353 = arith.addf %mul3A_349, %broadcast_in_dim3A_352 : vector<512x1xf32>
      %mul3A_354 = vector.broadcast %exp3A_345 : vector<512x1xf32> to vector<512x128xf32>
      %mul3A_355 = arith.mulf %while3A_275, %mul3A_354 : vector<512x128xf32>
      %dot_general3A_356 = arith.constant dense<0.000000e+00> : vector<512x128xf32>
      %dot_general3A_357 = tpu.matmul %exp3A_348, %get3A_286, %dot_general3A_356 {dimension_numbers = #tpu.dot_dimension_numbers<[1], [0], [0], [1], [0, 0, 1, 1], [], []>, transpose_lhs_hint = false} : vector<512x512xf32>, vector<512x128xf32>, vector<512x128xf32> -> vector<512x128xf32>
      %add3A_358 = arith.addf %mul3A_355, %dot_general3A_357 : vector<512x128xf32>
      %dot_general3A_359 = arith.constant dense<0.000000e+00> : vector<512x512xf32>
      %dot_general3A_360 = tpu.matmul %mul3A_204, %get3A_283, %dot_general3A_359 {dimension_numbers = #tpu.dot_dimension_numbers<[1], [1], [0], [0], [0, 0, 1, 0], [], []>, transpose_lhs_hint = false} : vector<512x128xf32>, vector<512x128xf32>, vector<512x512xf32> -> vector<512x512xf32>
      %jit3A_361 = arith.constant -1.000000e+30 : f32
      %broadcast_in_dim3A_362 = vector.broadcast %jit3A_361 : f32 to vector<512x512xf32>
      %select_n3A_363 = arith.select %le3A, %dot_general3A_360, %broadcast_in_dim3A_362 : vector<512x512xi1>, vector<512x512xf32>
      %reduce_max3A_364 = arith.constant dense<0xFF800000> : vector<512xf32>
      %reduce_max3A_365 = vector.multi_reduction <maximumf>, %select_n3A_363, %reduce_max3A_364 [1] : vector<512x512xf32> to vector<512xf32>
      %broadcast_in_dim3A_366 = vector.shape_cast %reduce_max3A_365 : vector<512xf32> to vector<512x1xf32>
      %max3A_367 = arith.maximumf %while3A_276, %broadcast_in_dim3A_366 : vector<512x1xf32>
      %sub3A_368 = arith.subf %while3A_276, %max3A_367 : vector<512x1xf32>
      %exp3A_369 = math.exp %sub3A_368 : vector<512x1xf32>
      %sub3A_370 = vector.broadcast %max3A_367 : vector<512x1xf32> to vector<512x512xf32>
      %sub3A_371 = arith.subf %select_n3A_363, %sub3A_370 : vector<512x512xf32>
      %exp3A_372 = math.exp %sub3A_371 : vector<512x512xf32>
      %mul3A_373 = arith.mulf %while3A_277, %exp3A_369 : vector<512x1xf32>
      %reduce_sum3A_374 = arith.constant dense<0.000000e+00> : vector<512xf32>
      %reduce_sum3A_375 = vector.multi_reduction <add>, %exp3A_372, %reduce_sum3A_374 [1] : vector<512x512xf32> to vector<512xf32>
      %broadcast_in_dim3A_376 = vector.shape_cast %reduce_sum3A_375 : vector<512xf32> to vector<512x1xf32>
      %add3A_377 = arith.addf %mul3A_373, %broadcast_in_dim3A_376 : vector<512x1xf32>
      %mul3A_378 = vector.broadcast %exp3A_369 : vector<512x1xf32> to vector<512x128xf32>
      %mul3A_379 = arith.mulf %while3A_278, %mul3A_378 : vector<512x128xf32>
      %dot_general3A_380 = arith.constant dense<0.000000e+00> : vector<512x128xf32>
      %dot_general3A_381 = tpu.matmul %exp3A_372, %get3A_286, %dot_general3A_380 {dimension_numbers = #tpu.dot_dimension_numbers<[1], [0], [0], [1], [0, 0, 1, 1], [], []>, transpose_lhs_hint = false} : vector<512x512xf32>, vector<512x128xf32>, vector<512x128xf32> -> vector<512x128xf32>
      %add3A_382 = arith.addf %mul3A_379, %dot_general3A_381 : vector<512x128xf32>
      scf.yield %max3A, %add3A_305, %add3A_310, %max3A_319, %add3A_329, %add3A_334, %max3A_343, %add3A_353, %add3A_358, %max3A_367, %add3A_377, %add3A_382 : vector<512x1xf32>, vector<512x1xf32>, vector<512x128xf32>, vector<512x1xf32>, vector<512x1xf32>, vector<512x128xf32>, vector<512x1xf32>, vector<512x1xf32>, vector<512x128xf32>, vector<512x1xf32>, vector<512x1xf32>, vector<512x128xf32>
    }
    %while3A_245 = arith.constant 1 : i32
    %while3A_246:12 = scf.for %while3A_266 = %while3A_242 to %while3A_238 step %while3A_245 iter_args(%while3A_267 = %while3A_244#0, %while3A_268 = %while3A_244#1, %while3A_269 = %while3A_244#2, %while3A_270 = %while3A_244#3, %while3A_271 = %while3A_244#4, %while3A_272 = %while3A_244#5, %while3A_273 = %while3A_244#6, %while3A_274 = %while3A_244#7, %while3A_275 = %while3A_244#8, %while3A_276 = %while3A_244#9, %while3A_277 = %while3A_244#10, %while3A_278 = %while3A_244#11) -> (vector<512x1xf32>, vector<512x1xf32>, vector<512x128xf32>, vector<512x1xf32>, vector<512x1xf32>, vector<512x128xf32>, vector<512x1xf32>, vector<512x1xf32>, vector<512x128xf32>, vector<512x1xf32>, vector<512x1xf32>, vector<512x128xf32>)  : i32 {
      %mul3A_279 = arith.constant 512 : i32
      %mul3A_280 = arith.muli %while3A_266, %mul3A_279 : i32
      %get3A_281 = arith.index_cast %mul3A_280 : i32 to index
      %get3A_282 = arith.constant 0 : index
      %get3A_283 = vector.load %arg8[%get3A_281, %get3A_282] : memref<2048x128xf32, #tpu.memory_space<vmem>>, vector<512x128xf32>
      %get3A_284 = arith.index_cast %mul3A_280 : i32 to index
      %get3A_285 = arith.constant 0 : index
      %get3A_286 = vector.load %arg4[%get3A_284, %get3A_285] : memref<2048x128xf32, #tpu.memory_space<vmem>>, vector<512x128xf32>
      %mul3A_287 = arith.constant 512 : i32
      %mul3A_288 = arith.muli %while3A_266, %mul3A_287 : i32
      %add3A_289 = vector.broadcast %mul3A_288 : i32 to vector<512x512xi32>
      %add3A_290 = arith.addi %add3A_289, %iota3A_4 : vector<512x512xi32>
      %le3A = arith.cmpi sle, %add3A_290, %add3A_3 : vector<512x512xi32>
      %dot_general3A = arith.constant dense<0.000000e+00> : vector<512x512xf32>
      %dot_general3A_291 = tpu.matmul %mul3A_45, %get3A_283, %dot_general3A {dimension_numbers = #tpu.dot_dimension_numbers<[1], [1], [0], [0], [0, 0, 1, 0], [], []>, transpose_lhs_hint = false} : vector<512x128xf32>, vector<512x128xf32>, vector<512x512xf32> -> vector<512x512xf32>
      %jit3A_292 = arith.constant -1.000000e+30 : f32
      %broadcast_in_dim3A_293 = vector.broadcast %jit3A_292 : f32 to vector<512x512xf32>
      %select_n3A_294 = arith.select %le3A, %dot_general3A_291, %broadcast_in_dim3A_293 : vector<512x512xi1>, vector<512x512xf32>
      %reduce_max3A = arith.constant dense<0xFF800000> : vector<512xf32>
      %reduce_max3A_295 = vector.multi_reduction <maximumf>, %select_n3A_294, %reduce_max3A [1] : vector<512x512xf32> to vector<512xf32>
      %broadcast_in_dim3A_296 = vector.shape_cast %reduce_max3A_295 : vector<512xf32> to vector<512x1xf32>
      %max3A = arith.maximumf %while3A_267, %broadcast_in_dim3A_296 : vector<512x1xf32>
      %sub3A_297 = arith.subf %while3A_267, %max3A : vector<512x1xf32>
      %exp3A = math.exp %sub3A_297 : vector<512x1xf32>
      %sub3A_298 = vector.broadcast %max3A : vector<512x1xf32> to vector<512x512xf32>
      %sub3A_299 = arith.subf %select_n3A_294, %sub3A_298 : vector<512x512xf32>
      %exp3A_300 = math.exp %sub3A_299 : vector<512x512xf32>
      %mul3A_301 = arith.mulf %while3A_268, %exp3A : vector<512x1xf32>
      %reduce_sum3A_302 = arith.constant dense<0.000000e+00> : vector<512xf32>
      %reduce_sum3A_303 = vector.multi_reduction <add>, %exp3A_300, %reduce_sum3A_302 [1] : vector<512x512xf32> to vector<512xf32>
      %broadcast_in_dim3A_304 = vector.shape_cast %reduce_sum3A_303 : vector<512xf32> to vector<512x1xf32>
      %add3A_305 = arith.addf %mul3A_301, %broadcast_in_dim3A_304 : vector<512x1xf32>
      %mul3A_306 = vector.broadcast %exp3A : vector<512x1xf32> to vector<512x128xf32>
      %mul3A_307 = arith.mulf %while3A_269, %mul3A_306 : vector<512x128xf32>
      %dot_general3A_308 = arith.constant dense<0.000000e+00> : vector<512x128xf32>
      %dot_general3A_309 = tpu.matmul %exp3A_300, %get3A_286, %dot_general3A_308 {dimension_numbers = #tpu.dot_dimension_numbers<[1], [0], [0], [1], [0, 0, 1, 1], [], []>, transpose_lhs_hint = false} : vector<512x512xf32>, vector<512x128xf32>, vector<512x128xf32> -> vector<512x128xf32>
      %add3A_310 = arith.addf %mul3A_307, %dot_general3A_309 : vector<512x128xf32>
      %dot_general3A_311 = arith.constant dense<0.000000e+00> : vector<512x512xf32>
      %dot_general3A_312 = tpu.matmul %mul3A_98, %get3A_283, %dot_general3A_311 {dimension_numbers = #tpu.dot_dimension_numbers<[1], [1], [0], [0], [0, 0, 1, 0], [], []>, transpose_lhs_hint = false} : vector<512x128xf32>, vector<512x128xf32>, vector<512x512xf32> -> vector<512x512xf32>
      %jit3A_313 = arith.constant -1.000000e+30 : f32
      %broadcast_in_dim3A_314 = vector.broadcast %jit3A_313 : f32 to vector<512x512xf32>
      %select_n3A_315 = arith.select %le3A, %dot_general3A_312, %broadcast_in_dim3A_314 : vector<512x512xi1>, vector<512x512xf32>
      %reduce_max3A_316 = arith.constant dense<0xFF800000> : vector<512xf32>
      %reduce_max3A_317 = vector.multi_reduction <maximumf>, %select_n3A_315, %reduce_max3A_316 [1] : vector<512x512xf32> to vector<512xf32>
      %broadcast_in_dim3A_318 = vector.shape_cast %reduce_max3A_317 : vector<512xf32> to vector<512x1xf32>
      %max3A_319 = arith.maximumf %while3A_270, %broadcast_in_dim3A_318 : vector<512x1xf32>
      %sub3A_320 = arith.subf %while3A_270, %max3A_319 : vector<512x1xf32>
      %exp3A_321 = math.exp %sub3A_320 : vector<512x1xf32>
      %sub3A_322 = vector.broadcast %max3A_319 : vector<512x1xf32> to vector<512x512xf32>
      %sub3A_323 = arith.subf %select_n3A_315, %sub3A_322 : vector<512x512xf32>
      %exp3A_324 = math.exp %sub3A_323 : vector<512x512xf32>
      %mul3A_325 = arith.mulf %while3A_271, %exp3A_321 : vector<512x1xf32>
      %reduce_sum3A_326 = arith.constant dense<0.000000e+00> : vector<512xf32>
      %reduce_sum3A_327 = vector.multi_reduction <add>, %exp3A_324, %reduce_sum3A_326 [1] : vector<512x512xf32> to vector<512xf32>
      %broadcast_in_dim3A_328 = vector.shape_cast %reduce_sum3A_327 : vector<512xf32> to vector<512x1xf32>
      %add3A_329 = arith.addf %mul3A_325, %broadcast_in_dim3A_328 : vector<512x1xf32>
      %mul3A_330 = vector.broadcast %exp3A_321 : vector<512x1xf32> to vector<512x128xf32>
      %mul3A_331 = arith.mulf %while3A_272, %mul3A_330 : vector<512x128xf32>
      %dot_general3A_332 = arith.constant dense<0.000000e+00> : vector<512x128xf32>
      %dot_general3A_333 = tpu.matmul %exp3A_324, %get3A_286, %dot_general3A_332 {dimension_numbers = #tpu.dot_dimension_numbers<[1], [0], [0], [1], [0, 0, 1, 1], [], []>, transpose_lhs_hint = false} : vector<512x512xf32>, vector<512x128xf32>, vector<512x128xf32> -> vector<512x128xf32>
      %add3A_334 = arith.addf %mul3A_331, %dot_general3A_333 : vector<512x128xf32>
      %dot_general3A_335 = arith.constant dense<0.000000e+00> : vector<512x512xf32>
      %dot_general3A_336 = tpu.matmul %mul3A_151, %get3A_283, %dot_general3A_335 {dimension_numbers = #tpu.dot_dimension_numbers<[1], [1], [0], [0], [0, 0, 1, 0], [], []>, transpose_lhs_hint = false} : vector<512x128xf32>, vector<512x128xf32>, vector<512x512xf32> -> vector<512x512xf32>
      %jit3A_337 = arith.constant -1.000000e+30 : f32
      %broadcast_in_dim3A_338 = vector.broadcast %jit3A_337 : f32 to vector<512x512xf32>
      %select_n3A_339 = arith.select %le3A, %dot_general3A_336, %broadcast_in_dim3A_338 : vector<512x512xi1>, vector<512x512xf32>
      %reduce_max3A_340 = arith.constant dense<0xFF800000> : vector<512xf32>
      %reduce_max3A_341 = vector.multi_reduction <maximumf>, %select_n3A_339, %reduce_max3A_340 [1] : vector<512x512xf32> to vector<512xf32>
      %broadcast_in_dim3A_342 = vector.shape_cast %reduce_max3A_341 : vector<512xf32> to vector<512x1xf32>
      %max3A_343 = arith.maximumf %while3A_273, %broadcast_in_dim3A_342 : vector<512x1xf32>
      %sub3A_344 = arith.subf %while3A_273, %max3A_343 : vector<512x1xf32>
      %exp3A_345 = math.exp %sub3A_344 : vector<512x1xf32>
      %sub3A_346 = vector.broadcast %max3A_343 : vector<512x1xf32> to vector<512x512xf32>
      %sub3A_347 = arith.subf %select_n3A_339, %sub3A_346 : vector<512x512xf32>
      %exp3A_348 = math.exp %sub3A_347 : vector<512x512xf32>
      %mul3A_349 = arith.mulf %while3A_274, %exp3A_345 : vector<512x1xf32>
      %reduce_sum3A_350 = arith.constant dense<0.000000e+00> : vector<512xf32>
      %reduce_sum3A_351 = vector.multi_reduction <add>, %exp3A_348, %reduce_sum3A_350 [1] : vector<512x512xf32> to vector<512xf32>
      %broadcast_in_dim3A_352 = vector.shape_cast %reduce_sum3A_351 : vector<512xf32> to vector<512x1xf32>
      %add3A_353 = arith.addf %mul3A_349, %broadcast_in_dim3A_352 : vector<512x1xf32>
      %mul3A_354 = vector.broadcast %exp3A_345 : vector<512x1xf32> to vector<512x128xf32>
      %mul3A_355 = arith.mulf %while3A_275, %mul3A_354 : vector<512x128xf32>
      %dot_general3A_356 = arith.constant dense<0.000000e+00> : vector<512x128xf32>
      %dot_general3A_357 = tpu.matmul %exp3A_348, %get3A_286, %dot_general3A_356 {dimension_numbers = #tpu.dot_dimension_numbers<[1], [0], [0], [1], [0, 0, 1, 1], [], []>, transpose_lhs_hint = false} : vector<512x512xf32>, vector<512x128xf32>, vector<512x128xf32> -> vector<512x128xf32>
      %add3A_358 = arith.addf %mul3A_355, %dot_general3A_357 : vector<512x128xf32>
      %dot_general3A_359 = arith.constant dense<0.000000e+00> : vector<512x512xf32>
      %dot_general3A_360 = tpu.matmul %mul3A_204, %get3A_283, %dot_general3A_359 {dimension_numbers = #tpu.dot_dimension_numbers<[1], [1], [0], [0], [0, 0, 1, 0], [], []>, transpose_lhs_hint = false} : vector<512x128xf32>, vector<512x128xf32>, vector<512x512xf32> -> vector<512x512xf32>
      %jit3A_361 = arith.constant -1.000000e+30 : f32
      %broadcast_in_dim3A_362 = vector.broadcast %jit3A_361 : f32 to vector<512x512xf32>
      %select_n3A_363 = arith.select %le3A, %dot_general3A_360, %broadcast_in_dim3A_362 : vector<512x512xi1>, vector<512x512xf32>
      %reduce_max3A_364 = arith.constant dense<0xFF800000> : vector<512xf32>
      %reduce_max3A_365 = vector.multi_reduction <maximumf>, %select_n3A_363, %reduce_max3A_364 [1] : vector<512x512xf32> to vector<512xf32>
      %broadcast_in_dim3A_366 = vector.shape_cast %reduce_max3A_365 : vector<512xf32> to vector<512x1xf32>
      %max3A_367 = arith.maximumf %while3A_276, %broadcast_in_dim3A_366 : vector<512x1xf32>
      %sub3A_368 = arith.subf %while3A_276, %max3A_367 : vector<512x1xf32>
      %exp3A_369 = math.exp %sub3A_368 : vector<512x1xf32>
      %sub3A_370 = vector.broadcast %max3A_367 : vector<512x1xf32> to vector<512x512xf32>
      %sub3A_371 = arith.subf %select_n3A_363, %sub3A_370 : vector<512x512xf32>
      %exp3A_372 = math.exp %sub3A_371 : vector<512x512xf32>
      %mul3A_373 = arith.mulf %while3A_277, %exp3A_369 : vector<512x1xf32>
      %reduce_sum3A_374 = arith.constant dense<0.000000e+00> : vector<512xf32>
      %reduce_sum3A_375 = vector.multi_reduction <add>, %exp3A_372, %reduce_sum3A_374 [1] : vector<512x512xf32> to vector<512xf32>
      %broadcast_in_dim3A_376 = vector.shape_cast %reduce_sum3A_375 : vector<512xf32> to vector<512x1xf32>
      %add3A_377 = arith.addf %mul3A_373, %broadcast_in_dim3A_376 : vector<512x1xf32>
      %mul3A_378 = vector.broadcast %exp3A_369 : vector<512x1xf32> to vector<512x128xf32>
      %mul3A_379 = arith.mulf %while3A_278, %mul3A_378 : vector<512x128xf32>
      %dot_general3A_380 = arith.constant dense<0.000000e+00> : vector<512x128xf32>
      %dot_general3A_381 = tpu.matmul %exp3A_372, %get3A_286, %dot_general3A_380 {dimension_numbers = #tpu.dot_dimension_numbers<[1], [0], [0], [1], [0, 0, 1, 1], [], []>, transpose_lhs_hint = false} : vector<512x512xf32>, vector<512x128xf32>, vector<512x128xf32> -> vector<512x128xf32>
      %add3A_382 = arith.addf %mul3A_379, %dot_general3A_381 : vector<512x128xf32>
      scf.yield %max3A, %add3A_305, %add3A_310, %max3A_319, %add3A_329, %add3A_334, %max3A_343, %add3A_353, %add3A_358, %max3A_367, %add3A_377, %add3A_382 : vector<512x1xf32>, vector<512x1xf32>, vector<512x128xf32>, vector<512x1xf32>, vector<512x1xf32>, vector<512x128xf32>, vector<512x1xf32>, vector<512x1xf32>, vector<512x128xf32>, vector<512x1xf32>, vector<512x1xf32>, vector<512x128xf32>
    }
    %div3A_247 = vector.broadcast %while3A_246#1 : vector<512x1xf32> to vector<512x128xf32>
    %div3A_248 = arith.divf %while3A_246#2, %div3A_247 : vector<512x128xf32>
    %swap3A = arith.constant 0 : index
    %swap3A_249 = arith.constant 0 : index
    %swap3A_250 = vector.load %arg7[%swap3A, %swap3A_249] : memref<512x512xf32, #tpu.memory_space<vmem>>, vector<512x128xf32>
    tpu.vector_store %arg7[%swap3A, %swap3A_249], %div3A_248 {strides = array<i32>} : memref<512x512xf32, #tpu.memory_space<vmem>>, vector<512x128xf32>,
    %div3A_251 = vector.broadcast %while3A_246#4 : vector<512x1xf32> to vector<512x128xf32>
    %div3A_252 = arith.divf %while3A_246#5, %div3A_251 : vector<512x128xf32>
    %swap3A_253 = arith.constant 0 : index
    %swap3A_254 = arith.constant 128 : index
    %swap3A_255 = vector.load %arg7[%swap3A_253, %swap3A_254] : memref<512x512xf32, #tpu.memory_space<vmem>>, vector<512x128xf32>
    tpu.vector_store %arg7[%swap3A_253, %swap3A_254], %div3A_252 {strides = array<i32>} : memref<512x512xf32, #tpu.memory_space<vmem>>, vector<512x128xf32>,
    %div3A_256 = vector.broadcast %while3A_246#7 : vector<512x1xf32> to vector<512x128xf32>
    %div3A_257 = arith.divf %while3A_246#8, %div3A_256 : vector<512x128xf32>
    %swap3A_258 = arith.constant 0 : index
    %swap3A_259 = arith.constant 256 : index
    %swap3A_260 = vector.load %arg7[%swap3A_258, %swap3A_259] : memref<512x512xf32, #tpu.memory_space<vmem>>, vector<512x128xf32>
    tpu.vector_store %arg7[%swap3A_258, %swap3A_259], %div3A_257 {strides = array<i32>} : memref<512x512xf32, #tpu.memory_space<vmem>>, vector<512x128xf32>,
    %div3A_261 = vector.broadcast %while3A_246#10 : vector<512x1xf32> to vector<512x128xf32>
    %div3A_262 = arith.divf %while3A_246#11, %div3A_261 : vector<512x128xf32>
    %swap3A_263 = arith.constant 0 : index
    %swap3A_264 = arith.constant 384 : index
    %swap3A_265 = vector.load %arg7[%swap3A_263, %swap3A_264] : memref<512x512xf32, #tpu.memory_space<vmem>>, vector<512x128xf32>
    tpu.vector_store %arg7[%swap3A_263, %swap3A_264], %div3A_262 {strides = array<i32>} : memref<512x512xf32, #tpu.memory_space<vmem>>, vector<512x128xf32>,
    return
  }
  func.func @transform_0(%arg0: i32, %arg1: i32) -> (i32, i32) {
    %c0_i32 = arith.constant 0 : i32
    return %arg1, %arg0 : i32, i32
  }
  func.func @transform_1(%arg0: i32, %arg1: i32) -> (i32, i32) {
    %add3A = arith.constant 16 : i32
    %add3A_0 = arith.addi %add3A, %arg0 : i32
    %c0_i32 = arith.constant 0 : i32
    %c0_i32_1 = arith.constant 0 : i32
    return %c0_i32, %add3A_0 : i32, i32
  }
  func.func @transform_2(%arg0: i32, %arg1: i32) -> (i32, i32) {
    %add3A = arith.constant 20 : i32
    %add3A_0 = arith.addi %add3A, %arg0 : i32
    %c0_i32 = arith.constant 0 : i32
    %c0_i32_1 = arith.constant 0 : i32
    return %c0_i32, %add3A_0 : i32, i32
  }
  func.func @transform_3(%arg0: i32, %arg1: i32) -> (i32, i32) {
    %c0_i32 = arith.constant 0 : i32
    %c0_i32_0 = arith.constant 0 : i32
    %c0_i32_1 = arith.constant 0 : i32
    return %c0_i32, %c0_i32_0 : i32, i32
  }
  func.func @transform_4(%arg0: i32, %arg1: i32) -> (i32, i32) {
    %c0_i32 = arith.constant 0 : i32
    %c0_i32_0 = arith.constant 0 : i32
    %c0_i32_1 = arith.constant 0 : i32
    return %c0_i32, %c0_i32_0 : i32, i32
  }
  func.func @transform_5(%arg0: i32, %arg1: i32) -> (i32, i32) {
    %c0_i32 = arith.constant 0 : i32
    return %arg1, %arg0 : i32, i32
  }
}

module attributes {stable_mosaic.version = 14 : i64} {
  func.func @_oproj_kernel(%arg0: i32, %arg1: memref<256x2048xf32, #tpu.memory_space<vmem>>, %arg2: memref<256x2048xf32, #tpu.memory_space<vmem>>, %arg3: memref<2048x2048xf32, #tpu.memory_space<vmem>>, %arg4: memref<1x2048xf32, #tpu.memory_space<vmem>>, %arg5: memref<2048x8xf32, #tpu.memory_space<vmem>>, %arg6: memref<256x2048xf32, #tpu.memory_space<vmem>>, %arg7: memref<256x2048xf32, #tpu.memory_space<vmem>>, %arg8: memref<256x8xf32, #tpu.memory_space<vmem>>) attributes {dimension_semantics = [#tpu.dimension_semantics<arbitrary>], iteration_bounds = array<i64: 8>, scalar_prefetch = 0 : i64, scratch_operands = 0 : i64, tpu.core_type = #tpu.core_type<tc>, window_params = [{transform_indices = @transform_0, window_bounds = array<i64: 256, 2048>}, {transform_indices = @transform_1, window_bounds = array<i64: 256, 2048>}, {pipeline_mode = #tpu.pipeline_mode<synchronous>, transform_indices = @transform_2, window_bounds = array<i64: 2048, 2048>}, {pipeline_mode = #tpu.pipeline_mode<synchronous>, transform_indices = @transform_3, window_bounds = array<i64: 1, 2048>}, {pipeline_mode = #tpu.pipeline_mode<synchronous>, transform_indices = @transform_4, window_bounds = array<i64: 2048, 8>}, {transform_indices = @transform_5, window_bounds = array<i64: 256, 2048>}, {transform_indices = @transform_6, window_bounds = array<i64: 256, 2048>}, {transform_indices = @transform_7, window_bounds = array<i64: 256, 8>}]} {
    %get3A = arith.constant 0 : index
    %get3A_0 = arith.constant 0 : index
    %get3A_1 = vector.load %arg1[%get3A, %get3A_0] : memref<256x2048xf32, #tpu.memory_space<vmem>>, vector<256x2048xf32>
    %get3A_2 = arith.constant 0 : index
    %get3A_3 = arith.constant 0 : index
    %get3A_4 = vector.load %arg3[%get3A_2, %get3A_3] : memref<2048x2048xf32, #tpu.memory_space<vmem>>, vector<2048x2048xf32>
    %dot_general3A = arith.constant dense<0.000000e+00> : vector<256x2048xf32>
    %dot_general3A_5 = tpu.matmul %get3A_1, %get3A_4, %dot_general3A {dimension_numbers = #tpu.dot_dimension_numbers<[1], [0], [0], [1], [0, 0, 1, 1], [], []>, transpose_lhs_hint = false} : vector<256x2048xf32>, vector<2048x2048xf32>, vector<256x2048xf32> -> vector<256x2048xf32>
    %get3A_6 = arith.constant 0 : index
    %get3A_7 = arith.constant 0 : index
    %get3A_8 = vector.load %arg2[%get3A_6, %get3A_7] : memref<256x2048xf32, #tpu.memory_space<vmem>>, vector<256x2048xf32>
    %add3A = arith.addf %get3A_8, %dot_general3A_5 : vector<256x2048xf32>
    %swap3A = arith.constant 0 : index
    %swap3A_9 = arith.constant 0 : index
    %swap3A_10 = vector.load %arg6[%swap3A, %swap3A_9] : memref<256x2048xf32, #tpu.memory_space<vmem>>, vector<256x2048xf32>
    tpu.vector_store %arg6[%swap3A, %swap3A_9], %add3A {strides = array<i32>} : memref<256x2048xf32, #tpu.memory_space<vmem>>, vector<256x2048xf32>,
    %get3A_11 = arith.constant 0 : index
    %get3A_12 = arith.constant 0 : index
    %get3A_13 = vector.load %arg4[%get3A_11, %get3A_12] : memref<1x2048xf32, #tpu.memory_space<vmem>>, vector<1x2048xf32>
    %square3A = arith.mulf %add3A, %add3A : vector<256x2048xf32>
    %reduce_sum3A = arith.constant dense<0.000000e+00> : vector<256xf32>
    %reduce_sum3A_14 = vector.multi_reduction <add>, %square3A, %reduce_sum3A [1] : vector<256x2048xf32> to vector<256xf32>
    %broadcast_in_dim3A = vector.shape_cast %reduce_sum3A_14 : vector<256xf32> to vector<256x1xf32>
    %div3A = arith.constant 2.048000e+03 : f32
    %div3A_15 = vector.broadcast %div3A : f32 to vector<256x1xf32>
    %div3A_16 = arith.divf %broadcast_in_dim3A, %div3A_15 : vector<256x1xf32>
    %add3A_17 = arith.constant 9.99999997E-7 : f32
    %add3A_18 = vector.broadcast %add3A_17 : f32 to vector<256x1xf32>
    %add3A_19 = arith.addf %div3A_16, %add3A_18 : vector<256x1xf32>
    %rsqrt3A = math.rsqrt %add3A_19 : vector<256x1xf32>
    %mul3A = vector.broadcast %rsqrt3A : vector<256x1xf32> to vector<256x2048xf32>
    %mul3A_20 = arith.mulf %add3A, %mul3A : vector<256x2048xf32>
    %mul3A_21 = vector.broadcast %get3A_13 : vector<1x2048xf32> to vector<256x2048xf32>
    %mul3A_22 = arith.mulf %mul3A_20, %mul3A_21 : vector<256x2048xf32>
    %swap3A_23 = arith.constant 0 : index
    %swap3A_24 = arith.constant 0 : index
    %swap3A_25 = vector.load %arg7[%swap3A_23, %swap3A_24] : memref<256x2048xf32, #tpu.memory_space<vmem>>, vector<256x2048xf32>
    tpu.vector_store %arg7[%swap3A_23, %swap3A_24], %mul3A_22 {strides = array<i32>} : memref<256x2048xf32, #tpu.memory_space<vmem>>, vector<256x2048xf32>,
    %get3A_26 = arith.constant 0 : index
    %get3A_27 = arith.constant 0 : index
    %get3A_28 = vector.load %arg5[%get3A_26, %get3A_27] : memref<2048x8xf32, #tpu.memory_space<vmem>>, vector<2048x8xf32>
    %dot_general3A_29 = arith.constant dense<0.000000e+00> : vector<256x8xf32>
    %dot_general3A_30 = tpu.matmul %mul3A_22, %get3A_28, %dot_general3A_29 {dimension_numbers = #tpu.dot_dimension_numbers<[1], [0], [0], [1], [0, 0, 1, 1], [], []>, transpose_lhs_hint = false} : vector<256x2048xf32>, vector<2048x8xf32>, vector<256x8xf32> -> vector<256x8xf32>
    %reduce_max3A = arith.constant dense<0xFF800000> : vector<256xf32>
    %reduce_max3A_31 = vector.multi_reduction <maximumf>, %dot_general3A_30, %reduce_max3A [1] : vector<256x8xf32> to vector<256xf32>
    %broadcast_in_dim3A_32 = vector.shape_cast %reduce_max3A_31 : vector<256xf32> to vector<256x1xf32>
    %sub3A = vector.broadcast %broadcast_in_dim3A_32 : vector<256x1xf32> to vector<256x8xf32>
    %sub3A_33 = arith.subf %dot_general3A_30, %sub3A : vector<256x8xf32>
    %exp3A = math.exp %sub3A_33 : vector<256x8xf32>
    %reduce_sum3A_34 = arith.constant dense<0.000000e+00> : vector<256xf32>
    %reduce_sum3A_35 = vector.multi_reduction <add>, %exp3A, %reduce_sum3A_34 [1] : vector<256x8xf32> to vector<256xf32>
    %broadcast_in_dim3A_36 = vector.shape_cast %reduce_sum3A_35 : vector<256xf32> to vector<256x1xf32>
    %div3A_37 = vector.broadcast %broadcast_in_dim3A_36 : vector<256x1xf32> to vector<256x8xf32>
    %div3A_38 = arith.divf %exp3A, %div3A_37 : vector<256x8xf32>
    %reduce_max3A_39 = arith.constant dense<0xFF800000> : vector<256xf32>
    %reduce_max3A_40 = vector.multi_reduction <maximumf>, %div3A_38, %reduce_max3A_39 [1] : vector<256x8xf32> to vector<256xf32>
    %broadcast_in_dim3A_41 = vector.shape_cast %reduce_max3A_40 : vector<256xf32> to vector<256x1xf32>
    %ge3A = vector.broadcast %broadcast_in_dim3A_41 : vector<256x1xf32> to vector<256x8xf32>
    %ge3A_42 = arith.cmpf oge, %div3A_38, %ge3A : vector<256x8xf32>
    %jit3A = arith.constant -1.000000e+00 : f32
    %broadcast_in_dim3A_43 = vector.broadcast %jit3A : f32 to vector<256x8xf32>
    %select_n3A = arith.select %ge3A_42, %broadcast_in_dim3A_43, %div3A_38 : vector<256x8xi1>, vector<256x8xf32>
    %reduce_max3A_44 = arith.constant dense<0xFF800000> : vector<256xf32>
    %reduce_max3A_45 = vector.multi_reduction <maximumf>, %select_n3A, %reduce_max3A_44 [1] : vector<256x8xf32> to vector<256xf32>
    %broadcast_in_dim3A_46 = vector.shape_cast %reduce_max3A_45 : vector<256xf32> to vector<256x1xf32>
    %ge3A_47 = vector.broadcast %broadcast_in_dim3A_46 : vector<256x1xf32> to vector<256x8xf32>
    %ge3A_48 = arith.cmpf oge, %div3A_38, %ge3A_47 : vector<256x8xf32>
    %jit3A_49 = arith.constant 0.000000e+00 : f32
    %broadcast_in_dim3A_50 = vector.broadcast %jit3A_49 : f32 to vector<256x8xf32>
    %select_n3A_51 = arith.select %ge3A_48, %div3A_38, %broadcast_in_dim3A_50 : vector<256x8xi1>, vector<256x8xf32>
    %add3A_52 = arith.addf %broadcast_in_dim3A_41, %broadcast_in_dim3A_46 : vector<256x1xf32>
    %div3A_53 = vector.broadcast %add3A_52 : vector<256x1xf32> to vector<256x8xf32>
    %div3A_54 = arith.divf %select_n3A_51, %div3A_53 : vector<256x8xf32>
    %swap3A_55 = arith.constant 0 : index
    %swap3A_56 = arith.constant 0 : index
    %swap3A_57 = vector.load %arg8[%swap3A_55, %swap3A_56] : memref<256x8xf32, #tpu.memory_space<vmem>>, vector<256x8xf32>
    tpu.vector_store %arg8[%swap3A_55, %swap3A_56], %div3A_54 {strides = array<i32>} : memref<256x8xf32, #tpu.memory_space<vmem>>, vector<256x8xf32>,
    return
  }
  func.func @transform_0(%arg0: i32) -> (i32, i32) {
    %c0_i32 = arith.constant 0 : i32
    %c0_i32_0 = arith.constant 0 : i32
    return %arg0, %c0_i32 : i32, i32
  }
  func.func @transform_1(%arg0: i32) -> (i32, i32) {
    %c0_i32 = arith.constant 0 : i32
    %c0_i32_0 = arith.constant 0 : i32
    return %arg0, %c0_i32 : i32, i32
  }
  func.func @transform_2(%arg0: i32) -> (i32, i32) {
    %c0_i32 = arith.constant 0 : i32
    %c0_i32_0 = arith.constant 0 : i32
    %c0_i32_1 = arith.constant 0 : i32
    return %c0_i32, %c0_i32_0 : i32, i32
  }
  func.func @transform_3(%arg0: i32) -> (i32, i32) {
    %c0_i32 = arith.constant 0 : i32
    %c0_i32_0 = arith.constant 0 : i32
    %c0_i32_1 = arith.constant 0 : i32
    return %c0_i32, %c0_i32_0 : i32, i32
  }
  func.func @transform_4(%arg0: i32) -> (i32, i32) {
    %c0_i32 = arith.constant 0 : i32
    %c0_i32_0 = arith.constant 0 : i32
    %c0_i32_1 = arith.constant 0 : i32
    return %c0_i32, %c0_i32_0 : i32, i32
  }
  func.func @transform_5(%arg0: i32) -> (i32, i32) {
    %c0_i32 = arith.constant 0 : i32
    %c0_i32_0 = arith.constant 0 : i32
    return %arg0, %c0_i32 : i32, i32
  }
  func.func @transform_6(%arg0: i32) -> (i32, i32) {
    %c0_i32 = arith.constant 0 : i32
    %c0_i32_0 = arith.constant 0 : i32
    return %arg0, %c0_i32 : i32, i32
  }
  func.func @transform_7(%arg0: i32) -> (i32, i32) {
    %c0_i32 = arith.constant 0 : i32
    %c0_i32_0 = arith.constant 0 : i32
    return %arg0, %c0_i32 : i32, i32
  }
}

module attributes {stable_mosaic.version = 14 : i64} {
  func.func @_route_kernel(%arg0: i32, %arg1: memref<2048x8xf32, #tpu.memory_space<vmem>>, %arg2: memref<2048x8xi32, #tpu.memory_space<vmem>>, %arg3: memref<8x64xi32, #tpu.memory_space<vmem>>, %arg4: memref<2048x8xf32, #tpu.memory_space<vmem>>) attributes {dimension_semantics = [#tpu.dimension_semantics<arbitrary>], iteration_bounds = array<i64: 1>, scalar_prefetch = 0 : i64, scratch_operands = 0 : i64, tpu.core_type = #tpu.core_type<tc>, window_params = [{pipeline_mode = #tpu.pipeline_mode<synchronous>, transform_indices = @transform_0, window_bounds = array<i64: 2048, 8>}, {pipeline_mode = #tpu.pipeline_mode<synchronous>, transform_indices = @transform_1, window_bounds = array<i64: 2048, 8>}, {pipeline_mode = #tpu.pipeline_mode<synchronous>, transform_indices = @transform_2, window_bounds = array<i64: 8, 64>}, {pipeline_mode = #tpu.pipeline_mode<synchronous>, transform_indices = @transform_3, window_bounds = array<i64: 2048, 8>}]} {
    %get3A = arith.constant 0 : index
    %get3A_0 = arith.constant 0 : index
    %get3A_1 = vector.load %arg1[%get3A, %get3A_0] : memref<2048x8xf32, #tpu.memory_space<vmem>>, vector<2048x8xf32>
    %gt3A = arith.constant 0.000000e+00 : f32
    %gt3A_2 = vector.broadcast %gt3A : f32 to vector<2048x8xf32>
    %gt3A_3 = arith.cmpf ogt, %get3A_1, %gt3A_2 : vector<2048x8xf32>
    %convert_element_type3A = arith.extui %gt3A_3 : vector<2048x8xi1> to vector<2048x8xi32>
    %convert_element_type3A_4 = arith.sitofp %convert_element_type3A : vector<2048x8xi32> to vector<2048x8xf32>
    %iota3A = tpu.iota {dimensions = array<i32: 1>} : vector<2048x8xi32>
    %iota3A_5 = tpu.iota {dimensions = array<i32: 0>} : vector<256x2048xi32>
    %add3A = arith.constant 0 : i32
    %add3A_6 = vector.broadcast %add3A : i32 to vector<256x2048xi32>
    %add3A_7 = arith.addi %iota3A_5, %add3A_6 : vector<256x2048xi32>
    %iota3A_8 = tpu.iota {dimensions = array<i32: 1>} : vector<256x2048xi32>
    %lt3A = arith.cmpi slt, %iota3A_8, %add3A_7 : vector<256x2048xi32>
    %convert_element_type3A_9 = arith.extui %lt3A : vector<256x2048xi1> to vector<256x2048xi32>
    %convert_element_type3A_10 = arith.sitofp %convert_element_type3A_9 : vector<256x2048xi32> to vector<256x2048xf32>
    %dot_general3A = arith.constant dense<0.000000e+00> : vector<256x8xf32>
    %dot_general3A_11 = tpu.matmul %convert_element_type3A_10, %convert_element_type3A_4, %dot_general3A {dimension_numbers = #tpu.dot_dimension_numbers<[1], [0], [0], [1], [0, 0, 1, 1], [], []>, transpose_lhs_hint = false} : vector<256x2048xf32>, vector<2048x8xf32>, vector<256x8xf32> -> vector<256x8xf32>
    %iota3A_12 = tpu.iota {dimensions = array<i32: 0>} : vector<256x2048xi32>
    %add3A_13 = arith.constant 256 : i32
    %add3A_14 = vector.broadcast %add3A_13 : i32 to vector<256x2048xi32>
    %add3A_15 = arith.addi %iota3A_12, %add3A_14 : vector<256x2048xi32>
    %iota3A_16 = tpu.iota {dimensions = array<i32: 1>} : vector<256x2048xi32>
    %lt3A_17 = arith.cmpi slt, %iota3A_16, %add3A_15 : vector<256x2048xi32>
    %convert_element_type3A_18 = arith.extui %lt3A_17 : vector<256x2048xi1> to vector<256x2048xi32>
    %convert_element_type3A_19 = arith.sitofp %convert_element_type3A_18 : vector<256x2048xi32> to vector<256x2048xf32>
    %dot_general3A_20 = arith.constant dense<0.000000e+00> : vector<256x8xf32>
    %dot_general3A_21 = tpu.matmul %convert_element_type3A_19, %convert_element_type3A_4, %dot_general3A_20 {dimension_numbers = #tpu.dot_dimension_numbers<[1], [0], [0], [1], [0, 0, 1, 1], [], []>, transpose_lhs_hint = false} : vector<256x2048xf32>, vector<2048x8xf32>, vector<256x8xf32> -> vector<256x8xf32>
    %iota3A_22 = tpu.iota {dimensions = array<i32: 0>} : vector<256x2048xi32>
    %add3A_23 = arith.constant 512 : i32
    %add3A_24 = vector.broadcast %add3A_23 : i32 to vector<256x2048xi32>
    %add3A_25 = arith.addi %iota3A_22, %add3A_24 : vector<256x2048xi32>
    %iota3A_26 = tpu.iota {dimensions = array<i32: 1>} : vector<256x2048xi32>
    %lt3A_27 = arith.cmpi slt, %iota3A_26, %add3A_25 : vector<256x2048xi32>
    %convert_element_type3A_28 = arith.extui %lt3A_27 : vector<256x2048xi1> to vector<256x2048xi32>
    %convert_element_type3A_29 = arith.sitofp %convert_element_type3A_28 : vector<256x2048xi32> to vector<256x2048xf32>
    %dot_general3A_30 = arith.constant dense<0.000000e+00> : vector<256x8xf32>
    %dot_general3A_31 = tpu.matmul %convert_element_type3A_29, %convert_element_type3A_4, %dot_general3A_30 {dimension_numbers = #tpu.dot_dimension_numbers<[1], [0], [0], [1], [0, 0, 1, 1], [], []>, transpose_lhs_hint = false} : vector<256x2048xf32>, vector<2048x8xf32>, vector<256x8xf32> -> vector<256x8xf32>
    %iota3A_32 = tpu.iota {dimensions = array<i32: 0>} : vector<256x2048xi32>
    %add3A_33 = arith.constant 768 : i32
    %add3A_34 = vector.broadcast %add3A_33 : i32 to vector<256x2048xi32>
    %add3A_35 = arith.addi %iota3A_32, %add3A_34 : vector<256x2048xi32>
    %iota3A_36 = tpu.iota {dimensions = array<i32: 1>} : vector<256x2048xi32>
    %lt3A_37 = arith.cmpi slt, %iota3A_36, %add3A_35 : vector<256x2048xi32>
    %convert_element_type3A_38 = arith.extui %lt3A_37 : vector<256x2048xi1> to vector<256x2048xi32>
    %convert_element_type3A_39 = arith.sitofp %convert_element_type3A_38 : vector<256x2048xi32> to vector<256x2048xf32>
    %dot_general3A_40 = arith.constant dense<0.000000e+00> : vector<256x8xf32>
    %dot_general3A_41 = tpu.matmul %convert_element_type3A_39, %convert_element_type3A_4, %dot_general3A_40 {dimension_numbers = #tpu.dot_dimension_numbers<[1], [0], [0], [1], [0, 0, 1, 1], [], []>, transpose_lhs_hint = false} : vector<256x2048xf32>, vector<2048x8xf32>, vector<256x8xf32> -> vector<256x8xf32>
    %iota3A_42 = tpu.iota {dimensions = array<i32: 0>} : vector<256x2048xi32>
    %add3A_43 = arith.constant 1024 : i32
    %add3A_44 = vector.broadcast %add3A_43 : i32 to vector<256x2048xi32>
    %add3A_45 = arith.addi %iota3A_42, %add3A_44 : vector<256x2048xi32>
    %iota3A_46 = tpu.iota {dimensions = array<i32: 1>} : vector<256x2048xi32>
    %lt3A_47 = arith.cmpi slt, %iota3A_46, %add3A_45 : vector<256x2048xi32>
    %convert_element_type3A_48 = arith.extui %lt3A_47 : vector<256x2048xi1> to vector<256x2048xi32>
    %convert_element_type3A_49 = arith.sitofp %convert_element_type3A_48 : vector<256x2048xi32> to vector<256x2048xf32>
    %dot_general3A_50 = arith.constant dense<0.000000e+00> : vector<256x8xf32>
    %dot_general3A_51 = tpu.matmul %convert_element_type3A_49, %convert_element_type3A_4, %dot_general3A_50 {dimension_numbers = #tpu.dot_dimension_numbers<[1], [0], [0], [1], [0, 0, 1, 1], [], []>, transpose_lhs_hint = false} : vector<256x2048xf32>, vector<2048x8xf32>, vector<256x8xf32> -> vector<256x8xf32>
    %iota3A_52 = tpu.iota {dimensions = array<i32: 0>} : vector<256x2048xi32>
    %add3A_53 = arith.constant 1280 : i32
    %add3A_54 = vector.broadcast %add3A_53 : i32 to vector<256x2048xi32>
    %add3A_55 = arith.addi %iota3A_52, %add3A_54 : vector<256x2048xi32>
    %iota3A_56 = tpu.iota {dimensions = array<i32: 1>} : vector<256x2048xi32>
    %lt3A_57 = arith.cmpi slt, %iota3A_56, %add3A_55 : vector<256x2048xi32>
    %convert_element_type3A_58 = arith.extui %lt3A_57 : vector<256x2048xi1> to vector<256x2048xi32>
    %convert_element_type3A_59 = arith.sitofp %convert_element_type3A_58 : vector<256x2048xi32> to vector<256x2048xf32>
    %dot_general3A_60 = arith.constant dense<0.000000e+00> : vector<256x8xf32>
    %dot_general3A_61 = tpu.matmul %convert_element_type3A_59, %convert_element_type3A_4, %dot_general3A_60 {dimension_numbers = #tpu.dot_dimension_numbers<[1], [0], [0], [1], [0, 0, 1, 1], [], []>, transpose_lhs_hint = false} : vector<256x2048xf32>, vector<2048x8xf32>, vector<256x8xf32> -> vector<256x8xf32>
    %iota3A_62 = tpu.iota {dimensions = array<i32: 0>} : vector<256x2048xi32>
    %add3A_63 = arith.constant 1536 : i32
    %add3A_64 = vector.broadcast %add3A_63 : i32 to vector<256x2048xi32>
    %add3A_65 = arith.addi %iota3A_62, %add3A_64 : vector<256x2048xi32>
    %iota3A_66 = tpu.iota {dimensions = array<i32: 1>} : vector<256x2048xi32>
    %lt3A_67 = arith.cmpi slt, %iota3A_66, %add3A_65 : vector<256x2048xi32>
    %convert_element_type3A_68 = arith.extui %lt3A_67 : vector<256x2048xi1> to vector<256x2048xi32>
    %convert_element_type3A_69 = arith.sitofp %convert_element_type3A_68 : vector<256x2048xi32> to vector<256x2048xf32>
    %dot_general3A_70 = arith.constant dense<0.000000e+00> : vector<256x8xf32>
    %dot_general3A_71 = tpu.matmul %convert_element_type3A_69, %convert_element_type3A_4, %dot_general3A_70 {dimension_numbers = #tpu.dot_dimension_numbers<[1], [0], [0], [1], [0, 0, 1, 1], [], []>, transpose_lhs_hint = false} : vector<256x2048xf32>, vector<2048x8xf32>, vector<256x8xf32> -> vector<256x8xf32>
    %iota3A_72 = tpu.iota {dimensions = array<i32: 0>} : vector<256x2048xi32>
    %add3A_73 = arith.constant 1792 : i32
    %add3A_74 = vector.broadcast %add3A_73 : i32 to vector<256x2048xi32>
    %add3A_75 = arith.addi %iota3A_72, %add3A_74 : vector<256x2048xi32>
    %iota3A_76 = tpu.iota {dimensions = array<i32: 1>} : vector<256x2048xi32>
    %lt3A_77 = arith.cmpi slt, %iota3A_76, %add3A_75 : vector<256x2048xi32>
    %convert_element_type3A_78 = arith.extui %lt3A_77 : vector<256x2048xi1> to vector<256x2048xi32>
    %convert_element_type3A_79 = arith.sitofp %convert_element_type3A_78 : vector<256x2048xi32> to vector<256x2048xf32>
    %dot_general3A_80 = arith.constant dense<0.000000e+00> : vector<256x8xf32>
    %dot_general3A_81 = tpu.matmul %convert_element_type3A_79, %convert_element_type3A_4, %dot_general3A_80 {dimension_numbers = #tpu.dot_dimension_numbers<[1], [0], [0], [1], [0, 0, 1, 1], [], []>, transpose_lhs_hint = false} : vector<256x2048xf32>, vector<2048x8xf32>, vector<256x8xf32> -> vector<256x8xf32>
    %concatenate3A = tpu.concatenate %dot_general3A_11, %dot_general3A_21, %dot_general3A_31, %dot_general3A_41, %dot_general3A_51, %dot_general3A_61, %dot_general3A_71, %dot_general3A_81 in 0 : vector<256x8xf32>, vector<256x8xf32>, vector<256x8xf32>, vector<256x8xf32>, vector<256x8xf32>, vector<256x8xf32>, vector<256x8xf32>, vector<256x8xf32> -> vector<2048x8xf32>
    %reduce_sum3A = arith.constant dense<0.000000e+00> : vector<8xf32>
    %reduce_sum3A_82 = vector.multi_reduction <add>, %convert_element_type3A_4, %reduce_sum3A [0] : vector<2048x8xf32> to vector<8xf32>
    %broadcast_in_dim3A = vector.shape_cast %reduce_sum3A_82 : vector<8xf32> to vector<1x8xf32>
    %convert_element_type3A_83 = arith.fptosi %broadcast_in_dim3A : vector<1x8xf32> to vector<1x8xi32>
    %add3A_84 = arith.constant 128 : i32
    %add3A_85 = vector.broadcast %add3A_84 : i32 to vector<1x8xi32>
    %add3A_86 = arith.addi %convert_element_type3A_83, %add3A_85 : vector<1x8xi32>
    %sub3A = arith.constant 1 : i32
    %sub3A_87 = vector.broadcast %sub3A : i32 to vector<1x8xi32>
    %sub3A_88 = arith.subi %add3A_86, %sub3A_87 : vector<1x8xi32>
    %jit3A = arith.constant 128 : i32
    %div3A = vector.broadcast %jit3A : i32 to vector<1x8xi32>
    %div3A_89 = arith.divsi %sub3A_88, %div3A : vector<1x8xi32>
    %sign3A = arith.constant 0 : i32
    %sign3A_90 = vector.broadcast %sign3A : i32 to vector<1x8xi32>
    %sign3A_91 = arith.cmpi sgt, %sub3A_88, %sign3A_90 : vector<1x8xi32>
    %sign3A_92 = arith.extui %sign3A_91 : vector<1x8xi1> to vector<1x8xi32>
    %sign3A_93 = arith.constant 0 : i32
    %sign3A_94 = vector.broadcast %sign3A_93 : i32 to vector<1x8xi32>
    %sign3A_95 = arith.cmpi slt, %sub3A_88, %sign3A_94 : vector<1x8xi32>
    %sign3A_96 = arith.extui %sign3A_95 : vector<1x8xi1> to vector<1x8xi32>
    %sign3A_97 = arith.subi %sign3A_92, %sign3A_96 : vector<1x8xi32>
    %sign3A_98 = arith.constant 0 : i32
    %sign3A_99 = arith.cmpi sgt, %jit3A, %sign3A_98 : i32
    %sign3A_100 = arith.extui %sign3A_99 : i1 to i32
    %sign3A_101 = arith.constant 0 : i32
    %sign3A_102 = arith.cmpi slt, %jit3A, %sign3A_101 : i32
    %sign3A_103 = arith.extui %sign3A_102 : i1 to i32
    %sign3A_104 = arith.subi %sign3A_100, %sign3A_103 : i32
    %ne3A = vector.broadcast %sign3A_104 : i32 to vector<1x8xi32>
    %ne3A_105 = arith.cmpi ne, %sign3A_97, %ne3A : vector<1x8xi32>
    %rem3A = vector.broadcast %jit3A : i32 to vector<1x8xi32>
    %rem3A_106 = arith.remsi %sub3A_88, %rem3A : vector<1x8xi32>
    %ne3A_107 = arith.constant 0 : i32
    %ne3A_108 = vector.broadcast %ne3A_107 : i32 to vector<1x8xi32>
    %ne3A_109 = arith.cmpi ne, %rem3A_106, %ne3A_108 : vector<1x8xi32>
    %and3A = arith.andi %ne3A_105, %ne3A_109 : vector<1x8xi1>
    %sub3A_110 = arith.constant 1 : i32
    %sub3A_111 = vector.broadcast %sub3A_110 : i32 to vector<1x8xi32>
    %sub3A_112 = arith.subi %div3A_89, %sub3A_111 : vector<1x8xi32>
    %select_n3A = arith.select %and3A, %sub3A_112, %div3A_89 : vector<1x8xi1>, vector<1x8xi32>
    %mul3A = arith.constant 128 : i32
    %mul3A_113 = vector.broadcast %mul3A : i32 to vector<1x8xi32>
    %mul3A_114 = arith.muli %select_n3A, %mul3A_113 : vector<1x8xi32>
    %iota3A_115 = tpu.iota {dimensions = array<i32: 0>} : vector<8x8xi32>
    %iota3A_116 = tpu.iota {dimensions = array<i32: 1>} : vector<8x8xi32>
    %lt3A_117 = arith.cmpi slt, %iota3A_115, %iota3A_116 : vector<8x8xi32>
    %convert_element_type3A_118 = arith.extui %lt3A_117 : vector<8x8xi1> to vector<8x8xi32>
    %convert_element_type3A_119 = arith.sitofp %convert_element_type3A_118 : vector<8x8xi32> to vector<8x8xf32>
    %convert_element_type3A_120 = arith.sitofp %mul3A_114 : vector<1x8xi32> to vector<1x8xf32>
    %dot_general3A_121 = arith.constant dense<0.000000e+00> : vector<1x8xf32>
    %dot_general3A_122 = tpu.matmul %convert_element_type3A_120, %convert_element_type3A_119, %dot_general3A_121 {dimension_numbers = #tpu.dot_dimension_numbers<[1], [0], [0], [1], [0, 0, 1, 1], [], []>, transpose_lhs_hint = false} : vector<1x8xf32>, vector<8x8xf32>, vector<1x8xf32> -> vector<1x8xf32>
    %convert_element_type3A_123 = arith.fptosi %dot_general3A_122 : vector<1x8xf32> to vector<1x8xi32>
    %jit3A_124 = arith.constant 8 : i32
    %broadcast_in_dim3A_125 = vector.broadcast %jit3A_124 : i32 to vector<2048x8xi32>
    %select_n3A_126 = arith.select %gt3A_3, %iota3A, %broadcast_in_dim3A_125 : vector<2048x8xi1>, vector<2048x8xi32>
    %reduce_min3A = arith.constant dense<2147483647> : vector<2048xi32>
    %reduce_min3A_127 = vector.multi_reduction <minsi>, %select_n3A_126, %reduce_min3A [1] : vector<2048x8xi32> to vector<2048xi32>
    %broadcast_in_dim3A_128 = vector.shape_cast %reduce_min3A_127 : vector<2048xi32> to vector<2048x1xi32>
    %jit3A_129 = arith.constant -1 : i32
    %broadcast_in_dim3A_130 = vector.broadcast %jit3A_129 : i32 to vector<2048x8xi32>
    %select_n3A_131 = arith.select %gt3A_3, %iota3A, %broadcast_in_dim3A_130 : vector<2048x8xi1>, vector<2048x8xi32>
    %reduce_max3A = arith.constant dense<-2147483648> : vector<2048xi32>
    %reduce_max3A_132 = vector.multi_reduction <maxsi>, %select_n3A_131, %reduce_max3A [1] : vector<2048x8xi32> to vector<2048xi32>
    %broadcast_in_dim3A_133 = vector.shape_cast %reduce_max3A_132 : vector<2048xi32> to vector<2048x1xi32>
    %convert_element_type3A_134 = arith.fptosi %concatenate3A : vector<2048x8xf32> to vector<2048x8xi32>
    %add3A_135 = vector.broadcast %convert_element_type3A_123 : vector<1x8xi32> to vector<2048x8xi32>
    %add3A_136 = arith.addi %add3A_135, %convert_element_type3A_134 : vector<2048x8xi32>
    %broadcast_in_dim3A_137 = arith.constant 0 : i32
    %broadcast_in_dim3A_138 = vector.broadcast %broadcast_in_dim3A_137 : i32 to vector<2048x8xi32>
    %eq3A = vector.broadcast %broadcast_in_dim3A_128 : vector<2048x1xi32> to vector<2048x8xi32>
    %eq3A_139 = arith.cmpi eq, %iota3A, %eq3A : vector<2048x8xi32>
    %select_n3A_140 = arith.select %eq3A_139, %add3A_136, %broadcast_in_dim3A_138 : vector<2048x8xi1>, vector<2048x8xi32>
    %reduce_sum3A_141 = arith.constant dense<0> : vector<2048xi32>
    %reduce_sum3A_142 = vector.multi_reduction <add>, %select_n3A_140, %reduce_sum3A_141 [1] : vector<2048x8xi32> to vector<2048xi32>
    %broadcast_in_dim3A_143 = vector.shape_cast %reduce_sum3A_142 : vector<2048xi32> to vector<2048x1xi32>
    %eq3A_144 = vector.broadcast %broadcast_in_dim3A_133 : vector<2048x1xi32> to vector<2048x8xi32>
    %eq3A_145 = arith.cmpi eq, %iota3A, %eq3A_144 : vector<2048x8xi32>
    %select_n3A_146 = arith.select %eq3A_145, %add3A_136, %broadcast_in_dim3A_138 : vector<2048x8xi1>, vector<2048x8xi32>
    %reduce_sum3A_147 = arith.constant dense<0> : vector<2048xi32>
    %reduce_sum3A_148 = vector.multi_reduction <add>, %select_n3A_146, %reduce_sum3A_147 [1] : vector<2048x8xi32> to vector<2048xi32>
    %broadcast_in_dim3A_149 = vector.shape_cast %reduce_sum3A_148 : vector<2048xi32> to vector<2048x1xi32>
    %eq3A_150 = arith.constant 0 : i32
    %eq3A_151 = vector.broadcast %eq3A_150 : i32 to vector<2048x8xi32>
    %eq3A_152 = arith.cmpi eq, %iota3A, %eq3A_151 : vector<2048x8xi32>
    %eq3A_153 = arith.constant 1 : i32
    %eq3A_154 = vector.broadcast %eq3A_153 : i32 to vector<2048x8xi32>
    %eq3A_155 = arith.cmpi eq, %iota3A, %eq3A_154 : vector<2048x8xi32>
    %broadcast_in_dim3A_156 = vector.shape_cast %broadcast_in_dim3A_149 : vector<2048x1xi32> to vector<2048x1xi32>
    %broadcast_in_dim3A_157 = vector.broadcast %broadcast_in_dim3A_156 : vector<2048x1xi32> to vector<2048x8xi32>
    %select_n3A_158 = arith.select %eq3A_155, %broadcast_in_dim3A_157, %broadcast_in_dim3A_138 : vector<2048x8xi1>, vector<2048x8xi32>
    %broadcast_in_dim3A_159 = vector.shape_cast %broadcast_in_dim3A_143 : vector<2048x1xi32> to vector<2048x1xi32>
    %broadcast_in_dim3A_160 = vector.broadcast %broadcast_in_dim3A_159 : vector<2048x1xi32> to vector<2048x8xi32>
    %select_n3A_161 = arith.select %eq3A_152, %broadcast_in_dim3A_160, %select_n3A_158 : vector<2048x8xi1>, vector<2048x8xi32>
    %swap3A = arith.constant 0 : index
    %swap3A_162 = arith.constant 0 : index
    %swap3A_163 = vector.load %arg2[%swap3A, %swap3A_162] : memref<2048x8xi32, #tpu.memory_space<vmem>>, vector<2048x8xi32>
    tpu.vector_store %arg2[%swap3A, %swap3A_162], %select_n3A_161 {strides = array<i32>} : memref<2048x8xi32, #tpu.memory_space<vmem>>, vector<2048x8xi32>,
    %broadcast_in_dim3A_164 = arith.constant 0.000000e+00 : f32
    %broadcast_in_dim3A_165 = vector.broadcast %broadcast_in_dim3A_164 : f32 to vector<2048x8xf32>
    %eq3A_166 = vector.broadcast %broadcast_in_dim3A_128 : vector<2048x1xi32> to vector<2048x8xi32>
    %eq3A_167 = arith.cmpi eq, %iota3A, %eq3A_166 : vector<2048x8xi32>
    %select_n3A_168 = arith.select %eq3A_167, %get3A_1, %broadcast_in_dim3A_165 : vector<2048x8xi1>, vector<2048x8xf32>
    %reduce_sum3A_169 = arith.constant dense<0.000000e+00> : vector<2048xf32>
    %reduce_sum3A_170 = vector.multi_reduction <add>, %select_n3A_168, %reduce_sum3A_169 [1] : vector<2048x8xf32> to vector<2048xf32>
    %broadcast_in_dim3A_171 = vector.shape_cast %reduce_sum3A_170 : vector<2048xf32> to vector<2048x1xf32>
    %eq3A_172 = vector.broadcast %broadcast_in_dim3A_133 : vector<2048x1xi32> to vector<2048x8xi32>
    %eq3A_173 = arith.cmpi eq, %iota3A, %eq3A_172 : vector<2048x8xi32>
    %select_n3A_174 = arith.select %eq3A_173, %get3A_1, %broadcast_in_dim3A_165 : vector<2048x8xi1>, vector<2048x8xf32>
    %reduce_sum3A_175 = arith.constant dense<0.000000e+00> : vector<2048xf32>
    %reduce_sum3A_176 = vector.multi_reduction <add>, %select_n3A_174, %reduce_sum3A_175 [1] : vector<2048x8xf32> to vector<2048xf32>
    %broadcast_in_dim3A_177 = vector.shape_cast %reduce_sum3A_176 : vector<2048xf32> to vector<2048x1xf32>
    %eq3A_178 = arith.constant 0 : i32
    %eq3A_179 = vector.broadcast %eq3A_178 : i32 to vector<2048x8xi32>
    %eq3A_180 = arith.cmpi eq, %iota3A, %eq3A_179 : vector<2048x8xi32>
    %eq3A_181 = arith.constant 1 : i32
    %eq3A_182 = vector.broadcast %eq3A_181 : i32 to vector<2048x8xi32>
    %eq3A_183 = arith.cmpi eq, %iota3A, %eq3A_182 : vector<2048x8xi32>
    %broadcast_in_dim3A_184 = vector.shape_cast %broadcast_in_dim3A_177 : vector<2048x1xf32> to vector<2048x1xf32>
    %broadcast_in_dim3A_185 = vector.broadcast %broadcast_in_dim3A_184 : vector<2048x1xf32> to vector<2048x8xf32>
    %select_n3A_186 = arith.select %eq3A_183, %broadcast_in_dim3A_185, %broadcast_in_dim3A_165 : vector<2048x8xi1>, vector<2048x8xf32>
    %broadcast_in_dim3A_187 = vector.shape_cast %broadcast_in_dim3A_171 : vector<2048x1xf32> to vector<2048x1xf32>
    %broadcast_in_dim3A_188 = vector.broadcast %broadcast_in_dim3A_187 : vector<2048x1xf32> to vector<2048x8xf32>
    %select_n3A_189 = arith.select %eq3A_180, %broadcast_in_dim3A_188, %select_n3A_186 : vector<2048x8xi1>, vector<2048x8xf32>
    %swap3A_190 = arith.constant 0 : index
    %swap3A_191 = arith.constant 0 : index
    %swap3A_192 = vector.load %arg4[%swap3A_190, %swap3A_191] : memref<2048x8xf32, #tpu.memory_space<vmem>>, vector<2048x8xf32>
    tpu.vector_store %arg4[%swap3A_190, %swap3A_191], %select_n3A_189 {strides = array<i32>} : memref<2048x8xf32, #tpu.memory_space<vmem>>, vector<2048x8xf32>,
    %iota3A_193 = tpu.iota {dimensions = array<i32: 1>} : vector<8x64xi32>
    %jit3A_194 = arith.constant 128 : i32
    %div3A_195 = vector.broadcast %jit3A_194 : i32 to vector<1x8xi32>
    %div3A_196 = arith.divsi %convert_element_type3A_123, %div3A_195 : vector<1x8xi32>
    %sign3A_197 = arith.constant 0 : i32
    %sign3A_198 = vector.broadcast %sign3A_197 : i32 to vector<1x8xi32>
    %sign3A_199 = arith.cmpi sgt, %convert_element_type3A_123, %sign3A_198 : vector<1x8xi32>
    %sign3A_200 = arith.extui %sign3A_199 : vector<1x8xi1> to vector<1x8xi32>
    %sign3A_201 = arith.constant 0 : i32
    %sign3A_202 = vector.broadcast %sign3A_201 : i32 to vector<1x8xi32>
    %sign3A_203 = arith.cmpi slt, %convert_element_type3A_123, %sign3A_202 : vector<1x8xi32>
    %sign3A_204 = arith.extui %sign3A_203 : vector<1x8xi1> to vector<1x8xi32>
    %sign3A_205 = arith.subi %sign3A_200, %sign3A_204 : vector<1x8xi32>
    %sign3A_206 = arith.constant 0 : i32
    %sign3A_207 = arith.cmpi sgt, %jit3A_194, %sign3A_206 : i32
    %sign3A_208 = arith.extui %sign3A_207 : i1 to i32
    %sign3A_209 = arith.constant 0 : i32
    %sign3A_210 = arith.cmpi slt, %jit3A_194, %sign3A_209 : i32
    %sign3A_211 = arith.extui %sign3A_210 : i1 to i32
    %sign3A_212 = arith.subi %sign3A_208, %sign3A_211 : i32
    %ne3A_213 = vector.broadcast %sign3A_212 : i32 to vector<1x8xi32>
    %ne3A_214 = arith.cmpi ne, %sign3A_205, %ne3A_213 : vector<1x8xi32>
    %rem3A_215 = vector.broadcast %jit3A_194 : i32 to vector<1x8xi32>
    %rem3A_216 = arith.remsi %convert_element_type3A_123, %rem3A_215 : vector<1x8xi32>
    %ne3A_217 = arith.constant 0 : i32
    %ne3A_218 = vector.broadcast %ne3A_217 : i32 to vector<1x8xi32>
    %ne3A_219 = arith.cmpi ne, %rem3A_216, %ne3A_218 : vector<1x8xi32>
    %and3A_220 = arith.andi %ne3A_214, %ne3A_219 : vector<1x8xi1>
    %sub3A_221 = arith.constant 1 : i32
    %sub3A_222 = vector.broadcast %sub3A_221 : i32 to vector<1x8xi32>
    %sub3A_223 = arith.subi %div3A_196, %sub3A_222 : vector<1x8xi32>
    %select_n3A_224 = arith.select %and3A_220, %sub3A_223, %div3A_196 : vector<1x8xi1>, vector<1x8xi32>
    %broadcast_in_dim3A_225 = arith.constant 0 : i32
    %broadcast_in_dim3A_226 = vector.broadcast %broadcast_in_dim3A_225 : i32 to vector<8x64xi32>
    %slice3A = vector.extract_strided_slice %select_n3A_224 {offsets = [0, 0], sizes = [1, 1], strides = [1, 1]} : vector<1x8xi32> to vector<1x1xi32>
    %le3A = vector.broadcast %slice3A : vector<1x1xi32> to vector<8x64xi32>
    %le3A_227 = arith.cmpi sle, %le3A, %iota3A_193 : vector<8x64xi32>
    %convert_element_type3A_228 = arith.extui %le3A_227 : vector<8x64xi1> to vector<8x64xi32>
    %add3A_229 = arith.addi %broadcast_in_dim3A_226, %convert_element_type3A_228 : vector<8x64xi32>
    %slice3A_230 = vector.extract_strided_slice %select_n3A_224 {offsets = [0, 1], sizes = [1, 1], strides = [1, 1]} : vector<1x8xi32> to vector<1x1xi32>
    %le3A_231 = vector.broadcast %slice3A_230 : vector<1x1xi32> to vector<8x64xi32>
    %le3A_232 = arith.cmpi sle, %le3A_231, %iota3A_193 : vector<8x64xi32>
    %convert_element_type3A_233 = arith.extui %le3A_232 : vector<8x64xi1> to vector<8x64xi32>
    %add3A_234 = arith.addi %add3A_229, %convert_element_type3A_233 : vector<8x64xi32>
    %slice3A_235 = vector.extract_strided_slice %select_n3A_224 {offsets = [0, 2], sizes = [1, 1], strides = [1, 1]} : vector<1x8xi32> to vector<1x1xi32>
    %le3A_236 = vector.broadcast %slice3A_235 : vector<1x1xi32> to vector<8x64xi32>
    %le3A_237 = arith.cmpi sle, %le3A_236, %iota3A_193 : vector<8x64xi32>
    %convert_element_type3A_238 = arith.extui %le3A_237 : vector<8x64xi1> to vector<8x64xi32>
    %add3A_239 = arith.addi %add3A_234, %convert_element_type3A_238 : vector<8x64xi32>
    %slice3A_240 = vector.extract_strided_slice %select_n3A_224 {offsets = [0, 3], sizes = [1, 1], strides = [1, 1]} : vector<1x8xi32> to vector<1x1xi32>
    %le3A_241 = vector.broadcast %slice3A_240 : vector<1x1xi32> to vector<8x64xi32>
    %le3A_242 = arith.cmpi sle, %le3A_241, %iota3A_193 : vector<8x64xi32>
    %convert_element_type3A_243 = arith.extui %le3A_242 : vector<8x64xi1> to vector<8x64xi32>
    %add3A_244 = arith.addi %add3A_239, %convert_element_type3A_243 : vector<8x64xi32>
    %slice3A_245 = vector.extract_strided_slice %select_n3A_224 {offsets = [0, 4], sizes = [1, 1], strides = [1, 1]} : vector<1x8xi32> to vector<1x1xi32>
    %le3A_246 = vector.broadcast %slice3A_245 : vector<1x1xi32> to vector<8x64xi32>
    %le3A_247 = arith.cmpi sle, %le3A_246, %iota3A_193 : vector<8x64xi32>
    %convert_element_type3A_248 = arith.extui %le3A_247 : vector<8x64xi1> to vector<8x64xi32>
    %add3A_249 = arith.addi %add3A_244, %convert_element_type3A_248 : vector<8x64xi32>
    %slice3A_250 = vector.extract_strided_slice %select_n3A_224 {offsets = [0, 5], sizes = [1, 1], strides = [1, 1]} : vector<1x8xi32> to vector<1x1xi32>
    %le3A_251 = vector.broadcast %slice3A_250 : vector<1x1xi32> to vector<8x64xi32>
    %le3A_252 = arith.cmpi sle, %le3A_251, %iota3A_193 : vector<8x64xi32>
    %convert_element_type3A_253 = arith.extui %le3A_252 : vector<8x64xi1> to vector<8x64xi32>
    %add3A_254 = arith.addi %add3A_249, %convert_element_type3A_253 : vector<8x64xi32>
    %slice3A_255 = vector.extract_strided_slice %select_n3A_224 {offsets = [0, 6], sizes = [1, 1], strides = [1, 1]} : vector<1x8xi32> to vector<1x1xi32>
    %le3A_256 = vector.broadcast %slice3A_255 : vector<1x1xi32> to vector<8x64xi32>
    %le3A_257 = arith.cmpi sle, %le3A_256, %iota3A_193 : vector<8x64xi32>
    %convert_element_type3A_258 = arith.extui %le3A_257 : vector<8x64xi1> to vector<8x64xi32>
    %add3A_259 = arith.addi %add3A_254, %convert_element_type3A_258 : vector<8x64xi32>
    %slice3A_260 = vector.extract_strided_slice %select_n3A_224 {offsets = [0, 7], sizes = [1, 1], strides = [1, 1]} : vector<1x8xi32> to vector<1x1xi32>
    %le3A_261 = vector.broadcast %slice3A_260 : vector<1x1xi32> to vector<8x64xi32>
    %le3A_262 = arith.cmpi sle, %le3A_261, %iota3A_193 : vector<8x64xi32>
    %convert_element_type3A_263 = arith.extui %le3A_262 : vector<8x64xi1> to vector<8x64xi32>
    %add3A_264 = arith.addi %add3A_259, %convert_element_type3A_263 : vector<8x64xi32>
    %sub3A_265 = arith.constant 1 : i32
    %sub3A_266 = vector.broadcast %sub3A_265 : i32 to vector<8x64xi32>
    %sub3A_267 = arith.subi %add3A_264, %sub3A_266 : vector<8x64xi32>
    %swap3A_268 = arith.constant 0 : index
    %swap3A_269 = arith.constant 0 : index
    %swap3A_270 = vector.load %arg3[%swap3A_268, %swap3A_269] : memref<8x64xi32, #tpu.memory_space<vmem>>, vector<8x64xi32>
    tpu.vector_store %arg3[%swap3A_268, %swap3A_269], %sub3A_267 {strides = array<i32>} : memref<8x64xi32, #tpu.memory_space<vmem>>, vector<8x64xi32>,
    return
  }
  func.func @transform_0(%arg0: i32) -> (i32, i32) {
    %c0_i32 = arith.constant 0 : i32
    %c0_i32_0 = arith.constant 0 : i32
    %c0_i32_1 = arith.constant 0 : i32
    return %c0_i32, %c0_i32_0 : i32, i32
  }
  func.func @transform_1(%arg0: i32) -> (i32, i32) {
    %c0_i32 = arith.constant 0 : i32
    %c0_i32_0 = arith.constant 0 : i32
    %c0_i32_1 = arith.constant 0 : i32
    return %c0_i32, %c0_i32_0 : i32, i32
  }
  func.func @transform_2(%arg0: i32) -> (i32, i32) {
    %c0_i32 = arith.constant 0 : i32
    %c0_i32_0 = arith.constant 0 : i32
    %c0_i32_1 = arith.constant 0 : i32
    return %c0_i32, %c0_i32_0 : i32, i32
  }
  func.func @transform_3(%arg0: i32) -> (i32, i32) {
    %c0_i32 = arith.constant 0 : i32
    %c0_i32_0 = arith.constant 0 : i32
    %c0_i32_1 = arith.constant 0 : i32
    return %c0_i32, %c0_i32_0 : i32, i32
  }
}

module attributes {stable_mosaic.version = 14 : i64} {
  func.func @_gmm_kernel(%arg0: i32, %arg1: memref<40xi32, #tpu.memory_space<smem>>, %arg2: memref<128x2048xf32, #tpu.memory_space<vmem>>, %arg3: memref<1x2048x768xbf16, #tpu.memory_space<vmem>>, %arg4: memref<1x2048x768xbf16, #tpu.memory_space<vmem>>, %arg5: memref<1x768x2048xbf16, #tpu.memory_space<vmem>>, %arg6: memref<128x2048xf32, #tpu.memory_space<vmem>>) attributes {dimension_semantics = [#tpu.dimension_semantics<arbitrary>], iteration_bounds = array<i64: 40>, scalar_prefetch = 1 : i64, scratch_operands = 0 : i64, tpu.core_type = #tpu.core_type<tc>, window_params = [{transform_indices = @transform_0, window_bounds = array<i64: 128, 2048>}, {transform_indices = @transform_1, window_bounds = array<i64: 1, 2048, 768>}, {transform_indices = @transform_2, window_bounds = array<i64: 1, 2048, 768>}, {transform_indices = @transform_3, window_bounds = array<i64: 1, 768, 2048>}, {transform_indices = @transform_4, window_bounds = array<i64: 128, 2048>}]} {
    %get3A = arith.constant 0 : index
    %get3A_0 = arith.constant 0 : index
    %get3A_1 = vector.load %arg2[%get3A, %get3A_0] : memref<128x2048xf32, #tpu.memory_space<vmem>>, vector<128x2048xf32>
    %convert_element_type3A = arith.truncf %get3A_1 : vector<128x2048xf32> to vector<128x2048xbf16>
    %get3A_2 = arith.constant 0 : index
    %get3A_3 = arith.constant 0 : index
    %get3A_4 = arith.constant 0 : index
    %get3A_5 = vector.load %arg3[%get3A_2, %get3A_3, %get3A_4] : memref<1x2048x768xbf16, #tpu.memory_space<vmem>>, vector<1x2048x768xbf16>
    %get3A_6 = vector.shape_cast %get3A_5 : vector<1x2048x768xbf16> to vector<2048x768xbf16>
    %dot_general3A = arith.constant dense<0.000000e+00> : vector<128x768xf32>
    %dot_general3A_7 = tpu.matmul %convert_element_type3A, %get3A_6, %dot_general3A {dimension_numbers = #tpu.dot_dimension_numbers<[1], [0], [0], [1], [0, 0, 1, 1], [], []>, transpose_lhs_hint = false} : vector<128x2048xbf16>, vector<2048x768xbf16>, vector<128x768xf32> -> vector<128x768xf32>
    %get3A_8 = arith.constant 0 : index
    %get3A_9 = arith.constant 0 : index
    %get3A_10 = arith.constant 0 : index
    %get3A_11 = vector.load %arg4[%get3A_8, %get3A_9, %get3A_10] : memref<1x2048x768xbf16, #tpu.memory_space<vmem>>, vector<1x2048x768xbf16>
    %get3A_12 = vector.shape_cast %get3A_11 : vector<1x2048x768xbf16> to vector<2048x768xbf16>
    %dot_general3A_13 = arith.constant dense<0.000000e+00> : vector<128x768xf32>
    %dot_general3A_14 = tpu.matmul %convert_element_type3A, %get3A_12, %dot_general3A_13 {dimension_numbers = #tpu.dot_dimension_numbers<[1], [0], [0], [1], [0, 0, 1, 1], [], []>, transpose_lhs_hint = false} : vector<128x2048xbf16>, vector<2048x768xbf16>, vector<128x768xf32> -> vector<128x768xf32>
    %logistic3A = arith.negf %dot_general3A_7 : vector<128x768xf32>
    %logistic3A_15 = math.exp %logistic3A : vector<128x768xf32>
    %logistic3A_16 = arith.constant 1.000000e+00 : f32
    %logistic3A_17 = vector.broadcast %logistic3A_16 : f32 to vector<128x768xf32>
    %logistic3A_18 = arith.addf %logistic3A_17, %logistic3A_15 : vector<128x768xf32>
    %logistic3A_19 = arith.divf %logistic3A_17, %logistic3A_18 : vector<128x768xf32>
    %mul3A = arith.mulf %dot_general3A_7, %logistic3A_19 : vector<128x768xf32>
    %mul3A_20 = arith.mulf %mul3A, %dot_general3A_14 : vector<128x768xf32>
    %convert_element_type3A_21 = arith.truncf %mul3A_20 : vector<128x768xf32> to vector<128x768xbf16>
    %get3A_22 = arith.constant 0 : index
    %get3A_23 = arith.constant 0 : index
    %get3A_24 = arith.constant 0 : index
    %get3A_25 = vector.load %arg5[%get3A_22, %get3A_23, %get3A_24] : memref<1x768x2048xbf16, #tpu.memory_space<vmem>>, vector<1x768x2048xbf16>
    %get3A_26 = vector.shape_cast %get3A_25 : vector<1x768x2048xbf16> to vector<768x2048xbf16>
    %dot_general3A_27 = arith.constant dense<0.000000e+00> : vector<128x2048xf32>
    %dot_general3A_28 = tpu.matmul %convert_element_type3A_21, %get3A_26, %dot_general3A_27 {dimension_numbers = #tpu.dot_dimension_numbers<[1], [0], [0], [1], [0, 0, 1, 1], [], []>, transpose_lhs_hint = false} : vector<128x768xbf16>, vector<768x2048xbf16>, vector<128x2048xf32> -> vector<128x2048xf32>
    %swap3A = arith.constant 0 : index
    %swap3A_29 = arith.constant 0 : index
    %swap3A_30 = vector.load %arg6[%swap3A, %swap3A_29] : memref<128x2048xf32, #tpu.memory_space<vmem>>, vector<128x2048xf32>
    tpu.vector_store %arg6[%swap3A, %swap3A_29], %dot_general3A_28 {strides = array<i32>} : memref<128x2048xf32, #tpu.memory_space<vmem>>, vector<128x2048xf32>,
    return
  }
  func.func @transform_0(%arg0: i32, %arg1: memref<40xi32, #tpu.memory_space<smem>>) -> (i32, i32) {
    %c0_i32 = arith.constant 0 : i32
    %c0_i32_0 = arith.constant 0 : i32
    return %arg0, %c0_i32 : i32, i32
  }
  func.func @transform_1(%arg0: i32, %arg1: memref<40xi32, #tpu.memory_space<smem>>) -> (i32, i32, i32) {
    %get3A = arith.index_cast %arg0 : i32 to index
    %get3A_0 = memref.load %arg1[%get3A] : memref<40xi32, #tpu.memory_space<smem>>
    %c0_i32 = arith.constant 0 : i32
    %c0_i32_1 = arith.constant 0 : i32
    %c0_i32_2 = arith.constant 0 : i32
    return %get3A_0, %c0_i32, %c0_i32_1 : i32, i32, i32
  }
  func.func @transform_2(%arg0: i32, %arg1: memref<40xi32, #tpu.memory_space<smem>>) -> (i32, i32, i32) {
    %get3A = arith.index_cast %arg0 : i32 to index
    %get3A_0 = memref.load %arg1[%get3A] : memref<40xi32, #tpu.memory_space<smem>>
    %c0_i32 = arith.constant 0 : i32
    %c0_i32_1 = arith.constant 0 : i32
    %c0_i32_2 = arith.constant 0 : i32
    return %get3A_0, %c0_i32, %c0_i32_1 : i32, i32, i32
  }
  func.func @transform_3(%arg0: i32, %arg1: memref<40xi32, #tpu.memory_space<smem>>) -> (i32, i32, i32) {
    %get3A = arith.index_cast %arg0 : i32 to index
    %get3A_0 = memref.load %arg1[%get3A] : memref<40xi32, #tpu.memory_space<smem>>
    %c0_i32 = arith.constant 0 : i32
    %c0_i32_1 = arith.constant 0 : i32
    %c0_i32_2 = arith.constant 0 : i32
    return %get3A_0, %c0_i32, %c0_i32_1 : i32, i32, i32
  }
  func.func @transform_4(%arg0: i32, %arg1: memref<40xi32, #tpu.memory_space<smem>>) -> (i32, i32) {
    %c0_i32 = arith.constant 0 : i32
    %c0_i32_0 = arith.constant 0 : i32
    return %arg0, %c0_i32 : i32, i32
  }
}

module attributes {stable_mosaic.version = 14 : i64} {
  func.func @_combine_kernel(%arg0: i32, %arg1: memref<512x2048xf32, #tpu.memory_space<vmem>>, %arg2: memref<512x2048xf32, #tpu.memory_space<vmem>>, %arg3: memref<512x2048xf32, #tpu.memory_space<vmem>>, %arg4: memref<512x8xf32, #tpu.memory_space<vmem>>, %arg5: memref<512x2048xf32, #tpu.memory_space<vmem>>) attributes {dimension_semantics = [#tpu.dimension_semantics<arbitrary>], iteration_bounds = array<i64: 4>, scalar_prefetch = 0 : i64, scratch_operands = 0 : i64, tpu.core_type = #tpu.core_type<tc>, window_params = [{transform_indices = @transform_0, window_bounds = array<i64: 512, 2048>}, {transform_indices = @transform_1, window_bounds = array<i64: 512, 2048>}, {transform_indices = @transform_2, window_bounds = array<i64: 512, 2048>}, {transform_indices = @transform_3, window_bounds = array<i64: 512, 8>}, {transform_indices = @transform_4, window_bounds = array<i64: 512, 2048>}]} {
    %get3A = arith.constant 0 : index
    %get3A_0 = arith.constant 0 : index
    %get3A_1 = vector.load %arg4[%get3A, %get3A_0] : memref<512x8xf32, #tpu.memory_space<vmem>>, vector<512x8xf32>
    %get3A_2 = arith.constant 0 : index
    %get3A_3 = arith.constant 0 : index
    %get3A_4 = vector.load %arg1[%get3A_2, %get3A_3] : memref<512x2048xf32, #tpu.memory_space<vmem>>, vector<512x2048xf32>
    %slice3A = vector.extract_strided_slice %get3A_1 {offsets = [0, 0], sizes = [512, 1], strides = [1, 1]} : vector<512x8xf32> to vector<512x1xf32>
    %get3A_5 = arith.constant 0 : index
    %get3A_6 = arith.constant 0 : index
    %get3A_7 = vector.load %arg2[%get3A_5, %get3A_6] : memref<512x2048xf32, #tpu.memory_space<vmem>>, vector<512x2048xf32>
    %mul3A = vector.broadcast %slice3A : vector<512x1xf32> to vector<512x2048xf32>
    %mul3A_8 = arith.mulf %mul3A, %get3A_7 : vector<512x2048xf32>
    %add3A = arith.addf %get3A_4, %mul3A_8 : vector<512x2048xf32>
    %slice3A_9 = vector.extract_strided_slice %get3A_1 {offsets = [0, 1], sizes = [512, 1], strides = [1, 1]} : vector<512x8xf32> to vector<512x1xf32>
    %get3A_10 = arith.constant 0 : index
    %get3A_11 = arith.constant 0 : index
    %get3A_12 = vector.load %arg3[%get3A_10, %get3A_11] : memref<512x2048xf32, #tpu.memory_space<vmem>>, vector<512x2048xf32>
    %mul3A_13 = vector.broadcast %slice3A_9 : vector<512x1xf32> to vector<512x2048xf32>
    %mul3A_14 = arith.mulf %mul3A_13, %get3A_12 : vector<512x2048xf32>
    %add3A_15 = arith.addf %add3A, %mul3A_14 : vector<512x2048xf32>
    %swap3A = arith.constant 0 : index
    %swap3A_16 = arith.constant 0 : index
    %swap3A_17 = vector.load %arg5[%swap3A, %swap3A_16] : memref<512x2048xf32, #tpu.memory_space<vmem>>, vector<512x2048xf32>
    tpu.vector_store %arg5[%swap3A, %swap3A_16], %add3A_15 {strides = array<i32>} : memref<512x2048xf32, #tpu.memory_space<vmem>>, vector<512x2048xf32>,
    return
  }
  func.func @transform_0(%arg0: i32) -> (i32, i32) {
    %c0_i32 = arith.constant 0 : i32
    %c0_i32_0 = arith.constant 0 : i32
    return %arg0, %c0_i32 : i32, i32
  }
  func.func @transform_1(%arg0: i32) -> (i32, i32) {
    %c0_i32 = arith.constant 0 : i32
    %c0_i32_0 = arith.constant 0 : i32
    return %arg0, %c0_i32 : i32, i32
  }
  func.func @transform_2(%arg0: i32) -> (i32, i32) {
    %c0_i32 = arith.constant 0 : i32
    %c0_i32_0 = arith.constant 0 : i32
    return %arg0, %c0_i32 : i32, i32
  }
  func.func @transform_3(%arg0: i32) -> (i32, i32) {
    %c0_i32 = arith.constant 0 : i32
    %c0_i32_0 = arith.constant 0 : i32
    return %arg0, %c0_i32 : i32, i32
  }
  func.func @transform_4(%arg0: i32) -> (i32, i32) {
    %c0_i32 = arith.constant 0 : i32
    %c0_i32_0 = arith.constant 0 : i32
    return %arg0, %c0_i32 : i32, i32
  }
}

</mosaic_0001>

<sc_bundles>
// kernel: kernel.10.cloned.1.call-start
scs
__scs_entry_jumppad:
0x0: {  	(pc) =	sbr.rel $0x88, $3  }
0x1: {  	(tag) =	ssettag $0x0;
	lr =	simm.s32 $0x1  }
0x2: {  	[smem:$0x3F94] =	sst lr;
	_ =	strace $0xD0000000  }
0x3: {  	_ = 	snop  }
0x4: {  	_ = 	snop  }
0x5: {  	_ = 	snop  }
0x6: {  	_ = 	snop  }
0x7: {  	_ = 	snop  }
__scs_overlays_trampoline_lowered:
0x8: {  	[smem:$0x3FA3] =	sst s0  }
0x9: {  	[smem:$0x3FA4] =	sst s1  }
0xa: {  	[smem:$0x3FA5] =	sst s2  }
0xb: {  	[smem:$0x3FA6] =	sst s3  }
0xc: {  	[smem:$0x3FA7] =	sst s4  }
0xd: {  	[smem:$0x3FA8] =	sst s5  }
0xe: {  	[smem:$0x3FA9] =	sst s6  }
0xf: {  	[smem:$0x3FAA] =	sst s7  }
0x10: {  	[smem:$0x3FAB] =	sst s8  }
0x11: {  	[smem:$0x3FAC] =	sst s9;
	s0 =	simm.s32 @!p0 $0x0  }
0x12: {  	s1 =	sld [smem:$0x3F92];
	s0 =	simm.s32 @p0 $0x1  }
0x13: {  	[smem:$0x3FAD] =	sst s0;
	s0 =	simm.s32 @!p1 $0x0  }
0x14: {  	s2 =	sld [smem:$0x3F91];
	s0 =	simm.s32 @p1 $0x1  }
0x15: {  	[smem:$0x3FAE] =	sst s0;
	s0 =	simm.s32 @!p2 $0x0  }
0x16: {  	s3 =	sld [smem:$0x3FDB];
	s0 =	simm.s32 @p2 $0x1  }
0x17: {  	s4 =	simm.s32 $0x1BF5;
	[smem:$0x3FB0] =	sst s0  }
0x18: {  	s0 =	sld [smem:$0x3F93];
	_ =	swait.ge [sflag:s4], $0x0  }
0x19: {  	s7 =	sld [smem:$0x3F94]  }
0x1a: {  	s8 =	sadd.s32 $0xFFFFE003, lr  }
0x1b: {  	s9 =	sadd.s32 $0xFFFFFEF7, lr;
	s5 =	simm.s32 $0xFFFFFFFF;
	p2 =	slt.u32 s8, $0xFFFFF086  }
0x1c: {  	p1 =	slt.u32 s9, $0xF7A;
	s5 =	simm.s32 @!p2 $0x0  }
0x1d: {  	s5 =	simm.s32 @p1 $0x1;
	p0 =	seq.s32 s7, s2  }
0x1e: {  	s7 =	smul.u32 @!p0 $0xF7A, s2;
	p2 =	seq.s32 @!p0 s5, $0x0  }
0x1f: {  	s9 =	smul.u32 $0xF7A, s1;
	s8 =	simm.s32 @!p0 $0x1BF5;
	p2 =	por !p2, p0  }
0x20: {  	[sflag:s8] =	ssyncset.s32 @!p0 $0xFFFFF086;
	s6 =	sadd.s32 @!p0 s3, s7;
	s7 =	simm.s32 @!p0 $0x108  }
0x21: {  	s3 =	sadd.s32 s3, s9;
	s6 =	sadd.s32 @!p0 $0x88, s6;
	s7 =	simm.s32 @p2 $0x1082  }
0x22: {  	[simem:s7], [sflag:s8] =	dma.local @!p0 [hbm:s6], $0xF7A  }
0x23: {  	s9 =	sor.u32 $0xD0000000, s2;
	s6 =	simm.s32 $0x108;
	_ =	swait.ge @!p0 [sflag:s8], $0x0  }
0x24: {  	s3 =	sadd.s32 $0x88, s3;
	s6 =	simm.s32 @!p1 $0x1082;
	[sflag:s4] =	ssyncset.s32 $0xFFFFF086  }
0x25: {  	[simem:s6], [sflag:s4] =	dma.local [hbm:s3], $0xF7A  }
0x26: {  	[smem:$0x3F94] =	sst s1;
	(tag) =	ssettag s2;
	_ =	strace s9  }
0x27: {  	s1 =	sld [smem:$0x3FA4]  }
0x28: {  	s2 =	sld [smem:$0x3FA5]  }
0x29: {  	s4 =	sld [smem:$0x3FA7]  }
0x2a: {  	p0 =	seq.s32 s5, $0x0;
	s5 =	sld [smem:$0x3FA8]  }
0x2b: {  	s6 =	sld [smem:$0x3FA9]  }
0x2c: {  	s7 =	sld [smem:$0x3FAA]  }
0x2d: {  	s3 =	simm.s32 $0x108;
	s8 =	sld [smem:$0x3FAB]  }
0x2e: {  	s3 =	simm.s32 @!p0 $0x1082;
	s9 =	sld [smem:$0x3FAC]  }
0x2f: {  	lr =	sadd.s32 s0, s3;
	s0 =	sld [smem:$0x3FA3]  }
0x30: {  	s3 =	sld [smem:$0x3FA6]  }
0x31: {  	[smem:$0x3FAF] =	sst s10  }
0x32: {  	s10 =	sld [smem:$0x3FAD];
	_ =	sdelay $0x3  }
0x33: {  	p0 =	seq.s32 s10, $0x1;
	s10 =	sld [smem:$0x3FAF];
	_ =	sdelay $0x3  }
0x34: {  	[smem:$0x3FAF] =	sst s10  }
0x35: {  	s10 =	sld [smem:$0x3FAE];
	_ =	sdelay $0x3  }
0x36: {  	p1 =	seq.s32 s10, $0x1;
	s10 =	sld [smem:$0x3FAF];
	_ =	sdelay $0x3  }
0x37: {  	[smem:$0x3FAF] =	sst s10  }
0x38: {  	s10 =	sld [smem:$0x3FB0]  }
0x39: {  	_ = 	snop;
	(pc) =	sbr.ind lr, $3  }
0x3a: {  	_ = 	snop  }
0x3b: {  	_ = 	snop  }
0x3c: {  	p2 =	seq.s32 s10, $0x1;
	s10 =	sld [smem:$0x3FAF]  }
0x3d: {  	_ =	shalt  }
0x3e: {  	_ =	shalt  }
0x3f: {  	_ =	shalt  }
0x40: {  	_ =	shalt  }
0x41: {  	_ =	shalt  }
0x42: {  	_ =	shalt  }
0x43: {  	_ =	shalt  }
0x44: {  	_ =	shalt  }
0x45: {  	_ =	shalt  }
0x46: {  	_ =	shalt  }
0x47: {  	_ =	shalt  }
0x48: {  	_ =	shalt  }
0x49: {  	_ =	shalt  }
0x4a: {  	_ =	shalt  }
0x4b: {  	_ =	shalt  }
0x4c: {  	_ =	shalt  }
0x4d: {  	_ =	shalt  }
0x4e: {  	_ =	shalt  }
0x4f: {  	_ =	shalt  }
0x50: {  	_ =	shalt  }
0x51: {  	_ =	shalt  }
0x52: {  	_ =	shalt  }
0x53: {  	_ =	shalt  }
0x54: {  	_ =	shalt  }
0x55: {  	_ =	shalt  }
0x56: {  	_ =	shalt  }
0x57: {  	_ =	shalt  }
0x58: {  	_ =	shalt  }
0x59: {  	_ =	shalt  }
0x5a: {  	_ =	shalt  }
0x5b: {  	_ =	shalt  }
0x5c: {  	_ =	shalt  }
0x5d: {  	_ =	shalt  }
0x5e: {  	_ =	shalt  }
0x5f: {  	_ =	shalt  }
0x60: {  	_ =	shalt  }
0x61: {  	_ =	shalt  }
0x62: {  	_ =	shalt  }
0x63: {  	_ =	shalt  }
0x64: {  	_ =	shalt  }
0x65: {  	_ =	shalt  }
0x66: {  	_ =	shalt  }
0x67: {  	_ =	shalt  }
0x68: {  	_ =	shalt  }
0x69: {  	_ =	shalt  }
0x6a: {  	_ =	shalt  }
0x6b: {  	_ =	shalt  }
0x6c: {  	_ =	shalt  }
0x6d: {  	_ =	shalt  }
0x6e: {  	_ =	shalt  }
0x6f: {  	_ =	shalt  }
0x70: {  	_ =	shalt  }
0x71: {  	_ =	shalt  }
0x72: {  	_ =	shalt  }
0x73: {  	_ =	shalt  }
0x74: {  	_ =	shalt  }
0x75: {  	_ =	shalt  }
0x76: {  	_ =	shalt  }
0x77: {  	_ =	shalt  }
0x78: {  	_ =	shalt  }
0x79: {  	_ =	shalt  }
0x7a: {  	_ =	shalt  }
0x7b: {  	_ =	shalt  }
0x7c: {  	_ =	shalt  }
0x7d: {  	_ =	shalt  }
0x7e: {  	_ =	shalt  }
0x7f: {  	_ =	shalt  }
0x80: {  	_ =	shalt  }
0x81: {  	_ =	shalt  }
0x82: {  	_ =	shalt  }
0x83: {  	_ =	shalt  }
0x84: {  	_ =	shalt  }
0x85: {  	_ =	shalt  }
0x86: {  	_ =	shalt  }
0x87: {  	_ =	shalt  }
.Lfunc_end0:
.L_simem_size_0:
called_computation_lowered:
.L_overlay_start_0:
0x88: {  	s2 =	sld [smem:$0x3FD9]  }
0x89: {  	s3 =	sld [smem:$0x3FFE];
	_ =	sdelay $0x1  }
0x8a: {  	s1 =	srdreg.scid  }
0x8b: {  	s0 =	sand.u32 $0x1, s1  }
0x8c: {  	s16 =	sshll.u32 s0, $0xA;
	s2 =	sadd.s32 s3, s2  }
0x8d: {  	s2 =	sadd.s32 s2, s16  }
0x8e: {  	[smem:$0x3FBB] =	sst s2  }
0x8f: {  	_ = 	snop  }
0x90: {  	(tm) =	ssettm $0x1  }
0x91: {  	s17 =	sld [smem:$0x3FFB];
	_ =	sdelay $0x3  }
0x92: {  	_ =	strace s17  }
0x93: {  	s2 =	sld [smem:$0x3FFC];
	_ =	sdelay $0x3  }
0x94: {  	_ =	strace s2  }
0x95: {  	s2 =	sld [smem:$0x3FFD];
	_ =	sdelay $0x3  }
0x96: {  	_ =	strace s2  }
0x97: {  	_ =	strace $0x8FFFFFFF  }
0x98: {  	s18 =	sld [smem:$0x3FDB];
	_ =	sdelay $0x1  }
0x99: {  	s19 =	simm.s32 $_scs_section_size  }
0x9a: {  	s4 =	simm.s32 $_size__tile_overlayer_lowered;
	s5 =	simm.s32 $_tile_overlayer_lowered  }
0x9b: {  	s22 =	simm.s32 $0x1BFF;
	s21 =	sshll.u32 s5, $0x1;
	s2 =	sadd.s32 s19, s18  }
0x9c: {  	s6 =	simm.s32 $0x0;
	s20 =	sshll.u32 s4, $0x1;
	s4 =	sadd.s32 s21, s2  }
0x9d: {  	[timem:s6], [sflag:s22] =	dma.local [hbm:s4], s20  }
0x9e: {  	_ =	swait.ge [sflag:s22], s20  }
0x9f: {  	s3 =	ssub.s32 $0x0, s20;
	[sflag:s22] =	ssyncset.done $0x0  }
0xa0: {  	[sflag:s22] =	ssyncadd.s32 s3;
	_ =	sdelay $0x1  }
0xa1: {  	s23 =	simm.s32 $0x1B8B  }
0xa2: {  	_ =	swait.ge [sflag:s23], $0x1  }
0xa3: {  	[sflag:s23] =	ssyncset.done $0x0  }
0xa4: {  	s25 =	simm.s32 $0x1B8E;
	s24 =	sld [smem:$0x3FFE];
	[sflag:s23] =	ssyncadd.s32 $0xFFFFFFFF  }
0xa5: {  	s26 =	simm.s32 $execute0_lowered;
	[smem:$0x3FD2] =	sst s25  }
0xa6: {  	s4 =	sshll.u32 s26, $0x1;
	_ =	strace $0x80000046;
	[dreg:$0x1] =	wrdreg $0xFFFFFFFF  }
0xa7: {  	s28 =	simm.s32 $_size_execute0_lowered;
	s2 =	sadd.s32 s2, s4;
	[dreg:$0x0] =	wrdreg $0x0  }
0xa8: {  	s4 =	sshll.u32 s28, $0x1;
	[dreg:$0x2] =	wrdreg s2  }
0xa9: {  	[dreg:$0x3] =	wrdreg s4  }
0xaa: {  	[dreg:$0x4] =	wrdreg $0xC0  }
0xab: {  	_ =	task [dreg:s6], $0x5FFFF  }
0xac: {  	[dreg:$0x1] =	wrdreg $0xFFFFFFFF  }
0xad: {  	[dreg:$0x0] =	wrdreg $0x60  }
0xae: {  	[dreg:$0x2] =	wrdreg s24  }
0xaf: {  	[dreg:$0x3] =	wrdreg $0x9  }
0xb0: {  	_ =	task.clear_ibuf [dreg:s6], $0x4FFFF;
	_ =	strace $0x90000046  }
0xb1: {  	s29 =	simm.s32 $0x9;
	_ =	strace $0x80000048  }
0xb2: {  	_ =	swait.ge [sflag:s29], $0x1  }
0xb3: {  	[sflag:s29] =	ssyncadd.s32 $0xFFFFFFFF  }
0xb4: {  	_ =	strace $0x90000048  }
0xb5: {  	_ =	sfence  }
0xb6: {  	s30 =	sld [smem:$0x0];
	_ =	sdelay $0x2  }
0xb7: {  	s31 =	sshll.u32 s1, $0xD;
	s1 =	sshrl.u32 s1, $0x2  }
0xb8: {  	s3 =	sand.u32 $0x4000, s31;
	s1 =	sadd.s32 s1, s30  }
0xb9: {  	s0 =	sor.u32 s3, s0;
	s1 =	sshll.u32 s1, $0x11  }
0xba: {  	s0 =	sor.u32 s1, s0  }
0xbb: {  	s0 =	sadd.s32 $0x8F2B, s0  }
0xbc: {  	[sflag:s0] =	ssyncadd.remote.s32 $0x1  }
0xbd: {  	_ =	sfence.sel $0xFFFF  }
0xbe: {  	[dreg:$0x0] =	wrdreg $0xFFFFFFFF;
	(pc) =	sbr.abs _section_cstart, $3  }
0xbf: {  	[dreg:$0x1] =	wrdreg $0xFFFFFFFF  }
0xc0: {  	_ =	task.clear_ibuf [dreg:s6], $0x2FFFF;
	_ =	strace $0x9FFFFFFF  }
0xc1: {  	(tm) =	ssettm $0x7FFFFFFF  }
tec
execute0_lowered:
.L_overlay_start_1:
0x0: {  	(tag) =	ssettag $0x1  }
0x1: {  	s0 =	srdreg.scid;
	s1 =	stileid.u32  }
0x2: {  	s10 =	rddreg [dreg:$0x0];
	s2 =	simm.s32 $0x0;
	s30 =	simm.s32 $0x10000  }
0x3: {  	s31 =	simm.s32 $0x10100;
	s17 =	simm.s32 $0x3;
	s0 =	sand.u32 $0x1, s0  }
0x4: {  	s1 =	sshll.u32 s1, $0x1;
	[smem:$0x7FF] =	sst s2;
	s6 =	sadd.s32 $0x8C300, s10  }
0x5: {  	s7 =	sadd.s32 $0x8C400, s10;
	s8 =	sadd.s32 $0x8C500, s10;
	s9 =	sadd.s32 $0x8C600, s10  }
0x6: {  	s1 =	sor.u32 s0, s1;
	_ =	strace $0x80000047;
	[dreg:$0x6] =	wrdreg s30  }
0x7: {  	s0 =	ssub.s32 $0x2, s0;
	[dreg:$0x7] =	wrdreg s31;
	s3 =	sshll.u32 s1, $0x5  }
0x8: {  	s1 =	sshll.u32 s1, $0xE;
	s29 =	sshrl.u32 s0, $0x1;
	s3 =	sadd.s32 s3, s10  }
0x9: {  	s1 =	sadd.s32 s1, s10;
	s0 =	ssub.s32 s0, s29;
	s4 =	sadd.s32 $0x8B800, s3  }
0xa: {  	s3 =	sadd.s32 $0x8BC00, s3;
	s5 =	sadd.s32 $0x3800, s1;
	[dreg:$0x2] =	wrdreg s4  }
0xb: {  	v2 =	vlaneseq.u32;
	s1 =	sadd.s32 $0x5800, s1;
	s11 =	smax.u32 s0, $0x1;
	[dreg:$0x3] =	wrdreg s3  }
0xc: {  	vm0 =	vmmov $0xffff;
	v1 =	vshrl.u32 v2, $0x3;
	s3 =	sadd.s32 $0x8C000, s10;
	[dreg:$0x4] =	wrdreg s5;
	s4 =	sadd.s32 $0x8C100, s10  }
0xd: {  	v0 =	vand.u32 $0x7, v2;
	v2 =	vor.u32 $0x8, v2;
	v1 =	vmul.u32 $0x8, v1;
	s5 =	sadd.s32 $0x8C200, s10;
	[dreg:$0x5] =	wrdreg s1;
	s10 =	sadd.s32 $0x8C700, s10  }
.LBB2_1:
0xe: {  	s26 =	rddreg [dreg:$0x2]  }
0xf: {  	s28 =	rddreg [dreg:$0x6]  }
0x10: {  	[tilespmem:s28], [sflag:$0x3] =	stream.linear.gather [hbm4b:s26+s2], $0x100, $0x38;
	[tilespmem:$0x10200] =	vst v63  }
0x11: {  	_ =	swait.ge [sflag:s17], $0x100  }
0x12: {  	s18 =	rddreg [dreg:$0x3];
	[sflag:s17] =	ssyncset.done $0x0  }
0x13: {  	s19 =	rddreg [dreg:$0x7];
	[sflag:s17] =	ssyncadd.s32 $0xFFFFFF00  }
0x14: {  	[tilespmem:s19], [sflag:$0x3] =	stream.linear.gather [hbm4b:s18+s2], $0x100, $0x38;
	[tilespmem:$0x10200] =	vst v63  }
0x15: {  	_ =	swait.ge [sflag:s17], $0x100  }
0x16: {  	[sflag:s17] =	ssyncset.done $0x0  }
0x17: {  	s20 =	rddreg [dreg:$0x4];
	[sflag:s17] =	ssyncadd.s32 $0xFFFFFF00  }
0x18: {  	[tilespmem:s2], [sflag:$0x3] =	stream.linear.gather [hbm4b:s20+s2], $0x10000, $0x38;
	[tilespmem:$0x10200] =	vst v63  }
0x19: {  	_ =	swait.ge [sflag:s17], $0x10000  }
0x1a: {  	[sflag:s17] =	ssyncset.done $0x0  }
0x1b: {  	[sflag:s17] =	ssyncadd.s32 $0xFFFF0000  }
0x1c: {  	v3 =	vld [tilespmem:$0x10000];
	_ =	sdelay $0x4  }
0x1d: {  	v4 =	vshll.u32 v3, $0x4  }
0x1e: {  	v3 =	vand.u32 $0x7, v3;
	v4 =	vand.u32 $0xFFFFFF80, v4  }
0x1f: {  	v3 =	vor.u32 v3, v4  }
0x20: {  	v4 =	vperm.xlane v3, v0;
	_ =	sdelay $0x1  }
0x21: {  	v4 =	vadd.s32 v1, v4;
	_ =	sdelay $0x4  }
0x22: {  	[hbm4b:s3+s2] =	stream.indirect_vreg.scatter [tilespmem:s2], [sflag:$0x1], $0x80, v4, vm0, $0xb8;
	[tilespmem:$0x10200] =	vst v63  }
0x23: {  	s0 =	simm.s32 $0x800  }
0x24: {  	[hbm4b:s4+s2] =	stream.indirect_vreg.scatter [tilespmem:s0], [sflag:$0x1], $0x80, v4, vm0, $0xb8;
	[tilespmem:$0x10200] =	vst v63  }
0x25: {  	s21 =	simm.s32 $0x1000  }
0x26: {  	[hbm4b:s5+s2] =	stream.indirect_vreg.scatter [tilespmem:s21], [sflag:$0x1], $0x80, v4, vm0, $0xb8;
	[tilespmem:$0x10200] =	vst v63  }
0x27: {  	s22 =	simm.s32 $0x1800  }
0x28: {  	[hbm4b:s6+s2] =	stream.indirect_vreg.scatter [tilespmem:s22], [sflag:$0x1], $0x80, v4, vm0, $0xb8;
	[tilespmem:$0x10200] =	vst v63  }
0x29: {  	s23 =	simm.s32 $0x2000  }
0x2a: {  	[hbm4b:s7+s2] =	stream.indirect_vreg.scatter [tilespmem:s23], [sflag:$0x1], $0x80, v4, vm0, $0xb8;
	[tilespmem:$0x10200] =	vst v63  }
0x2b: {  	s25 =	simm.s32 $0x2800;
	v3 =	vperm.xlane v3, v2  }
0x2c: {  	[hbm4b:s8+s2] =	stream.indirect_vreg.scatter [tilespmem:s25], [sflag:$0x1], $0x80, v4, vm0, $0xb8;
	[tilespmem:$0x10200] =	vst v63  }
0x2d: {  	s26 =	simm.s32 $0x3000;
	v3 =	vadd.s32 v1, v3  }
0x2e: {  	[hbm4b:s9+s2] =	stream.indirect_vreg.scatter [tilespmem:s26], [sflag:$0x1], $0x80, v4, vm0, $0xb8;
	[tilespmem:$0x10200] =	vst v63  }
0x2f: {  	s30 =	simm.s32 $0x3800  }
0x30: {  	[hbm4b:s10+s2] =	stream.indirect_vreg.scatter [tilespmem:s30], [sflag:$0x1], $0x80, v4, vm0, $0xb8;
	[tilespmem:$0x10200] =	vst v63  }
0x31: {  	s12 =	simm.s32 $0x4000  }
0x32: {  	[hbm4b:s3+s2] =	stream.indirect_vreg.scatter [tilespmem:s12], [sflag:$0x1], $0x80, v3, vm0, $0xb8;
	[tilespmem:$0x10200] =	vst v63  }
0x33: {  	s13 =	simm.s32 $0x4800  }
0x34: {  	[hbm4b:s4+s2] =	stream.indirect_vreg.scatter [tilespmem:s13], [sflag:$0x1], $0x80, v3, vm0, $0xb8;
	[tilespmem:$0x10200] =	vst v63  }
0x35: {  	s14 =	simm.s32 $0x5000  }
0x36: {  	[hbm4b:s5+s2] =	stream.indirect_vreg.scatter [tilespmem:s14], [sflag:$0x1], $0x80, v3, vm0, $0xb8;
	[tilespmem:$0x10200] =	vst v63  }
0x37: {  	s16 =	simm.s32 $0x5800  }
0x38: {  	[hbm4b:s6+s2] =	stream.indirect_vreg.scatter [tilespmem:s16], [sflag:$0x1], $0x80, v3, vm0, $0xb8;
	[tilespmem:$0x10200] =	vst v63  }
0x39: {  	s18 =	simm.s32 $0x6000  }
0x3a: {  	[hbm4b:s7+s2] =	stream.indirect_vreg.scatter [tilespmem:s18], [sflag:$0x1], $0x80, v3, vm0, $0xb8;
	[tilespmem:$0x10200] =	vst v63  }
0x3b: {  	s19 =	simm.s32 $0x6800  }
0x3c: {  	[hbm4b:s8+s2] =	stream.indirect_vreg.scatter [tilespmem:s19], [sflag:$0x1], $0x80, v3, vm0, $0xb8;
	[tilespmem:$0x10200] =	vst v63  }
0x3d: {  	s20 =	simm.s32 $0x7000  }
0x3e: {  	[hbm4b:s9+s2] =	stream.indirect_vreg.scatter [tilespmem:s20], [sflag:$0x1], $0x80, v3, vm0, $0xb8;
	[tilespmem:$0x10200] =	vst v63  }
0x3f: {  	s21 =	simm.s32 $0x7800  }
0x40: {  	[hbm4b:s10+s2] =	stream.indirect_vreg.scatter [tilespmem:s21], [sflag:$0x1], $0x80, v3, vm0, $0xb8;
	[tilespmem:$0x10200] =	vst v63  }
0x41: {  	v3 =	vld [tilespmem:$0x10010];
	_ =	sdelay $0x4  }
0x42: {  	v57 =	vshll.u32 v3, $0x4  }
0x43: {  	v3 =	vand.u32 $0x7, v3;
	v4 =	vand.u32 $0xFFFFFF80, v57  }
0x44: {  	v3 =	vor.u32 v3, v4  }
0x45: {  	v4 =	vperm.xlane v3, v0;
	_ =	sdelay $0x1  }
0x46: {  	v4 =	vadd.s32 v1, v4;
	_ =	sdelay $0x3  }
0x47: {  	s22 =	simm.s32 $0x8000  }
0x48: {  	[hbm4b:s3+s2] =	stream.indirect_vreg.scatter [tilespmem:s22], [sflag:$0x1], $0x80, v4, vm0, $0xb8;
	[tilespmem:$0x10200] =	vst v63  }
0x49: {  	s23 =	simm.s32 $0x8800  }
0x4a: {  	[hbm4b:s4+s2] =	stream.indirect_vreg.scatter [tilespmem:s23], [sflag:$0x1], $0x80, v4, vm0, $0xb8;
	[tilespmem:$0x10200] =	vst v63  }
0x4b: {  	s25 =	simm.s32 $0x9000  }
0x4c: {  	[hbm4b:s5+s2] =	stream.indirect_vreg.scatter [tilespmem:s25], [sflag:$0x1], $0x80, v4, vm0, $0xb8;
	[tilespmem:$0x10200] =	vst v63  }
0x4d: {  	s26 =	simm.s32 $0x9800  }
0x4e: {  	[hbm4b:s6+s2] =	stream.indirect_vreg.scatter [tilespmem:s26], [sflag:$0x1], $0x80, v4, vm0, $0xb8;
	[tilespmem:$0x10200] =	vst v63  }
0x4f: {  	s13 =	simm.s32 $0xA000  }
0x50: {  	[hbm4b:s7+s2] =	stream.indirect_vreg.scatter [tilespmem:s13], [sflag:$0x1], $0x80, v4, vm0, $0xb8;
	[tilespmem:$0x10200] =	vst v63  }
0x51: {  	s14 =	simm.s32 $0xA800;
	v3 =	vperm.xlane v3, v2  }
0x52: {  	[hbm4b:s8+s2] =	stream.indirect_vreg.scatter [tilespmem:s14], [sflag:$0x1], $0x80, v4, vm0, $0xb8;
	[tilespmem:$0x10200] =	vst v63  }
0x53: {  	v3 =	vadd.s32 v1, v3;
	s26 =	simm.s32 $0xB000  }
0x54: {  	[hbm4b:s9+s2] =	stream.indirect_vreg.scatter [tilespmem:s26], [sflag:$0x1], $0x80, v4, vm0, $0xb8;
	[tilespmem:$0x10200] =	vst v63  }
0x55: {  	s0 =	simm.s32 $0xB800  }
0x56: {  	[hbm4b:s10+s2] =	stream.indirect_vreg.scatter [tilespmem:s0], [sflag:$0x1], $0x80, v4, vm0, $0xb8;
	[tilespmem:$0x10200] =	vst v63  }
0x57: {  	s0 =	simm.s32 $0xC000  }
0x58: {  	[hbm4b:s3+s2] =	stream.indirect_vreg.scatter [tilespmem:s0], [sflag:$0x1], $0x80, v3, vm0, $0xb8;
	[tilespmem:$0x10200] =	vst v63  }
0x59: {  	s0 =	simm.s32 $0xC800  }
0x5a: {  	[hbm4b:s4+s2] =	stream.indirect_vreg.scatter [tilespmem:s0], [sflag:$0x1], $0x80, v3, vm0, $0xb8;
	[tilespmem:$0x10200] =	vst v63  }
0x5b: {  	s0 =	simm.s32 $0xD000  }
0x5c: {  	[hbm4b:s5+s2] =	stream.indirect_vreg.scatter [tilespmem:s0], [sflag:$0x1], $0x80, v3, vm0, $0xb8;
	[tilespmem:$0x10200] =	vst v63  }
0x5d: {  	s0 =	simm.s32 $0xD800  }
0x5e: {  	[hbm4b:s6+s2] =	stream.indirect_vreg.scatter [tilespmem:s0], [sflag:$0x1], $0x80, v3, vm0, $0xb8;
	[tilespmem:$0x10200] =	vst v63  }
0x5f: {  	s0 =	simm.s32 $0xE000  }
0x60: {  	[hbm4b:s7+s2] =	stream.indirect_vreg.scatter [tilespmem:s0], [sflag:$0x1], $0x80, v3, vm0, $0xb8;
	[tilespmem:$0x10200] =	vst v63  }
0x61: {  	s0 =	simm.s32 $0xE800  }
0x62: {  	[hbm4b:s8+s2] =	stream.indirect_vreg.scatter [tilespmem:s0], [sflag:$0x1], $0x80, v3, vm0, $0xb8;
	[tilespmem:$0x10200] =	vst v63  }
0x63: {  	s0 =	simm.s32 $0xF000  }
0x64: {  	[hbm4b:s9+s2] =	stream.indirect_vreg.scatter [tilespmem:s0], [sflag:$0x1], $0x80, v3, vm0, $0xb8;
	[tilespmem:$0x10200] =	vst v63  }
0x65: {  	s0 =	simm.s32 $0xF800  }
0x66: {  	[hbm4b:s10+s2] =	stream.indirect_vreg.scatter [tilespmem:s0], [sflag:$0x1], $0x80, v3, vm0, $0xb8;
	[tilespmem:$0x10200] =	vst v63  }
0x67: {  	v3 =	vld [tilespmem:$0x10100];
	_ =	sdelay $0x4  }
0x68: {  	v58 =	vshll.u32 v3, $0x4  }
0x69: {  	v3 =	vand.u32 $0x7, v3;
	v4 =	vand.u32 $0xFFFFFF80, v58  }
0x6a: {  	v3 =	vor.u32 v3, v4  }
0x6b: {  	v4 =	vperm.xlane v3, v0;
	_ =	sdelay $0x1  }
0x6c: {  	v4 =	vadd.s32 v1, v4;
	_ =	sdelay $0x4  }
0x6d: {  	[hbm4b:s3+s2] =	stream.indirect_vreg.scatter [tilespmem:s2], [sflag:$0x2], $0x80, v4, vm0, $0xb8;
	[tilespmem:$0x10200] =	vst v63  }
0x6e: {  	s28 =	simm.s32 $0x800  }
0x6f: {  	[hbm4b:s4+s2] =	stream.indirect_vreg.scatter [tilespmem:s28], [sflag:$0x2], $0x80, v4, vm0, $0xb8;
	[tilespmem:$0x10200] =	vst v63  }
0x70: {  	s29 =	simm.s32 $0x1000  }
0x71: {  	[hbm4b:s5+s2] =	stream.indirect_vreg.scatter [tilespmem:s29], [sflag:$0x2], $0x80, v4, vm0, $0xb8;
	[tilespmem:$0x10200] =	vst v63  }
0x72: {  	s24 =	simm.s32 $0x1800  }
0x73: {  	[hbm4b:s6+s2] =	stream.indirect_vreg.scatter [tilespmem:s24], [sflag:$0x2], $0x80, v4, vm0, $0xb8;
	[tilespmem:$0x10200] =	vst v63  }
0x74: {  	s31 =	simm.s32 $0x2000  }
0x75: {  	[hbm4b:s7+s2] =	stream.indirect_vreg.scatter [tilespmem:s31], [sflag:$0x2], $0x80, v4, vm0, $0xb8;
	[tilespmem:$0x10200] =	vst v63  }
0x76: {  	s1 =	simm.s32 $0x2800;
	v3 =	vperm.xlane v3, v2  }
0x77: {  	[hbm4b:s8+s2] =	stream.indirect_vreg.scatter [tilespmem:s1], [sflag:$0x2], $0x80, v4, vm0, $0xb8;
	[tilespmem:$0x10200] =	vst v63  }
0x78: {  	v3 =	vadd.s32 v1, v3;
	s31 =	simm.s32 $0x3000  }
0x79: {  	[hbm4b:s9+s2] =	stream.indirect_vreg.scatter [tilespmem:s31], [sflag:$0x2], $0x80, v4, vm0, $0xb8;
	[tilespmem:$0x10200] =	vst v63  }
0x7a: {  	s28 =	simm.s32 $0x3800  }
0x7b: {  	[hbm4b:s10+s2] =	stream.indirect_vreg.scatter [tilespmem:s28], [sflag:$0x2], $0x80, v4, vm0, $0xb8;
	[tilespmem:$0x10200] =	vst v63  }
0x7c: {  	s31 =	simm.s32 $0x4000  }
0x7d: {  	[hbm4b:s3+s2] =	stream.indirect_vreg.scatter [tilespmem:s31], [sflag:$0x2], $0x80, v3, vm0, $0xb8;
	[tilespmem:$0x10200] =	vst v63  }
0x7e: {  	s15 =	simm.s32 $0x4800  }
0x7f: {  	[hbm4b:s4+s2] =	stream.indirect_vreg.scatter [tilespmem:s15], [sflag:$0x2], $0x80, v3, vm0, $0xb8;
	[tilespmem:$0x10200] =	vst v63  }
0x80: {  	s30 =	simm.s32 $0x5000  }
0x81: {  	[hbm4b:s5+s2] =	stream.indirect_vreg.scatter [tilespmem:s30], [sflag:$0x2], $0x80, v3, vm0, $0xb8;
	[tilespmem:$0x10200] =	vst v63  }
0x82: {  	s16 =	simm.s32 $0x5800  }
0x83: {  	[hbm4b:s6+s2] =	stream.indirect_vreg.scatter [tilespmem:s16], [sflag:$0x2], $0x80, v3, vm0, $0xb8;
	[tilespmem:$0x10200] =	vst v63  }
0x84: {  	s18 =	simm.s32 $0x6000  }
0x85: {  	[hbm4b:s7+s2] =	stream.indirect_vreg.scatter [tilespmem:s18], [sflag:$0x2], $0x80, v3, vm0, $0xb8;
	[tilespmem:$0x10200] =	vst v63  }
0x86: {  	s19 =	simm.s32 $0x6800  }
0x87: {  	[hbm4b:s8+s2] =	stream.indirect_vreg.scatter [tilespmem:s19], [sflag:$0x2], $0x80, v3, vm0, $0xb8;
	[tilespmem:$0x10200] =	vst v63  }
0x88: {  	s20 =	simm.s32 $0x7000  }
0x89: {  	[hbm4b:s9+s2] =	stream.indirect_vreg.scatter [tilespmem:s20], [sflag:$0x2], $0x80, v3, vm0, $0xb8;
	[tilespmem:$0x10200] =	vst v63  }
0x8a: {  	s21 =	simm.s32 $0x7800  }
0x8b: {  	[hbm4b:s10+s2] =	stream.indirect_vreg.scatter [tilespmem:s21], [sflag:$0x2], $0x80, v3, vm0, $0xb8;
	[tilespmem:$0x10200] =	vst v63  }
0x8c: {  	v3 =	vld [tilespmem:$0x10110];
	_ =	sdelay $0x4  }
0x8d: {  	v59 =	vshll.u32 v3, $0x4  }
0x8e: {  	v3 =	vand.u32 $0x7, v3;
	v4 =	vand.u32 $0xFFFFFF80, v59  }
0x8f: {  	v3 =	vor.u32 v3, v4  }
0x90: {  	v4 =	vperm.xlane v3, v0;
	_ =	sdelay $0x1  }
0x91: {  	v4 =	vadd.s32 v1, v4;
	_ =	sdelay $0x3  }
0x92: {  	s22 =	simm.s32 $0x8000  }
0x93: {  	[hbm4b:s3+s2] =	stream.indirect_vreg.scatter [tilespmem:s22], [sflag:$0x2], $0x80, v4, vm0, $0xb8;
	[tilespmem:$0x10200] =	vst v63  }
0x94: {  	s23 =	simm.s32 $0x8800  }
0x95: {  	[hbm4b:s4+s2] =	stream.indirect_vreg.scatter [tilespmem:s23], [sflag:$0x2], $0x80, v4, vm0, $0xb8;
	[tilespmem:$0x10200] =	vst v63  }
0x96: {  	s12 =	simm.s32 $0x9000  }
0x97: {  	[hbm4b:s5+s2] =	stream.indirect_vreg.scatter [tilespmem:s12], [sflag:$0x2], $0x80, v4, vm0, $0xb8;
	[tilespmem:$0x10200] =	vst v63  }
0x98: {  	s25 =	simm.s32 $0x9800  }
0x99: {  	[hbm4b:s6+s2] =	stream.indirect_vreg.scatter [tilespmem:s25], [sflag:$0x2], $0x80, v4, vm0, $0xb8;
	[tilespmem:$0x10200] =	vst v63  }
0x9a: {  	s13 =	simm.s32 $0xA000  }
0x9b: {  	[hbm4b:s7+s2] =	stream.indirect_vreg.scatter [tilespmem:s13], [sflag:$0x2], $0x80, v4, vm0, $0xb8;
	[tilespmem:$0x10200] =	vst v63  }
0x9c: {  	s14 =	simm.s32 $0xA800;
	v3 =	vperm.xlane v3, v2  }
0x9d: {  	[hbm4b:s8+s2] =	stream.indirect_vreg.scatter [tilespmem:s14], [sflag:$0x2], $0x80, v4, vm0, $0xb8;
	[tilespmem:$0x10200] =	vst v63  }
0x9e: {  	s26 =	simm.s32 $0xB000;
	v3 =	vadd.s32 v1, v3  }
0x9f: {  	[hbm4b:s9+s2] =	stream.indirect_vreg.scatter [tilespmem:s26], [sflag:$0x2], $0x80, v4, vm0, $0xb8;
	[tilespmem:$0x10200] =	vst v63  }
0xa0: {  	s15 =	simm.s32 $0xB800  }
0xa1: {  	[hbm4b:s10+s2] =	stream.indirect_vreg.scatter [tilespmem:s15], [sflag:$0x2], $0x80, v4, vm0, $0xb8;
	[tilespmem:$0x10200] =	vst v63  }
0xa2: {  	s16 =	simm.s32 $0xC000  }
0xa3: {  	[hbm4b:s3+s2] =	stream.indirect_vreg.scatter [tilespmem:s16], [sflag:$0x2], $0x80, v3, vm0, $0xb8;
	[tilespmem:$0x10200] =	vst v63  }
0xa4: {  	s22 =	simm.s32 $0xC800  }
0xa5: {  	[hbm4b:s4+s2] =	stream.indirect_vreg.scatter [tilespmem:s22], [sflag:$0x2], $0x80, v3, vm0, $0xb8;
	[tilespmem:$0x10200] =	vst v63  }
0xa6: {  	s26 =	simm.s32 $0xD000  }
0xa7: {  	[hbm4b:s5+s2] =	stream.indirect_vreg.scatter [tilespmem:s26], [sflag:$0x2], $0x80, v3, vm0, $0xb8;
	[tilespmem:$0x10200] =	vst v63  }
0xa8: {  	s30 =	simm.s32 $0xD800  }
0xa9: {  	[hbm4b:s6+s2] =	stream.indirect_vreg.scatter [tilespmem:s30], [sflag:$0x2], $0x80, v3, vm0, $0xb8;
	[tilespmem:$0x10200] =	vst v63  }
0xaa: {  	s12 =	simm.s32 $0xE000  }
0xab: {  	[hbm4b:s7+s2] =	stream.indirect_vreg.scatter [tilespmem:s12], [sflag:$0x2], $0x80, v3, vm0, $0xb8;
	[tilespmem:$0x10200] =	vst v63  }
0xac: {  	s13 =	simm.s32 $0xE800  }
0xad: {  	[hbm4b:s8+s2] =	stream.indirect_vreg.scatter [tilespmem:s13], [sflag:$0x2], $0x80, v3, vm0, $0xb8;
	[tilespmem:$0x10200] =	vst v63  }
0xae: {  	s15 =	simm.s32 $0xF000  }
0xaf: {  	[hbm4b:s9+s2] =	stream.indirect_vreg.scatter [tilespmem:s15], [sflag:$0x2], $0x80, v3, vm0, $0xb8;
	[tilespmem:$0x10200] =	vst v63  }
0xb0: {  	s0 =	simm.s32 $0xF800  }
0xb1: {  	[hbm4b:s10+s2] =	stream.indirect_vreg.scatter [tilespmem:s0], [sflag:$0x2], $0x80, v3, vm0, $0xb8;
	[tilespmem:$0x10200] =	vst v63  }
0xb2: {  	s0 =	simm.s32 $0x1  }
0xb3: {  	_ =	swait.ge [sflag:s0], $0x10000  }
0xb4: {  	[sflag:s0] =	ssyncset.done $0x0  }
0xb5: {  	s1 =	simm.s32 $0x2;
	[sflag:s0] =	ssyncadd.s32 $0xFFFF0000  }
0xb6: {  	_ =	swait.ge [sflag:s1], $0x10000  }
0xb7: {  	[sflag:s1] =	ssyncset.done $0x0  }
0xb8: {  	s16 =	rddreg [dreg:$0x5];
	[sflag:s1] =	ssyncadd.s32 $0xFFFF0000  }
0xb9: {  	[tilespmem:s2], [sflag:$0x3] =	stream.linear.gather [hbm4b:s16+s2], $0x10000, $0x38;
	[tilespmem:$0x10200] =	vst v63  }
0xba: {  	_ =	swait.ge [sflag:s17], $0x10000  }
0xbb: {  	[sflag:s17] =	ssyncset.done $0x0  }
0xbc: {  	[sflag:s17] =	ssyncadd.s32 $0xFFFF0000  }
0xbd: {  	v3 =	vld [tilespmem:$0x10080];
	_ =	sdelay $0x4  }
0xbe: {  	v60 =	vshll.u32 v3, $0x4  }
0xbf: {  	v3 =	vand.u32 $0x7, v3;
	v4 =	vand.u32 $0xFFFFFF80, v60  }
0xc0: {  	v3 =	vor.u32 v3, v4  }
0xc1: {  	v4 =	vperm.xlane v3, v0;
	_ =	sdelay $0x1  }
0xc2: {  	v4 =	vadd.s32 v1, v4;
	_ =	sdelay $0x4  }
0xc3: {  	[hbm4b:s3+s2] =	stream.indirect_vreg.scatter [tilespmem:s2], [sflag:$0x1], $0x80, v4, vm0, $0xb8;
	[tilespmem:$0x10200] =	vst v63  }
0xc4: {  	s22 =	simm.s32 $0x800  }
0xc5: {  	[hbm4b:s4+s2] =	stream.indirect_vreg.scatter [tilespmem:s22], [sflag:$0x1], $0x80, v4, vm0, $0xb8;
	[tilespmem:$0x10200] =	vst v63  }
0xc6: {  	s29 =	simm.s32 $0x1000  }
0xc7: {  	[hbm4b:s5+s2] =	stream.indirect_vreg.scatter [tilespmem:s29], [sflag:$0x1], $0x80, v4, vm0, $0xb8;
	[tilespmem:$0x10200] =	vst v63  }
0xc8: {  	s24 =	simm.s32 $0x1800  }
0xc9: {  	[hbm4b:s6+s2] =	stream.indirect_vreg.scatter [tilespmem:s24], [sflag:$0x1], $0x80, v4, vm0, $0xb8;
	[tilespmem:$0x10200] =	vst v63  }
0xca: {  	s26 =	simm.s32 $0x2000  }
0xcb: {  	[hbm4b:s7+s2] =	stream.indirect_vreg.scatter [tilespmem:s26], [sflag:$0x1], $0x80, v4, vm0, $0xb8;
	[tilespmem:$0x10200] =	vst v63  }
0xcc: {  	v3 =	vperm.xlane v3, v2;
	s29 =	simm.s32 $0x2800  }
0xcd: {  	[hbm4b:s8+s2] =	stream.indirect_vreg.scatter [tilespmem:s29], [sflag:$0x1], $0x80, v4, vm0, $0xb8;
	[tilespmem:$0x10200] =	vst v63  }
0xce: {  	v3 =	vadd.s32 v1, v3;
	s26 =	simm.s32 $0x3000  }
0xcf: {  	[hbm4b:s9+s2] =	stream.indirect_vreg.scatter [tilespmem:s26], [sflag:$0x1], $0x80, v4, vm0, $0xb8;
	[tilespmem:$0x10200] =	vst v63  }
0xd0: {  	s12 =	simm.s32 $0x3800  }
0xd1: {  	[hbm4b:s10+s2] =	stream.indirect_vreg.scatter [tilespmem:s12], [sflag:$0x1], $0x80, v4, vm0, $0xb8;
	[tilespmem:$0x10200] =	vst v63  }
0xd2: {  	s13 =	simm.s32 $0x4000  }
0xd3: {  	[hbm4b:s3+s2] =	stream.indirect_vreg.scatter [tilespmem:s13], [sflag:$0x1], $0x80, v3, vm0, $0xb8;
	[tilespmem:$0x10200] =	vst v63  }
0xd4: {  	s28 =	simm.s32 $0x4800  }
0xd5: {  	[hbm4b:s4+s2] =	stream.indirect_vreg.scatter [tilespmem:s28], [sflag:$0x1], $0x80, v3, vm0, $0xb8;
	[tilespmem:$0x10200] =	vst v63  }
0xd6: {  	s24 =	simm.s32 $0x5000  }
0xd7: {  	[hbm4b:s5+s2] =	stream.indirect_vreg.scatter [tilespmem:s24], [sflag:$0x1], $0x80, v3, vm0, $0xb8;
	[tilespmem:$0x10200] =	vst v63  }
0xd8: {  	s15 =	simm.s32 $0x5800  }
0xd9: {  	[hbm4b:s6+s2] =	stream.indirect_vreg.scatter [tilespmem:s15], [sflag:$0x1], $0x80, v3, vm0, $0xb8;
	[tilespmem:$0x10200] =	vst v63  }
0xda: {  	s31 =	simm.s32 $0x6000  }
0xdb: {  	[hbm4b:s7+s2] =	stream.indirect_vreg.scatter [tilespmem:s31], [sflag:$0x1], $0x80, v3, vm0, $0xb8;
	[tilespmem:$0x10200] =	vst v63  }
0xdc: {  	s19 =	simm.s32 $0x6800  }
0xdd: {  	[hbm4b:s8+s2] =	stream.indirect_vreg.scatter [tilespmem:s19], [sflag:$0x1], $0x80, v3, vm0, $0xb8;
	[tilespmem:$0x10200] =	vst v63  }
0xde: {  	s20 =	simm.s32 $0x7000  }
0xdf: {  	[hbm4b:s9+s2] =	stream.indirect_vreg.scatter [tilespmem:s20], [sflag:$0x1], $0x80, v3, vm0, $0xb8;
	[tilespmem:$0x10200] =	vst v63  }
0xe0: {  	s21 =	simm.s32 $0x7800  }
0xe1: {  	[hbm4b:s10+s2] =	stream.indirect_vreg.scatter [tilespmem:s21], [sflag:$0x1], $0x80, v3, vm0, $0xb8;
	[tilespmem:$0x10200] =	vst v63  }
0xe2: {  	v3 =	vld [tilespmem:$0x10090];
	_ =	sdelay $0x4  }
0xe3: {  	v61 =	vshll.u32 v3, $0x4  }
0xe4: {  	v3 =	vand.u32 $0x7, v3;
	v4 =	vand.u32 $0xFFFFFF80, v61  }
0xe5: {  	v3 =	vor.u32 v3, v4  }
0xe6: {  	v4 =	vperm.xlane v3, v0;
	_ =	sdelay $0x1  }
0xe7: {  	v4 =	vadd.s32 v1, v4;
	_ =	sdelay $0x3  }
0xe8: {  	s30 =	simm.s32 $0x8000  }
0xe9: {  	[hbm4b:s3+s2] =	stream.indirect_vreg.scatter [tilespmem:s30], [sflag:$0x1], $0x80, v4, vm0, $0xb8;
	[tilespmem:$0x10200] =	vst v63  }
0xea: {  	s23 =	simm.s32 $0x8800  }
0xeb: {  	[hbm4b:s4+s2] =	stream.indirect_vreg.scatter [tilespmem:s23], [sflag:$0x1], $0x80, v4, vm0, $0xb8;
	[tilespmem:$0x10200] =	vst v63  }
0xec: {  	s30 =	simm.s32 $0x9000  }
0xed: {  	[hbm4b:s5+s2] =	stream.indirect_vreg.scatter [tilespmem:s30], [sflag:$0x1], $0x80, v4, vm0, $0xb8;
	[tilespmem:$0x10200] =	vst v63  }
0xee: {  	s16 =	simm.s32 $0x9800  }
0xef: {  	[hbm4b:s6+s2] =	stream.indirect_vreg.scatter [tilespmem:s16], [sflag:$0x1], $0x80, v4, vm0, $0xb8;
	[tilespmem:$0x10200] =	vst v63  }
0xf0: {  	s25 =	simm.s32 $0xA000  }
0xf1: {  	[hbm4b:s7+s2] =	stream.indirect_vreg.scatter [tilespmem:s25], [sflag:$0x1], $0x80, v4, vm0, $0xb8;
	[tilespmem:$0x10200] =	vst v63  }
0xf2: {  	s31 =	simm.s32 $0xA800;
	v3 =	vperm.xlane v3, v2  }
0xf3: {  	[hbm4b:s8+s2] =	stream.indirect_vreg.scatter [tilespmem:s31], [sflag:$0x1], $0x80, v4, vm0, $0xb8;
	[tilespmem:$0x10200] =	vst v63  }
0xf4: {  	s18 =	simm.s32 $0xB000;
	v3 =	vadd.s32 v1, v3  }
0xf5: {  	[hbm4b:s9+s2] =	stream.indirect_vreg.scatter [tilespmem:s18], [sflag:$0x1], $0x80, v4, vm0, $0xb8;
	[tilespmem:$0x10200] =	vst v63  }
0xf6: {  	s14 =	simm.s32 $0xB800  }
0xf7: {  	[hbm4b:s10+s2] =	stream.indirect_vreg.scatter [tilespmem:s14], [sflag:$0x1], $0x80, v4, vm0, $0xb8;
	[tilespmem:$0x10200] =	vst v63  }
0xf8: {  	s20 =	simm.s32 $0xC000  }
0xf9: {  	[hbm4b:s3+s2] =	stream.indirect_vreg.scatter [tilespmem:s20], [sflag:$0x1], $0x80, v3, vm0, $0xb8;
	[tilespmem:$0x10200] =	vst v63  }
0xfa: {  	s21 =	simm.s32 $0xC800  }
0xfb: {  	[hbm4b:s4+s2] =	stream.indirect_vreg.scatter [tilespmem:s21], [sflag:$0x1], $0x80, v3, vm0, $0xb8;
	[tilespmem:$0x10200] =	vst v63  }
0xfc: {  	s18 =	simm.s32 $0xD000  }
0xfd: {  	[hbm4b:s5+s2] =	stream.indirect_vreg.scatter [tilespmem:s18], [sflag:$0x1], $0x80, v3, vm0, $0xb8;
	[tilespmem:$0x10200] =	vst v63  }
0xfe: {  	s19 =	simm.s32 $0xD800  }
0xff: {  	[hbm4b:s6+s2] =	stream.indirect_vreg.scatter [tilespmem:s19], [sflag:$0x1], $0x80, v3, vm0, $0xb8;
	[tilespmem:$0x10200] =	vst v63  }
0x100: {  	s20 =	simm.s32 $0xE000  }
0x101: {  	[hbm4b:s7+s2] =	stream.indirect_vreg.scatter [tilespmem:s20], [sflag:$0x1], $0x80, v3, vm0, $0xb8;
	[tilespmem:$0x10200] =	vst v63  }
0x102: {  	s21 =	simm.s32 $0xE800  }
0x103: {  	[hbm4b:s8+s2] =	stream.indirect_vreg.scatter [tilespmem:s21], [sflag:$0x1], $0x80, v3, vm0, $0xb8;
	[tilespmem:$0x10200] =	vst v63  }
0x104: {  	s14 =	simm.s32 $0xF000  }
0x105: {  	[hbm4b:s9+s2] =	stream.indirect_vreg.scatter [tilespmem:s14], [sflag:$0x1], $0x80, v3, vm0, $0xb8;
	[tilespmem:$0x10200] =	vst v63  }
0x106: {  	s14 =	simm.s32 $0xF800  }
0x107: {  	[hbm4b:s10+s2] =	stream.indirect_vreg.scatter [tilespmem:s14], [sflag:$0x1], $0x80, v3, vm0, $0xb8;
	[tilespmem:$0x10200] =	vst v63  }
0x108: {  	v3 =	vld [tilespmem:$0x10180];
	_ =	sdelay $0x4  }
0x109: {  	v62 =	vshll.u32 v3, $0x4  }
0x10a: {  	v3 =	vand.u32 $0x7, v3;
	v4 =	vand.u32 $0xFFFFFF80, v62  }
0x10b: {  	v3 =	vor.u32 v3, v4  }
0x10c: {  	v4 =	vperm.xlane v3, v0;
	_ =	sdelay $0x1  }
0x10d: {  	v4 =	vadd.s32 v1, v4;
	_ =	sdelay $0x4  }
0x10e: {  	[hbm4b:s3+s2] =	stream.indirect_vreg.scatter [tilespmem:s2], [sflag:$0x2], $0x80, v4, vm0, $0xb8;
	[tilespmem:$0x10200] =	vst v63  }
0x10f: {  	s14 =	simm.s32 $0x800  }
0x110: {  	[hbm4b:s4+s2] =	stream.indirect_vreg.scatter [tilespmem:s14], [sflag:$0x2], $0x80, v4, vm0, $0xb8;
	[tilespmem:$0x10200] =	vst v63  }
0x111: {  	s14 =	simm.s32 $0x1000  }
0x112: {  	[hbm4b:s5+s2] =	stream.indirect_vreg.scatter [tilespmem:s14], [sflag:$0x2], $0x80, v4, vm0, $0xb8;
	[tilespmem:$0x10200] =	vst v63  }
0x113: {  	s14 =	simm.s32 $0x1800  }
0x114: {  	[hbm4b:s6+s2] =	stream.indirect_vreg.scatter [tilespmem:s14], [sflag:$0x2], $0x80, v4, vm0, $0xb8;
	[tilespmem:$0x10200] =	vst v63  }
0x115: {  	s14 =	simm.s32 $0x2000  }
0x116: {  	[hbm4b:s7+s2] =	stream.indirect_vreg.scatter [tilespmem:s14], [sflag:$0x2], $0x80, v4, vm0, $0xb8;
	[tilespmem:$0x10200] =	vst v63  }
0x117: {  	s22 =	simm.s32 $0x2800;
	v3 =	vperm.xlane v3, v2  }
0x118: {  	[hbm4b:s8+s2] =	stream.indirect_vreg.scatter [tilespmem:s22], [sflag:$0x2], $0x80, v4, vm0, $0xb8;
	[tilespmem:$0x10200] =	vst v63  }
0x119: {  	v3 =	vadd.s32 v1, v3  }
0x11a: {  	[hbm4b:s9+s2] =	stream.indirect_vreg.scatter [tilespmem:s26], [sflag:$0x2], $0x80, v4, vm0, $0xb8;
	[tilespmem:$0x10200] =	vst v63  }
0x11b: {  	_ = 	snop  }
0x11c: {  	[hbm4b:s10+s2] =	stream.indirect_vreg.scatter [tilespmem:s12], [sflag:$0x2], $0x80, v4, vm0, $0xb8;
	[tilespmem:$0x10200] =	vst v63  }
0x11d: {  	_ = 	snop  }
0x11e: {  	[hbm4b:s3+s2] =	stream.indirect_vreg.scatter [tilespmem:s13], [sflag:$0x2], $0x80, v3, vm0, $0xb8;
	[tilespmem:$0x10200] =	vst v63  }
0x11f: {  	s29 =	simm.s32 $0x4800  }
0x120: {  	[hbm4b:s4+s2] =	stream.indirect_vreg.scatter [tilespmem:s29], [sflag:$0x2], $0x80, v3, vm0, $0xb8;
	[tilespmem:$0x10200] =	vst v63  }
0x121: {  	_ = 	snop  }
0x122: {  	[hbm4b:s5+s2] =	stream.indirect_vreg.scatter [tilespmem:s24], [sflag:$0x2], $0x80, v3, vm0, $0xb8;
	[tilespmem:$0x10200] =	vst v63  }
0x123: {  	_ = 	snop  }
0x124: {  	[hbm4b:s6+s2] =	stream.indirect_vreg.scatter [tilespmem:s15], [sflag:$0x2], $0x80, v3, vm0, $0xb8;
	[tilespmem:$0x10200] =	vst v63  }
0x125: {  	s13 =	simm.s32 $0x6000  }
0x126: {  	[hbm4b:s7+s2] =	stream.indirect_vreg.scatter [tilespmem:s13], [sflag:$0x2], $0x80, v3, vm0, $0xb8;
	[tilespmem:$0x10200] =	vst v63  }
0x127: {  	s14 =	simm.s32 $0x6800  }
0x128: {  	[hbm4b:s8+s2] =	stream.indirect_vreg.scatter [tilespmem:s14], [sflag:$0x2], $0x80, v3, vm0, $0xb8;
	[tilespmem:$0x10200] =	vst v63  }
0x129: {  	s15 =	simm.s32 $0x7000  }
0x12a: {  	[hbm4b:s9+s2] =	stream.indirect_vreg.scatter [tilespmem:s15], [sflag:$0x2], $0x80, v3, vm0, $0xb8;
	[tilespmem:$0x10200] =	vst v63  }
0x12b: {  	s22 =	simm.s32 $0x7800  }
0x12c: {  	[hbm4b:s10+s2] =	stream.indirect_vreg.scatter [tilespmem:s22], [sflag:$0x2], $0x80, v3, vm0, $0xb8;
	[tilespmem:$0x10200] =	vst v63  }
0x12d: {  	v3 =	vld [tilespmem:$0x10190];
	_ =	sdelay $0x4  }
0x12e: {  	v63 =	vshll.u32 v3, $0x4  }
0x12f: {  	v3 =	vand.u32 $0x7, v3;
	v4 =	vand.u32 $0xFFFFFF80, v63  }
0x130: {  	v3 =	vor.u32 v3, v4  }
0x131: {  	v4 =	vperm.xlane v3, v0;
	_ =	sdelay $0x1  }
0x132: {  	v4 =	vadd.s32 v1, v4;
	_ =	sdelay $0x3  }
0x133: {  	s24 =	simm.s32 $0x8000  }
0x134: {  	[hbm4b:s3+s2] =	stream.indirect_vreg.scatter [tilespmem:s24], [sflag:$0x2], $0x80, v4, vm0, $0xb8;
	[tilespmem:$0x10200] =	vst v63  }
0x135: {  	s26 =	simm.s32 $0x8800  }
0x136: {  	[hbm4b:s4+s2] =	stream.indirect_vreg.scatter [tilespmem:s26], [sflag:$0x2], $0x80, v4, vm0, $0xb8;
	[tilespmem:$0x10200] =	vst v63  }
0x137: {  	_ = 	snop  }
0x138: {  	[hbm4b:s5+s2] =	stream.indirect_vreg.scatter [tilespmem:s30], [sflag:$0x2], $0x80, v4, vm0, $0xb8;
	[tilespmem:$0x10200] =	vst v63  }
0x139: {  	_ = 	snop  }
0x13a: {  	[hbm4b:s6+s2] =	stream.indirect_vreg.scatter [tilespmem:s16], [sflag:$0x2], $0x80, v4, vm0, $0xb8;
	[tilespmem:$0x10200] =	vst v63  }
0x13b: {  	s23 =	simm.s32 $0xA000  }
0x13c: {  	[hbm4b:s7+s2] =	stream.indirect_vreg.scatter [tilespmem:s23], [sflag:$0x2], $0x80, v4, vm0, $0xb8;
	[tilespmem:$0x10200] =	vst v63  }
0x13d: {  	s25 =	simm.s32 $0xA800;
	v3 =	vperm.xlane v3, v2  }
0x13e: {  	[hbm4b:s8+s2] =	stream.indirect_vreg.scatter [tilespmem:s25], [sflag:$0x2], $0x80, v4, vm0, $0xb8;
	[tilespmem:$0x10200] =	vst v63  }
0x13f: {  	s28 =	simm.s32 $0xB000;
	v3 =	vadd.s32 v1, v3  }
0x140: {  	[hbm4b:s9+s2] =	stream.indirect_vreg.scatter [tilespmem:s28], [sflag:$0x2], $0x80, v4, vm0, $0xb8;
	[tilespmem:$0x10200] =	vst v63  }
0x141: {  	s31 =	simm.s32 $0xB800  }
0x142: {  	[hbm4b:s10+s2] =	stream.indirect_vreg.scatter [tilespmem:s31], [sflag:$0x2], $0x80, v4, vm0, $0xb8;
	[tilespmem:$0x10200] =	vst v63  }
0x143: {  	s28 =	simm.s32 $0xC000  }
0x144: {  	[hbm4b:s3+s2] =	stream.indirect_vreg.scatter [tilespmem:s28], [sflag:$0x2], $0x80, v3, vm0, $0xb8;
	[tilespmem:$0x10200] =	vst v63  }
0x145: {  	s29 =	simm.s32 $0xC800  }
0x146: {  	[hbm4b:s4+s2] =	stream.indirect_vreg.scatter [tilespmem:s29], [sflag:$0x2], $0x80, v3, vm0, $0xb8;
	[tilespmem:$0x10200] =	vst v63  }
0x147: {  	s18 =	simm.s32 $0xD000  }
0x148: {  	[hbm4b:s5+s2] =	stream.indirect_vreg.scatter [tilespmem:s18], [sflag:$0x2], $0x80, v3, vm0, $0xb8;
	[tilespmem:$0x10200] =	vst v63  }
0x149: {  	s19 =	simm.s32 $0xD800  }
0x14a: {  	[hbm4b:s6+s2] =	stream.indirect_vreg.scatter [tilespmem:s19], [sflag:$0x2], $0x80, v3, vm0, $0xb8;
	[tilespmem:$0x10200] =	vst v63  }
0x14b: {  	s20 =	simm.s32 $0xE000  }
0x14c: {  	[hbm4b:s7+s2] =	stream.indirect_vreg.scatter [tilespmem:s20], [sflag:$0x2], $0x80, v3, vm0, $0xb8;
	[tilespmem:$0x10200] =	vst v63  }
0x14d: {  	s21 =	simm.s32 $0xE800  }
0x14e: {  	[hbm4b:s8+s2] =	stream.indirect_vreg.scatter [tilespmem:s21], [sflag:$0x2], $0x80, v3, vm0, $0xb8;
	[tilespmem:$0x10200] =	vst v63  }
0x14f: {  	s30 =	simm.s32 $0xF000  }
0x150: {  	[hbm4b:s9+s2] =	stream.indirect_vreg.scatter [tilespmem:s30], [sflag:$0x2], $0x80, v3, vm0, $0xb8;
	[tilespmem:$0x10200] =	vst v63  }
0x151: {  	s31 =	simm.s32 $0xF800  }
0x152: {  	[hbm4b:s10+s2] =	stream.indirect_vreg.scatter [tilespmem:s31], [sflag:$0x2], $0x80, v3, vm0, $0xb8;
	[tilespmem:$0x10200] =	vst v63  }
0x153: {  	p0 =	sne.s32 s11, $0x1;
	_ =	swait.ge [sflag:s0], $0x10000  }
.Ltmp0:
0x154: {  	[sflag:s0] =	ssyncset.done $0x0;
	(pc) =	sbr.rel @p0 .LBB2_1-.Ltmp0, $4  }
0x155: {  	[sflag:s0] =	ssyncadd.s32 $0xFFFF0000  }
0x156: {  	_ =	swait.ge [sflag:s1], $0x10000  }
0x157: {  	[sflag:s1] =	ssyncset.done $0x0  }
0x158: {  	s11 =	sadd.s32 $0xFFFFFFFF, s11;
	[sflag:s1] =	ssyncadd.s32 $0xFFFF0000  }
0x159: {  	_ =	sfence.sel $0x180000  }
0x15a: {  	[bflag:$0x0] =	sbarrier.arrive $0xFFFF  }
0x15b: {  	_ =	strace $0x90000047  }
0x15c: {  	s0 =	stileid.u32;
	[bflag:$0x2] =	sbarrier.arrive $0xFFFF  }
0x15d: {  	p0 =	sne.s32 s0, $0x0;
	s0 =	rddreg [dreg:$0x1]  }
0x15e: {  	s0 =	sadd.s32 @!p0 $0x100000, s0  }
0x15f: {  	[sflag:s0] =	ssyncadd.tile.s32 @!p0 $0x1;
	_ =	shalt  }
.Lfunc_end2:
_tile_overlayer_lowered:
.L_overlay_start_2:
0x160: {  	(tag) =	ssettag $0x2  }
0x161: {  	s0 =	rddreg [dreg:$0x0];
	s2 =	stileid.u32  }
0x162: {  	s1 =	rddreg [dreg:$0x1];
	p0 =	sne.s32 s2, $0x0  }
0x163: {  	s3 =	rddreg [dreg:$0x2];
	[bflag:$0x3] =	sbarrier.arrive $0xFFFF;
	s2 =	simm.s32 @!p0 $0x1C03  }
0x164: {  	[timem:s3], [sflag:s2] =	dma.local @!p0 [hbm:s0], s1  }
0x165: {  	s0 =	simm.s32 @!p0 $0x3  }
0x166: {  	_ =	swait.ge @!p0 [sflag:s0], s1  }
0x167: {  	s1 =	ssub.s32 @!p0 $0x0, s1;
	[sflag:s0] =	ssyncset.done @!p0 $0x0  }
0x168: {  	[sflag:s0] =	ssyncadd.s32 @!p0 s1  }
0x169: {  	[bflag:$0x3] =	sbarrier.arrive $0xFFFF  }
0x16a: {  	_ =	shalt  }

// kernel: kernel.13.cloned.1.call-start
scs
__scs_entry_jumppad:
0x0: {  	(pc) =	sbr.rel $0x88, $3  }
0x1: {  	(tag) =	ssettag $0x0;
	lr =	simm.s32 $0x1  }
0x2: {  	[smem:$0x3F94] =	sst lr;
	_ =	strace $0xD0000000  }
0x3: {  	_ = 	snop  }
0x4: {  	_ = 	snop  }
0x5: {  	_ = 	snop  }
0x6: {  	_ = 	snop  }
0x7: {  	_ = 	snop  }
__scs_overlays_trampoline_lowered:
0x8: {  	[smem:$0x3FA3] =	sst s0  }
0x9: {  	[smem:$0x3FA4] =	sst s1  }
0xa: {  	[smem:$0x3FA5] =	sst s2  }
0xb: {  	[smem:$0x3FA6] =	sst s3  }
0xc: {  	[smem:$0x3FA7] =	sst s4  }
0xd: {  	[smem:$0x3FA8] =	sst s5  }
0xe: {  	[smem:$0x3FA9] =	sst s6  }
0xf: {  	[smem:$0x3FAA] =	sst s7  }
0x10: {  	[smem:$0x3FAB] =	sst s8  }
0x11: {  	[smem:$0x3FAC] =	sst s9;
	s0 =	simm.s32 @!p0 $0x0  }
0x12: {  	s1 =	sld [smem:$0x3F92];
	s0 =	simm.s32 @p0 $0x1  }
0x13: {  	[smem:$0x3FAD] =	sst s0;
	s0 =	simm.s32 @!p1 $0x0  }
0x14: {  	s2 =	sld [smem:$0x3F91];
	s0 =	simm.s32 @p1 $0x1  }
0x15: {  	[smem:$0x3FAE] =	sst s0;
	s0 =	simm.s32 @!p2 $0x0  }
0x16: {  	s3 =	sld [smem:$0x3FDB];
	s0 =	simm.s32 @p2 $0x1  }
0x17: {  	s4 =	simm.s32 $0x1BF5;
	[smem:$0x3FB0] =	sst s0  }
0x18: {  	s0 =	sld [smem:$0x3F93];
	_ =	swait.ge [sflag:s4], $0x0  }
0x19: {  	s7 =	sld [smem:$0x3F94]  }
0x1a: {  	s8 =	sadd.s32 $0xFFFFE003, lr  }
0x1b: {  	s9 =	sadd.s32 $0xFFFFFEF7, lr;
	s5 =	simm.s32 $0xFFFFFFFF;
	p2 =	slt.u32 s8, $0xFFFFF086  }
0x1c: {  	p1 =	slt.u32 s9, $0xF7A;
	s5 =	simm.s32 @!p2 $0x0  }
0x1d: {  	s5 =	simm.s32 @p1 $0x1;
	p0 =	seq.s32 s7, s2  }
0x1e: {  	s7 =	smul.u32 @!p0 $0xF7A, s2;
	p2 =	seq.s32 @!p0 s5, $0x0  }
0x1f: {  	s9 =	smul.u32 $0xF7A, s1;
	s8 =	simm.s32 @!p0 $0x1BF5;
	p2 =	por !p2, p0  }
0x20: {  	[sflag:s8] =	ssyncset.s32 @!p0 $0xFFFFF086;
	s6 =	sadd.s32 @!p0 s3, s7;
	s7 =	simm.s32 @!p0 $0x108  }
0x21: {  	s3 =	sadd.s32 s3, s9;
	s6 =	sadd.s32 @!p0 $0x88, s6;
	s7 =	simm.s32 @p2 $0x1082  }
0x22: {  	[simem:s7], [sflag:s8] =	dma.local @!p0 [hbm:s6], $0xF7A  }
0x23: {  	s9 =	sor.u32 $0xD0000000, s2;
	s6 =	simm.s32 $0x108;
	_ =	swait.ge @!p0 [sflag:s8], $0x0  }
0x24: {  	s3 =	sadd.s32 $0x88, s3;
	s6 =	simm.s32 @!p1 $0x1082;
	[sflag:s4] =	ssyncset.s32 $0xFFFFF086  }
0x25: {  	[simem:s6], [sflag:s4] =	dma.local [hbm:s3], $0xF7A  }
0x26: {  	[smem:$0x3F94] =	sst s1;
	(tag) =	ssettag s2;
	_ =	strace s9  }
0x27: {  	s1 =	sld [smem:$0x3FA4]  }
0x28: {  	s2 =	sld [smem:$0x3FA5]  }
0x29: {  	s4 =	sld [smem:$0x3FA7]  }
0x2a: {  	p0 =	seq.s32 s5, $0x0;
	s5 =	sld [smem:$0x3FA8]  }
0x2b: {  	s6 =	sld [smem:$0x3FA9]  }
0x2c: {  	s7 =	sld [smem:$0x3FAA]  }
0x2d: {  	s3 =	simm.s32 $0x108;
	s8 =	sld [smem:$0x3FAB]  }
0x2e: {  	s3 =	simm.s32 @!p0 $0x1082;
	s9 =	sld [smem:$0x3FAC]  }
0x2f: {  	lr =	sadd.s32 s0, s3;
	s0 =	sld [smem:$0x3FA3]  }
0x30: {  	s3 =	sld [smem:$0x3FA6]  }
0x31: {  	[smem:$0x3FAF] =	sst s10  }
0x32: {  	s10 =	sld [smem:$0x3FAD];
	_ =	sdelay $0x3  }
0x33: {  	p0 =	seq.s32 s10, $0x1;
	s10 =	sld [smem:$0x3FAF];
	_ =	sdelay $0x3  }
0x34: {  	[smem:$0x3FAF] =	sst s10  }
0x35: {  	s10 =	sld [smem:$0x3FAE];
	_ =	sdelay $0x3  }
0x36: {  	p1 =	seq.s32 s10, $0x1;
	s10 =	sld [smem:$0x3FAF];
	_ =	sdelay $0x3  }
0x37: {  	[smem:$0x3FAF] =	sst s10  }
0x38: {  	s10 =	sld [smem:$0x3FB0]  }
0x39: {  	_ = 	snop;
	(pc) =	sbr.ind lr, $3  }
0x3a: {  	_ = 	snop  }
0x3b: {  	_ = 	snop  }
0x3c: {  	p2 =	seq.s32 s10, $0x1;
	s10 =	sld [smem:$0x3FAF]  }
0x3d: {  	_ =	shalt  }
0x3e: {  	_ =	shalt  }
0x3f: {  	_ =	shalt  }
0x40: {  	_ =	shalt  }
0x41: {  	_ =	shalt  }
0x42: {  	_ =	shalt  }
0x43: {  	_ =	shalt  }
0x44: {  	_ =	shalt  }
0x45: {  	_ =	shalt  }
0x46: {  	_ =	shalt  }
0x47: {  	_ =	shalt  }
0x48: {  	_ =	shalt  }
0x49: {  	_ =	shalt  }
0x4a: {  	_ =	shalt  }
0x4b: {  	_ =	shalt  }
0x4c: {  	_ =	shalt  }
0x4d: {  	_ =	shalt  }
0x4e: {  	_ =	shalt  }
0x4f: {  	_ =	shalt  }
0x50: {  	_ =	shalt  }
0x51: {  	_ =	shalt  }
0x52: {  	_ =	shalt  }
0x53: {  	_ =	shalt  }
0x54: {  	_ =	shalt  }
0x55: {  	_ =	shalt  }
0x56: {  	_ =	shalt  }
0x57: {  	_ =	shalt  }
0x58: {  	_ =	shalt  }
0x59: {  	_ =	shalt  }
0x5a: {  	_ =	shalt  }
0x5b: {  	_ =	shalt  }
0x5c: {  	_ =	shalt  }
0x5d: {  	_ =	shalt  }
0x5e: {  	_ =	shalt  }
0x5f: {  	_ =	shalt  }
0x60: {  	_ =	shalt  }
0x61: {  	_ =	shalt  }
0x62: {  	_ =	shalt  }
0x63: {  	_ =	shalt  }
0x64: {  	_ =	shalt  }
0x65: {  	_ =	shalt  }
0x66: {  	_ =	shalt  }
0x67: {  	_ =	shalt  }
0x68: {  	_ =	shalt  }
0x69: {  	_ =	shalt  }
0x6a: {  	_ =	shalt  }
0x6b: {  	_ =	shalt  }
0x6c: {  	_ =	shalt  }
0x6d: {  	_ =	shalt  }
0x6e: {  	_ =	shalt  }
0x6f: {  	_ =	shalt  }
0x70: {  	_ =	shalt  }
0x71: {  	_ =	shalt  }
0x72: {  	_ =	shalt  }
0x73: {  	_ =	shalt  }
0x74: {  	_ =	shalt  }
0x75: {  	_ =	shalt  }
0x76: {  	_ =	shalt  }
0x77: {  	_ =	shalt  }
0x78: {  	_ =	shalt  }
0x79: {  	_ =	shalt  }
0x7a: {  	_ =	shalt  }
0x7b: {  	_ =	shalt  }
0x7c: {  	_ =	shalt  }
0x7d: {  	_ =	shalt  }
0x7e: {  	_ =	shalt  }
0x7f: {  	_ =	shalt  }
0x80: {  	_ =	shalt  }
0x81: {  	_ =	shalt  }
0x82: {  	_ =	shalt  }
0x83: {  	_ =	shalt  }
0x84: {  	_ =	shalt  }
0x85: {  	_ =	shalt  }
0x86: {  	_ =	shalt  }
0x87: {  	_ =	shalt  }
.Lfunc_end0:
.L_simem_size_0:
called_computation.1_lowered:
.L_overlay_start_0:
0x88: {  	s2 =	sld [smem:$0x3FD9]  }
0x89: {  	s3 =	sld [smem:$0x3FFE];
	_ =	sdelay $0x1  }
0x8a: {  	s1 =	srdreg.scid  }
0x8b: {  	s0 =	sand.u32 $0x1, s1  }
0x8c: {  	s16 =	sshll.u32 s0, $0xA;
	s2 =	sadd.s32 s3, s2  }
0x8d: {  	s2 =	sadd.s32 s2, s16  }
0x8e: {  	[smem:$0x3FBB] =	sst s2  }
0x8f: {  	_ = 	snop  }
0x90: {  	(tm) =	ssettm $0x1  }
0x91: {  	s17 =	sld [smem:$0x3FFB];
	_ =	sdelay $0x3  }
0x92: {  	_ =	strace s17  }
0x93: {  	s2 =	sld [smem:$0x3FFC];
	_ =	sdelay $0x3  }
0x94: {  	_ =	strace s2  }
0x95: {  	s2 =	sld [smem:$0x3FFD];
	_ =	sdelay $0x3  }
0x96: {  	_ =	strace s2  }
0x97: {  	_ =	strace $0x8FFFFFFF  }
0x98: {  	s18 =	sld [smem:$0x3FDB];
	_ =	sdelay $0x1  }
0x99: {  	s19 =	simm.s32 $_scs_section_size  }
0x9a: {  	s4 =	simm.s32 $_size__tile_overlayer_lowered;
	s5 =	simm.s32 $_tile_overlayer_lowered  }
0x9b: {  	s22 =	simm.s32 $0x1BFF;
	s21 =	sshll.u32 s5, $0x1;
	s2 =	sadd.s32 s19, s18  }
0x9c: {  	s6 =	simm.s32 $0x0;
	s20 =	sshll.u32 s4, $0x1;
	s4 =	sadd.s32 s21, s2  }
0x9d: {  	[timem:s6], [sflag:s22] =	dma.local [hbm:s4], s20  }
0x9e: {  	_ =	swait.ge [sflag:s22], s20  }
0x9f: {  	s3 =	ssub.s32 $0x0, s20;
	[sflag:s22] =	ssyncset.done $0x0  }
0xa0: {  	[sflag:s22] =	ssyncadd.s32 s3;
	_ =	sdelay $0x1  }
0xa1: {  	s23 =	simm.s32 $0x1B8B  }
0xa2: {  	_ =	swait.ge [sflag:s23], $0x1  }
0xa3: {  	[sflag:s23] =	ssyncset.done $0x0  }
0xa4: {  	s25 =	simm.s32 $0x1B8E;
	s24 =	sld [smem:$0x3FFE];
	[sflag:s23] =	ssyncadd.s32 $0xFFFFFFFF  }
0xa5: {  	s26 =	simm.s32 $execute0_lowered;
	[smem:$0x3FD2] =	sst s25  }
0xa6: {  	s4 =	sshll.u32 s26, $0x1;
	_ =	strace $0x80000049;
	[dreg:$0x1] =	wrdreg $0xFFFFFFFF  }
0xa7: {  	s28 =	simm.s32 $_size_execute0_lowered;
	s2 =	sadd.s32 s2, s4;
	[dreg:$0x0] =	wrdreg $0x0  }
0xa8: {  	s4 =	sshll.u32 s28, $0x1;
	[dreg:$0x2] =	wrdreg s2  }
0xa9: {  	[dreg:$0x3] =	wrdreg s4  }
0xaa: {  	[dreg:$0x4] =	wrdreg $0xC0  }
0xab: {  	_ =	task [dreg:s6], $0x5FFFF  }
0xac: {  	[dreg:$0x1] =	wrdreg $0xFFFFFFFF  }
0xad: {  	[dreg:$0x0] =	wrdreg $0x60  }
0xae: {  	[dreg:$0x2] =	wrdreg s24  }
0xaf: {  	[dreg:$0x3] =	wrdreg $0x9  }
0xb0: {  	_ =	task.clear_ibuf [dreg:s6], $0x4FFFF;
	_ =	strace $0x90000049  }
0xb1: {  	s29 =	simm.s32 $0x9;
	_ =	strace $0x8000004B  }
0xb2: {  	_ =	swait.ge [sflag:s29], $0x1  }
0xb3: {  	[sflag:s29] =	ssyncadd.s32 $0xFFFFFFFF  }
0xb4: {  	_ =	strace $0x9000004B  }
0xb5: {  	_ =	sfence  }
0xb6: {  	s30 =	sld [smem:$0x0];
	_ =	sdelay $0x2  }
0xb7: {  	s31 =	sshll.u32 s1, $0xD;
	s1 =	sshrl.u32 s1, $0x2  }
0xb8: {  	s3 =	sand.u32 $0x4000, s31;
	s1 =	sadd.s32 s1, s30  }
0xb9: {  	s0 =	sor.u32 s3, s0;
	s1 =	sshll.u32 s1, $0x11  }
0xba: {  	s0 =	sor.u32 s1, s0  }
0xbb: {  	s0 =	sadd.s32 $0x8F2B, s0  }
0xbc: {  	[sflag:s0] =	ssyncadd.remote.s32 $0x1  }
0xbd: {  	_ =	sfence.sel $0xFFFF  }
0xbe: {  	[dreg:$0x0] =	wrdreg $0xFFFFFFFF;
	(pc) =	sbr.abs _section_cstart, $3  }
0xbf: {  	[dreg:$0x1] =	wrdreg $0xFFFFFFFF  }
0xc0: {  	_ =	task.clear_ibuf [dreg:s6], $0x2FFFF;
	_ =	strace $0x9FFFFFFF  }
0xc1: {  	(tm) =	ssettm $0x7FFFFFFF  }
tec
execute0_lowered:
.L_overlay_start_1:
0x0: {  	(tag) =	ssettag $0x1  }
0x1: {  	s0 =	rddreg [dreg:$0x0];
	s2 =	simm.s32 $0x0  }
0x2: {  	s1 =	srdreg.scid;
	s3 =	stileid.u32;
	s26 =	simm.s32 $0x10000  }
0x3: {  	s28 =	simm.s32 $0x10200;
	s12 =	simm.s32 $0x3;
	s29 =	simm.s32 $0x8000  }
0x4: {  	s30 =	simm.s32 $0x1000;
	s31 =	simm.s32 $0x1800;
	s13 =	simm.s32 $0x3000  }
0x5: {  	s14 =	simm.s32 $0x3800;
	s15 =	simm.s32 $0x4000;
	s16 =	simm.s32 $0x4800  }
0x6: {  	[smem:$0x7FF] =	sst s2;
	s1 =	sand.u32 $0x1, s1;
	s3 =	sshll.u32 s3, $0x1  }
0x7: {  	s8 =	sadd.s32 $0x3800, s0;
	s9 =	sadd.s32 $0x8B800, s0;
	_ =	strace $0x8000004A  }
0x8: {  	s4 =	sor.u32 s1, s3;
	s3 =	sadd.s32 $0x40D000, s0;
	[dreg:$0xc] =	wrdreg s26  }
0x9: {  	s1 =	ssub.s32 $0x2, s1;
	[dreg:$0xd] =	wrdreg s28;
	s5 =	sshll.u32 s4, $0x6  }
0xa: {  	s6 =	sshrl.u32 s1, $0x1;
	s7 =	sshll.u32 s4, $0xE;
	s4 =	sadd.s32 $0x40D100, s0  }
0xb: {  	s5 =	sadd.s32 s5, s0;
	s1 =	ssub.s32 s1, s6;
	s18 =	sadd.s32 s8, s7  }
0xc: {  	s19 =	sadd.s32 s9, s7;
	s10 =	sor.u32 $0x1000, s7;
	s11 =	sor.u32 $0x2000, s7  }
0xd: {  	s6 =	sadd.s32 $0x40D300, s0;
	s23 =	sor.u32 $0x3000, s7;
	[dreg:$0x4] =	wrdreg s18  }
0xe: {  	s7 =	sadd.s32 $0x40D400, s0;
	s17 =	sadd.s32 $0x1CC000, s5;
	[dreg:$0x5] =	wrdreg s19  }
0xf: {  	s5 =	sadd.s32 $0x1CC800, s5;
	s20 =	sadd.s32 s8, s10;
	[dreg:$0x2] =	wrdreg s17  }
0x10: {  	s10 =	sadd.s32 s9, s10;
	s21 =	sadd.s32 s8, s11;
	[dreg:$0x3] =	wrdreg s5  }
0x11: {  	s22 =	sadd.s32 s9, s11;
	s24 =	sadd.s32 s8, s23;
	[dreg:$0x6] =	wrdreg s20  }
0x12: {  	s8 =	sadd.s32 $0x40D500, s0;
	s25 =	sadd.s32 s9, s23;
	[dreg:$0x7] =	wrdreg s10  }
0x13: {  	s9 =	sadd.s32 $0x40D600, s0;
	s11 =	smax.u32 s1, $0x1;
	[dreg:$0x8] =	wrdreg s21  }
0x14: {  	s1 =	simm.s32 $0x2800;
	s18 =	simm.s32 $0x5800;
	[dreg:$0x9] =	wrdreg s22  }
0x15: {  	s19 =	simm.s32 $0x6000;
	s23 =	simm.s32 $0x8800;
	[dreg:$0xa] =	wrdreg s24  }
0x16: {  	v2 =	vlaneseq.u32;
	s5 =	sadd.s32 $0x40D200, s0;
	[dreg:$0xb] =	wrdreg s25;
	s10 =	sadd.s32 $0x40D700, s0  }
0x17: {  	vm0 =	vmmov $0xffff;
	v1 =	vshrl.u32 v2, $0x3;
	s24 =	simm.s32 $0x1;
	s25 =	simm.s32 $0x2;
	s17 =	simm.s32 $0x5000  }
0x18: {  	v0 =	vand.u32 $0x7, v2;
	v2 =	vor.u32 $0x8, v2;
	v1 =	vmul.u32 $0x8, v1;
	s20 =	simm.s32 $0x6800;
	s21 =	simm.s32 $0x7000;
	s22 =	simm.s32 $0x7800  }
.LBB2_1:
0x19: {  	s26 =	rddreg [dreg:$0x2]  }
0x1a: {  	s28 =	rddreg [dreg:$0xc]  }
0x1b: {  	[tilespmem:s28], [sflag:$0x3] =	stream.linear.gather [hbm4b:s26+s2], $0x200, $0x38;
	[tilespmem:$0x10400] =	vst v63  }
0x1c: {  	_ =	swait.ge [sflag:s12], $0x200  }
0x1d: {  	s26 =	rddreg [dreg:$0x3];
	[sflag:s12] =	ssyncset.done $0x0  }
0x1e: {  	s0 =	rddreg [dreg:$0xd];
	[sflag:s12] =	ssyncadd.s32 $0xFFFFFE00  }
0x1f: {  	[tilespmem:s0], [sflag:$0x3] =	stream.linear.gather [hbm4b:s26+s2], $0x200, $0x38;
	[tilespmem:$0x10400] =	vst v63  }
0x20: {  	_ =	swait.ge [sflag:s12], $0x200  }
0x21: {  	[sflag:s12] =	ssyncset.done $0x0  }
0x22: {  	[sflag:s12] =	ssyncadd.s32 $0xFFFFFE00  }
0x23: {  	v3 =	vld [tilespmem:$0x10000];
	_ =	sdelay $0x4  }
0x24: {  	v4 =	vshll.u32 v3, $0x4  }
0x25: {  	v3 =	vand.u32 $0x7, v3;
	v4 =	vand.u32 $0xFFFFFF80, v4  }
0x26: {  	v3 =	vor.u32 v3, v4  }
0x27: {  	v4 =	vperm.xlane v3, v0;
	_ =	sdelay $0x1  }
0x28: {  	v4 =	vadd.s32 v1, v4;
	_ =	sdelay $0x4  }
0x29: {  	[tilespmem:s2], [sflag:$0x1] =	stream.indirect_vreg.gather [hbm4b:s3+s2], $0x80, v4, vm0, $0xb8;
	[tilespmem:$0x10400] =	vst v63  }
0x2a: {  	s28 =	simm.s32 $0x800  }
0x2b: {  	[tilespmem:s28], [sflag:$0x1] =	stream.indirect_vreg.gather [hbm4b:s4+s2], $0x80, v4, vm0, $0xb8;
	[tilespmem:$0x10400] =	vst v63  }
0x2c: {  	_ = 	snop  }
0x2d: {  	[tilespmem:s30], [sflag:$0x1] =	stream.indirect_vreg.gather [hbm4b:s5+s2], $0x80, v4, vm0, $0xb8;
	[tilespmem:$0x10400] =	vst v63  }
0x2e: {  	_ = 	snop  }
0x2f: {  	[tilespmem:s31], [sflag:$0x1] =	stream.indirect_vreg.gather [hbm4b:s6+s2], $0x80, v4, vm0, $0xb8;
	[tilespmem:$0x10400] =	vst v63  }
0x30: {  	s0 =	simm.s32 $0x2000  }
0x31: {  	[tilespmem:s0], [sflag:$0x1] =	stream.indirect_vreg.gather [hbm4b:s7+s2], $0x80, v4, vm0, $0xb8;
	[tilespmem:$0x10400] =	vst v63  }
0x32: {  	v3 =	vperm.xlane v3, v2  }
0x33: {  	[tilespmem:s1], [sflag:$0x1] =	stream.indirect_vreg.gather [hbm4b:s8+s2], $0x80, v4, vm0, $0xb8;
	[tilespmem:$0x10400] =	vst v63  }
0x34: {  	v3 =	vadd.s32 v1, v3  }
0x35: {  	[tilespmem:s13], [sflag:$0x1] =	stream.indirect_vreg.gather [hbm4b:s9+s2], $0x80, v4, vm0, $0xb8;
	[tilespmem:$0x10400] =	vst v63  }
0x36: {  	_ = 	snop  }
0x37: {  	[tilespmem:s14], [sflag:$0x1] =	stream.indirect_vreg.gather [hbm4b:s10+s2], $0x80, v4, vm0, $0xb8;
	[tilespmem:$0x10400] =	vst v63  }
0x38: {  	_ = 	snop  }
0x39: {  	[tilespmem:s15], [sflag:$0x1] =	stream.indirect_vreg.gather [hbm4b:s3+s2], $0x80, v3, vm0, $0xb8;
	[tilespmem:$0x10400] =	vst v63  }
0x3a: {  	_ = 	snop  }
0x3b: {  	[tilespmem:s16], [sflag:$0x1] =	stream.indirect_vreg.gather [hbm4b:s4+s2], $0x80, v3, vm0, $0xb8;
	[tilespmem:$0x10400] =	vst v63  }
0x3c: {  	_ = 	snop  }
0x3d: {  	[tilespmem:s17], [sflag:$0x1] =	stream.indirect_vreg.gather [hbm4b:s5+s2], $0x80, v3, vm0, $0xb8;
	[tilespmem:$0x10400] =	vst v63  }
0x3e: {  	_ = 	snop  }
0x3f: {  	[tilespmem:s18], [sflag:$0x1] =	stream.indirect_vreg.gather [hbm4b:s6+s2], $0x80, v3, vm0, $0xb8;
	[tilespmem:$0x10400] =	vst v63  }
0x40: {  	_ = 	snop  }
0x41: {  	[tilespmem:s19], [sflag:$0x1] =	stream.indirect_vreg.gather [hbm4b:s7+s2], $0x80, v3, vm0, $0xb8;
	[tilespmem:$0x10400] =	vst v63  }
0x42: {  	_ = 	snop  }
0x43: {  	[tilespmem:s20], [sflag:$0x1] =	stream.indirect_vreg.gather [hbm4b:s8+s2], $0x80, v3, vm0, $0xb8;
	[tilespmem:$0x10400] =	vst v63  }
0x44: {  	_ = 	snop  }
0x45: {  	[tilespmem:s21], [sflag:$0x1] =	stream.indirect_vreg.gather [hbm4b:s9+s2], $0x80, v3, vm0, $0xb8;
	[tilespmem:$0x10400] =	vst v63  }
0x46: {  	_ = 	snop  }
0x47: {  	[tilespmem:s22], [sflag:$0x1] =	stream.indirect_vreg.gather [hbm4b:s10+s2], $0x80, v3, vm0, $0xb8;
	[tilespmem:$0x10400] =	vst v63  }
0x48: {  	v3 =	vld [tilespmem:$0x10200];
	_ =	sdelay $0x4  }
0x49: {  	v57 =	vshll.u32 v3, $0x4  }
0x4a: {  	v3 =	vand.u32 $0x7, v3;
	v4 =	vand.u32 $0xFFFFFF80, v57  }
0x4b: {  	v3 =	vor.u32 v3, v4  }
0x4c: {  	v4 =	vperm.xlane v3, v0;
	_ =	sdelay $0x1  }
0x4d: {  	v4 =	vadd.s32 v1, v4;
	_ =	sdelay $0x4  }
0x4e: {  	[tilespmem:s29], [sflag:$0x2] =	stream.indirect_vreg.gather [hbm4b:s3+s2], $0x80, v4, vm0, $0xb8;
	[tilespmem:$0x10400] =	vst v63  }
0x4f: {  	_ = 	snop  }
0x50: {  	[tilespmem:s23], [sflag:$0x2] =	stream.indirect_vreg.gather [hbm4b:s4+s2], $0x80, v4, vm0, $0xb8;
	[tilespmem:$0x10400] =	vst v63  }
0x51: {  	s26 =	simm.s32 $0x9000  }
0x52: {  	[tilespmem:s26], [sflag:$0x2] =	stream.indirect_vreg.gather [hbm4b:s5+s2], $0x80, v4, vm0, $0xb8;
	[tilespmem:$0x10400] =	vst v63  }
0x53: {  	s26 =	simm.s32 $0x9800  }
0x54: {  	[tilespmem:s26], [sflag:$0x2] =	stream.indirect_vreg.gather [hbm4b:s6+s2], $0x80, v4, vm0, $0xb8;
	[tilespmem:$0x10400] =	vst v63  }
0x55: {  	s26 =	simm.s32 $0xA000  }
0x56: {  	[tilespmem:s26], [sflag:$0x2] =	stream.indirect_vreg.gather [hbm4b:s7+s2], $0x80, v4, vm0, $0xb8;
	[tilespmem:$0x10400] =	vst v63  }
0x57: {  	v3 =	vperm.xlane v3, v2;
	s26 =	simm.s32 $0xA800  }
0x58: {  	[tilespmem:s26], [sflag:$0x2] =	stream.indirect_vreg.gather [hbm4b:s8+s2], $0x80, v4, vm0, $0xb8;
	[tilespmem:$0x10400] =	vst v63  }
0x59: {  	v3 =	vadd.s32 v1, v3;
	s26 =	simm.s32 $0xB000  }
0x5a: {  	[tilespmem:s26], [sflag:$0x2] =	stream.indirect_vreg.gather [hbm4b:s9+s2], $0x80, v4, vm0, $0xb8;
	[tilespmem:$0x10400] =	vst v63  }
0x5b: {  	s26 =	simm.s32 $0xB800  }
0x5c: {  	[tilespmem:s26], [sflag:$0x2] =	stream.indirect_vreg.gather [hbm4b:s10+s2], $0x80, v4, vm0, $0xb8;
	[tilespmem:$0x10400] =	vst v63  }
0x5d: {  	s26 =	simm.s32 $0xC000  }
0x5e: {  	[tilespmem:s26], [sflag:$0x2] =	stream.indirect_vreg.gather [hbm4b:s3+s2], $0x80, v3, vm0, $0xb8;
	[tilespmem:$0x10400] =	vst v63  }
0x5f: {  	s26 =	simm.s32 $0xC800  }
0x60: {  	[tilespmem:s26], [sflag:$0x2] =	stream.indirect_vreg.gather [hbm4b:s4+s2], $0x80, v3, vm0, $0xb8;
	[tilespmem:$0x10400] =	vst v63  }
0x61: {  	s26 =	simm.s32 $0xD000  }
0x62: {  	[tilespmem:s26], [sflag:$0x2] =	stream.indirect_vreg.gather [hbm4b:s5+s2], $0x80, v3, vm0, $0xb8;
	[tilespmem:$0x10400] =	vst v63  }
0x63: {  	s26 =	simm.s32 $0xD800  }
0x64: {  	[tilespmem:s26], [sflag:$0x2] =	stream.indirect_vreg.gather [hbm4b:s6+s2], $0x80, v3, vm0, $0xb8;
	[tilespmem:$0x10400] =	vst v63  }
0x65: {  	s26 =	simm.s32 $0xE000  }
0x66: {  	[tilespmem:s26], [sflag:$0x2] =	stream.indirect_vreg.gather [hbm4b:s7+s2], $0x80, v3, vm0, $0xb8;
	[tilespmem:$0x10400] =	vst v63  }
0x67: {  	s26 =	simm.s32 $0xE800  }
0x68: {  	[tilespmem:s26], [sflag:$0x2] =	stream.indirect_vreg.gather [hbm4b:s8+s2], $0x80, v3, vm0, $0xb8;
	[tilespmem:$0x10400] =	vst v63  }
0x69: {  	s26 =	simm.s32 $0xF000  }
0x6a: {  	[tilespmem:s26], [sflag:$0x2] =	stream.indirect_vreg.gather [hbm4b:s9+s2], $0x80, v3, vm0, $0xb8;
	[tilespmem:$0x10400] =	vst v63  }
0x6b: {  	s26 =	simm.s32 $0xF800  }
0x6c: {  	[tilespmem:s26], [sflag:$0x2] =	stream.indirect_vreg.gather [hbm4b:s10+s2], $0x80, v3, vm0, $0xb8;
	[tilespmem:$0x10400] =	vst v63  }
0x6d: {  	_ =	swait.ge [sflag:s24], $0x8000  }
0x6e: {  	[sflag:s24] =	ssyncset.done $0x0  }
0x6f: {  	[sflag:s24] =	ssyncadd.s32 $0xFFFF8000  }
0x70: {  	_ =	swait.ge [sflag:s25], $0x8000  }
0x71: {  	[sflag:s25] =	ssyncset.done $0x0  }
0x72: {  	s26 =	rddreg [dreg:$0x4];
	[sflag:s25] =	ssyncadd.s32 $0xFFFF8000  }
0x73: {  	[hbm4b:s26+s2] =	stream.linear.scatter [tilespmem:s2], [sflag:$0x3], $0x8000, $0x38;
	[tilespmem:$0x10400] =	vst v63  }
0x74: {  	_ =	swait.ge [sflag:s12], $0x8000  }
0x75: {  	[sflag:s12] =	ssyncset.done $0x0  }
0x76: {  	s26 =	rddreg [dreg:$0x5];
	[sflag:s12] =	ssyncadd.s32 $0xFFFF8000  }
0x77: {  	[hbm4b:s26+s2] =	stream.linear.scatter [tilespmem:s29], [sflag:$0x3], $0x8000, $0x38;
	[tilespmem:$0x10400] =	vst v63  }
0x78: {  	_ =	swait.ge [sflag:s12], $0x8000  }
0x79: {  	[sflag:s12] =	ssyncset.done $0x0  }
0x7a: {  	[sflag:s12] =	ssyncadd.s32 $0xFFFF8000  }
0x7b: {  	v3 =	vld [tilespmem:$0x10080];
	_ =	sdelay $0x4  }
0x7c: {  	v58 =	vshll.u32 v3, $0x4  }
0x7d: {  	v3 =	vand.u32 $0x7, v3;
	v4 =	vand.u32 $0xFFFFFF80, v58  }
0x7e: {  	v3 =	vor.u32 v3, v4  }
0x7f: {  	v4 =	vperm.xlane v3, v0;
	_ =	sdelay $0x1  }
0x80: {  	v4 =	vadd.s32 v1, v4;
	_ =	sdelay $0x4  }
0x81: {  	[tilespmem:s2], [sflag:$0x1] =	stream.indirect_vreg.gather [hbm4b:s3+s2], $0x80, v4, vm0, $0xb8;
	[tilespmem:$0x10400] =	vst v63  }
0x82: {  	_ = 	snop  }
0x83: {  	[tilespmem:s28], [sflag:$0x1] =	stream.indirect_vreg.gather [hbm4b:s4+s2], $0x80, v4, vm0, $0xb8;
	[tilespmem:$0x10400] =	vst v63  }
0x84: {  	_ = 	snop  }
0x85: {  	[tilespmem:s30], [sflag:$0x1] =	stream.indirect_vreg.gather [hbm4b:s5+s2], $0x80, v4, vm0, $0xb8;
	[tilespmem:$0x10400] =	vst v63  }
0x86: {  	_ = 	snop  }
0x87: {  	[tilespmem:s31], [sflag:$0x1] =	stream.indirect_vreg.gather [hbm4b:s6+s2], $0x80, v4, vm0, $0xb8;
	[tilespmem:$0x10400] =	vst v63  }
0x88: {  	_ = 	snop  }
0x89: {  	[tilespmem:s0], [sflag:$0x1] =	stream.indirect_vreg.gather [hbm4b:s7+s2], $0x80, v4, vm0, $0xb8;
	[tilespmem:$0x10400] =	vst v63  }
0x8a: {  	v3 =	vperm.xlane v3, v2  }
0x8b: {  	[tilespmem:s1], [sflag:$0x1] =	stream.indirect_vreg.gather [hbm4b:s8+s2], $0x80, v4, vm0, $0xb8;
	[tilespmem:$0x10400] =	vst v63  }
0x8c: {  	v3 =	vadd.s32 v1, v3  }
0x8d: {  	[tilespmem:s13], [sflag:$0x1] =	stream.indirect_vreg.gather [hbm4b:s9+s2], $0x80, v4, vm0, $0xb8;
	[tilespmem:$0x10400] =	vst v63  }
0x8e: {  	_ = 	snop  }
0x8f: {  	[tilespmem:s14], [sflag:$0x1] =	stream.indirect_vreg.gather [hbm4b:s10+s2], $0x80, v4, vm0, $0xb8;
	[tilespmem:$0x10400] =	vst v63  }
0x90: {  	_ = 	snop  }
0x91: {  	[tilespmem:s15], [sflag:$0x1] =	stream.indirect_vreg.gather [hbm4b:s3+s2], $0x80, v3, vm0, $0xb8;
	[tilespmem:$0x10400] =	vst v63  }
0x92: {  	_ = 	snop  }
0x93: {  	[tilespmem:s16], [sflag:$0x1] =	stream.indirect_vreg.gather [hbm4b:s4+s2], $0x80, v3, vm0, $0xb8;
	[tilespmem:$0x10400] =	vst v63  }
0x94: {  	_ = 	snop  }
0x95: {  	[tilespmem:s17], [sflag:$0x1] =	stream.indirect_vreg.gather [hbm4b:s5+s2], $0x80, v3, vm0, $0xb8;
	[tilespmem:$0x10400] =	vst v63  }
0x96: {  	_ = 	snop  }
0x97: {  	[tilespmem:s18], [sflag:$0x1] =	stream.indirect_vreg.gather [hbm4b:s6+s2], $0x80, v3, vm0, $0xb8;
	[tilespmem:$0x10400] =	vst v63  }
0x98: {  	_ = 	snop  }
0x99: {  	[tilespmem:s19], [sflag:$0x1] =	stream.indirect_vreg.gather [hbm4b:s7+s2], $0x80, v3, vm0, $0xb8;
	[tilespmem:$0x10400] =	vst v63  }
0x9a: {  	_ = 	snop  }
0x9b: {  	[tilespmem:s20], [sflag:$0x1] =	stream.indirect_vreg.gather [hbm4b:s8+s2], $0x80, v3, vm0, $0xb8;
	[tilespmem:$0x10400] =	vst v63  }
0x9c: {  	_ = 	snop  }
0x9d: {  	[tilespmem:s21], [sflag:$0x1] =	stream.indirect_vreg.gather [hbm4b:s9+s2], $0x80, v3, vm0, $0xb8;
	[tilespmem:$0x10400] =	vst v63  }
0x9e: {  	_ = 	snop  }
0x9f: {  	[tilespmem:s22], [sflag:$0x1] =	stream.indirect_vreg.gather [hbm4b:s10+s2], $0x80, v3, vm0, $0xb8;
	[tilespmem:$0x10400] =	vst v63  }
0xa0: {  	v3 =	vld [tilespmem:$0x10280];
	_ =	sdelay $0x4  }
0xa1: {  	v59 =	vshll.u32 v3, $0x4  }
0xa2: {  	v3 =	vand.u32 $0x7, v3;
	v4 =	vand.u32 $0xFFFFFF80, v59  }
0xa3: {  	v3 =	vor.u32 v3, v4  }
0xa4: {  	v4 =	vperm.xlane v3, v0;
	_ =	sdelay $0x1  }
0xa5: {  	v4 =	vadd.s32 v1, v4;
	_ =	sdelay $0x4  }
0xa6: {  	[tilespmem:s29], [sflag:$0x2] =	stream.indirect_vreg.gather [hbm4b:s3+s2], $0x80, v4, vm0, $0xb8;
	[tilespmem:$0x10400] =	vst v63  }
0xa7: {  	_ = 	snop  }
0xa8: {  	[tilespmem:s23], [sflag:$0x2] =	stream.indirect_vreg.gather [hbm4b:s4+s2], $0x80, v4, vm0, $0xb8;
	[tilespmem:$0x10400] =	vst v63  }
0xa9: {  	s26 =	simm.s32 $0x9000  }
0xaa: {  	[tilespmem:s26], [sflag:$0x2] =	stream.indirect_vreg.gather [hbm4b:s5+s2], $0x80, v4, vm0, $0xb8;
	[tilespmem:$0x10400] =	vst v63  }
0xab: {  	s26 =	simm.s32 $0x9800  }
0xac: {  	[tilespmem:s26], [sflag:$0x2] =	stream.indirect_vreg.gather [hbm4b:s6+s2], $0x80, v4, vm0, $0xb8;
	[tilespmem:$0x10400] =	vst v63  }
0xad: {  	s26 =	simm.s32 $0xA000  }
0xae: {  	[tilespmem:s26], [sflag:$0x2] =	stream.indirect_vreg.gather [hbm4b:s7+s2], $0x80, v4, vm0, $0xb8;
	[tilespmem:$0x10400] =	vst v63  }
0xaf: {  	v3 =	vperm.xlane v3, v2;
	s26 =	simm.s32 $0xA800  }
0xb0: {  	[tilespmem:s26], [sflag:$0x2] =	stream.indirect_vreg.gather [hbm4b:s8+s2], $0x80, v4, vm0, $0xb8;
	[tilespmem:$0x10400] =	vst v63  }
0xb1: {  	v3 =	vadd.s32 v1, v3;
	s26 =	simm.s32 $0xB000  }
0xb2: {  	[tilespmem:s26], [sflag:$0x2] =	stream.indirect_vreg.gather [hbm4b:s9+s2], $0x80, v4, vm0, $0xb8;
	[tilespmem:$0x10400] =	vst v63  }
0xb3: {  	s26 =	simm.s32 $0xB800  }
0xb4: {  	[tilespmem:s26], [sflag:$0x2] =	stream.indirect_vreg.gather [hbm4b:s10+s2], $0x80, v4, vm0, $0xb8;
	[tilespmem:$0x10400] =	vst v63  }
0xb5: {  	s26 =	simm.s32 $0xC000  }
0xb6: {  	[tilespmem:s26], [sflag:$0x2] =	stream.indirect_vreg.gather [hbm4b:s3+s2], $0x80, v3, vm0, $0xb8;
	[tilespmem:$0x10400] =	vst v63  }
0xb7: {  	s26 =	simm.s32 $0xC800  }
0xb8: {  	[tilespmem:s26], [sflag:$0x2] =	stream.indirect_vreg.gather [hbm4b:s4+s2], $0x80, v3, vm0, $0xb8;
	[tilespmem:$0x10400] =	vst v63  }
0xb9: {  	s26 =	simm.s32 $0xD000  }
0xba: {  	[tilespmem:s26], [sflag:$0x2] =	stream.indirect_vreg.gather [hbm4b:s5+s2], $0x80, v3, vm0, $0xb8;
	[tilespmem:$0x10400] =	vst v63  }
0xbb: {  	s26 =	simm.s32 $0xD800  }
0xbc: {  	[tilespmem:s26], [sflag:$0x2] =	stream.indirect_vreg.gather [hbm4b:s6+s2], $0x80, v3, vm0, $0xb8;
	[tilespmem:$0x10400] =	vst v63  }
0xbd: {  	s26 =	simm.s32 $0xE000  }
0xbe: {  	[tilespmem:s26], [sflag:$0x2] =	stream.indirect_vreg.gather [hbm4b:s7+s2], $0x80, v3, vm0, $0xb8;
	[tilespmem:$0x10400] =	vst v63  }
0xbf: {  	s26 =	simm.s32 $0xE800  }
0xc0: {  	[tilespmem:s26], [sflag:$0x2] =	stream.indirect_vreg.gather [hbm4b:s8+s2], $0x80, v3, vm0, $0xb8;
	[tilespmem:$0x10400] =	vst v63  }
0xc1: {  	s26 =	simm.s32 $0xF000  }
0xc2: {  	[tilespmem:s26], [sflag:$0x2] =	stream.indirect_vreg.gather [hbm4b:s9+s2], $0x80, v3, vm0, $0xb8;
	[tilespmem:$0x10400] =	vst v63  }
0xc3: {  	s26 =	simm.s32 $0xF800  }
0xc4: {  	[tilespmem:s26], [sflag:$0x2] =	stream.indirect_vreg.gather [hbm4b:s10+s2], $0x80, v3, vm0, $0xb8;
	[tilespmem:$0x10400] =	vst v63  }
0xc5: {  	_ =	swait.ge [sflag:s24], $0x8000  }
0xc6: {  	[sflag:s24] =	ssyncset.done $0x0  }
0xc7: {  	[sflag:s24] =	ssyncadd.s32 $0xFFFF8000  }
0xc8: {  	_ =	swait.ge [sflag:s25], $0x8000  }
0xc9: {  	[sflag:s25] =	ssyncset.done $0x0  }
0xca: {  	s26 =	rddreg [dreg:$0x6];
	[sflag:s25] =	ssyncadd.s32 $0xFFFF8000  }
0xcb: {  	[hbm4b:s26+s2] =	stream.linear.scatter [tilespmem:s2], [sflag:$0x3], $0x8000, $0x38;
	[tilespmem:$0x10400] =	vst v63  }
0xcc: {  	_ =	swait.ge [sflag:s12], $0x8000  }
0xcd: {  	[sflag:s12] =	ssyncset.done $0x0  }
0xce: {  	s26 =	rddreg [dreg:$0x7];
	[sflag:s12] =	ssyncadd.s32 $0xFFFF8000  }
0xcf: {  	[hbm4b:s26+s2] =	stream.linear.scatter [tilespmem:s29], [sflag:$0x3], $0x8000, $0x38;
	[tilespmem:$0x10400] =	vst v63  }
0xd0: {  	_ =	swait.ge [sflag:s12], $0x8000  }
0xd1: {  	[sflag:s12] =	ssyncset.done $0x0  }
0xd2: {  	[sflag:s12] =	ssyncadd.s32 $0xFFFF8000  }
0xd3: {  	v3 =	vld [tilespmem:$0x10100];
	_ =	sdelay $0x4  }
0xd4: {  	v60 =	vshll.u32 v3, $0x4  }
0xd5: {  	v3 =	vand.u32 $0x7, v3;
	v4 =	vand.u32 $0xFFFFFF80, v60  }
0xd6: {  	v3 =	vor.u32 v3, v4  }
0xd7: {  	v4 =	vperm.xlane v3, v0;
	_ =	sdelay $0x1  }
0xd8: {  	v4 =	vadd.s32 v1, v4;
	_ =	sdelay $0x4  }
0xd9: {  	[tilespmem:s2], [sflag:$0x1] =	stream.indirect_vreg.gather [hbm4b:s3+s2], $0x80, v4, vm0, $0xb8;
	[tilespmem:$0x10400] =	vst v63  }
0xda: {  	_ = 	snop  }
0xdb: {  	[tilespmem:s28], [sflag:$0x1] =	stream.indirect_vreg.gather [hbm4b:s4+s2], $0x80, v4, vm0, $0xb8;
	[tilespmem:$0x10400] =	vst v63  }
0xdc: {  	_ = 	snop  }
0xdd: {  	[tilespmem:s30], [sflag:$0x1] =	stream.indirect_vreg.gather [hbm4b:s5+s2], $0x80, v4, vm0, $0xb8;
	[tilespmem:$0x10400] =	vst v63  }
0xde: {  	_ = 	snop  }
0xdf: {  	[tilespmem:s31], [sflag:$0x1] =	stream.indirect_vreg.gather [hbm4b:s6+s2], $0x80, v4, vm0, $0xb8;
	[tilespmem:$0x10400] =	vst v63  }
0xe0: {  	_ = 	snop  }
0xe1: {  	[tilespmem:s0], [sflag:$0x1] =	stream.indirect_vreg.gather [hbm4b:s7+s2], $0x80, v4, vm0, $0xb8;
	[tilespmem:$0x10400] =	vst v63  }
0xe2: {  	v3 =	vperm.xlane v3, v2  }
0xe3: {  	[tilespmem:s1], [sflag:$0x1] =	stream.indirect_vreg.gather [hbm4b:s8+s2], $0x80, v4, vm0, $0xb8;
	[tilespmem:$0x10400] =	vst v63  }
0xe4: {  	v3 =	vadd.s32 v1, v3  }
0xe5: {  	[tilespmem:s13], [sflag:$0x1] =	stream.indirect_vreg.gather [hbm4b:s9+s2], $0x80, v4, vm0, $0xb8;
	[tilespmem:$0x10400] =	vst v63  }
0xe6: {  	_ = 	snop  }
0xe7: {  	[tilespmem:s14], [sflag:$0x1] =	stream.indirect_vreg.gather [hbm4b:s10+s2], $0x80, v4, vm0, $0xb8;
	[tilespmem:$0x10400] =	vst v63  }
0xe8: {  	_ = 	snop  }
0xe9: {  	[tilespmem:s15], [sflag:$0x1] =	stream.indirect_vreg.gather [hbm4b:s3+s2], $0x80, v3, vm0, $0xb8;
	[tilespmem:$0x10400] =	vst v63  }
0xea: {  	_ = 	snop  }
0xeb: {  	[tilespmem:s16], [sflag:$0x1] =	stream.indirect_vreg.gather [hbm4b:s4+s2], $0x80, v3, vm0, $0xb8;
	[tilespmem:$0x10400] =	vst v63  }
0xec: {  	_ = 	snop  }
0xed: {  	[tilespmem:s17], [sflag:$0x1] =	stream.indirect_vreg.gather [hbm4b:s5+s2], $0x80, v3, vm0, $0xb8;
	[tilespmem:$0x10400] =	vst v63  }
0xee: {  	_ = 	snop  }
0xef: {  	[tilespmem:s18], [sflag:$0x1] =	stream.indirect_vreg.gather [hbm4b:s6+s2], $0x80, v3, vm0, $0xb8;
	[tilespmem:$0x10400] =	vst v63  }
0xf0: {  	_ = 	snop  }
0xf1: {  	[tilespmem:s19], [sflag:$0x1] =	stream.indirect_vreg.gather [hbm4b:s7+s2], $0x80, v3, vm0, $0xb8;
	[tilespmem:$0x10400] =	vst v63  }
0xf2: {  	_ = 	snop  }
0xf3: {  	[tilespmem:s20], [sflag:$0x1] =	stream.indirect_vreg.gather [hbm4b:s8+s2], $0x80, v3, vm0, $0xb8;
	[tilespmem:$0x10400] =	vst v63  }
0xf4: {  	_ = 	snop  }
0xf5: {  	[tilespmem:s21], [sflag:$0x1] =	stream.indirect_vreg.gather [hbm4b:s9+s2], $0x80, v3, vm0, $0xb8;
	[tilespmem:$0x10400] =	vst v63  }
0xf6: {  	_ = 	snop  }
0xf7: {  	[tilespmem:s22], [sflag:$0x1] =	stream.indirect_vreg.gather [hbm4b:s10+s2], $0x80, v3, vm0, $0xb8;
	[tilespmem:$0x10400] =	vst v63  }
0xf8: {  	v3 =	vld [tilespmem:$0x10300];
	_ =	sdelay $0x4  }
0xf9: {  	v61 =	vshll.u32 v3, $0x4  }
0xfa: {  	v3 =	vand.u32 $0x7, v3;
	v4 =	vand.u32 $0xFFFFFF80, v61  }
0xfb: {  	v3 =	vor.u32 v3, v4  }
0xfc: {  	v4 =	vperm.xlane v3, v0;
	_ =	sdelay $0x1  }
0xfd: {  	v4 =	vadd.s32 v1, v4;
	_ =	sdelay $0x4  }
0xfe: {  	[tilespmem:s29], [sflag:$0x2] =	stream.indirect_vreg.gather [hbm4b:s3+s2], $0x80, v4, vm0, $0xb8;
	[tilespmem:$0x10400] =	vst v63  }
0xff: {  	_ = 	snop  }
0x100: {  	[tilespmem:s23], [sflag:$0x2] =	stream.indirect_vreg.gather [hbm4b:s4+s2], $0x80, v4, vm0, $0xb8;
	[tilespmem:$0x10400] =	vst v63  }
0x101: {  	s26 =	simm.s32 $0x9000  }
0x102: {  	[tilespmem:s26], [sflag:$0x2] =	stream.indirect_vreg.gather [hbm4b:s5+s2], $0x80, v4, vm0, $0xb8;
	[tilespmem:$0x10400] =	vst v63  }
0x103: {  	s26 =	simm.s32 $0x9800  }
0x104: {  	[tilespmem:s26], [sflag:$0x2] =	stream.indirect_vreg.gather [hbm4b:s6+s2], $0x80, v4, vm0, $0xb8;
	[tilespmem:$0x10400] =	vst v63  }
0x105: {  	s26 =	simm.s32 $0xA000  }
0x106: {  	[tilespmem:s26], [sflag:$0x2] =	stream.indirect_vreg.gather [hbm4b:s7+s2], $0x80, v4, vm0, $0xb8;
	[tilespmem:$0x10400] =	vst v63  }
0x107: {  	v3 =	vperm.xlane v3, v2;
	s26 =	simm.s32 $0xA800  }
0x108: {  	[tilespmem:s26], [sflag:$0x2] =	stream.indirect_vreg.gather [hbm4b:s8+s2], $0x80, v4, vm0, $0xb8;
	[tilespmem:$0x10400] =	vst v63  }
0x109: {  	v3 =	vadd.s32 v1, v3;
	s26 =	simm.s32 $0xB000  }
0x10a: {  	[tilespmem:s26], [sflag:$0x2] =	stream.indirect_vreg.gather [hbm4b:s9+s2], $0x80, v4, vm0, $0xb8;
	[tilespmem:$0x10400] =	vst v63  }
0x10b: {  	s26 =	simm.s32 $0xB800  }
0x10c: {  	[tilespmem:s26], [sflag:$0x2] =	stream.indirect_vreg.gather [hbm4b:s10+s2], $0x80, v4, vm0, $0xb8;
	[tilespmem:$0x10400] =	vst v63  }
0x10d: {  	s26 =	simm.s32 $0xC000  }
0x10e: {  	[tilespmem:s26], [sflag:$0x2] =	stream.indirect_vreg.gather [hbm4b:s3+s2], $0x80, v3, vm0, $0xb8;
	[tilespmem:$0x10400] =	vst v63  }
0x10f: {  	s26 =	simm.s32 $0xC800  }
0x110: {  	[tilespmem:s26], [sflag:$0x2] =	stream.indirect_vreg.gather [hbm4b:s4+s2], $0x80, v3, vm0, $0xb8;
	[tilespmem:$0x10400] =	vst v63  }
0x111: {  	s26 =	simm.s32 $0xD000  }
0x112: {  	[tilespmem:s26], [sflag:$0x2] =	stream.indirect_vreg.gather [hbm4b:s5+s2], $0x80, v3, vm0, $0xb8;
	[tilespmem:$0x10400] =	vst v63  }
0x113: {  	s26 =	simm.s32 $0xD800  }
0x114: {  	[tilespmem:s26], [sflag:$0x2] =	stream.indirect_vreg.gather [hbm4b:s6+s2], $0x80, v3, vm0, $0xb8;
	[tilespmem:$0x10400] =	vst v63  }
0x115: {  	s26 =	simm.s32 $0xE000  }
0x116: {  	[tilespmem:s26], [sflag:$0x2] =	stream.indirect_vreg.gather [hbm4b:s7+s2], $0x80, v3, vm0, $0xb8;
	[tilespmem:$0x10400] =	vst v63  }
0x117: {  	s26 =	simm.s32 $0xE800  }
0x118: {  	[tilespmem:s26], [sflag:$0x2] =	stream.indirect_vreg.gather [hbm4b:s8+s2], $0x80, v3, vm0, $0xb8;
	[tilespmem:$0x10400] =	vst v63  }
0x119: {  	s26 =	simm.s32 $0xF000  }
0x11a: {  	[tilespmem:s26], [sflag:$0x2] =	stream.indirect_vreg.gather [hbm4b:s9+s2], $0x80, v3, vm0, $0xb8;
	[tilespmem:$0x10400] =	vst v63  }
0x11b: {  	s26 =	simm.s32 $0xF800  }
0x11c: {  	[tilespmem:s26], [sflag:$0x2] =	stream.indirect_vreg.gather [hbm4b:s10+s2], $0x80, v3, vm0, $0xb8;
	[tilespmem:$0x10400] =	vst v63  }
0x11d: {  	_ =	swait.ge [sflag:s24], $0x8000  }
0x11e: {  	[sflag:s24] =	ssyncset.done $0x0  }
0x11f: {  	[sflag:s24] =	ssyncadd.s32 $0xFFFF8000  }
0x120: {  	_ =	swait.ge [sflag:s25], $0x8000  }
0x121: {  	[sflag:s25] =	ssyncset.done $0x0  }
0x122: {  	s26 =	rddreg [dreg:$0x8];
	[sflag:s25] =	ssyncadd.s32 $0xFFFF8000  }
0x123: {  	[hbm4b:s26+s2] =	stream.linear.scatter [tilespmem:s2], [sflag:$0x3], $0x8000, $0x38;
	[tilespmem:$0x10400] =	vst v63  }
0x124: {  	_ =	swait.ge [sflag:s12], $0x8000  }
0x125: {  	[sflag:s12] =	ssyncset.done $0x0  }
0x126: {  	s26 =	rddreg [dreg:$0x9];
	[sflag:s12] =	ssyncadd.s32 $0xFFFF8000  }
0x127: {  	[hbm4b:s26+s2] =	stream.linear.scatter [tilespmem:s29], [sflag:$0x3], $0x8000, $0x38;
	[tilespmem:$0x10400] =	vst v63  }
0x128: {  	_ =	swait.ge [sflag:s12], $0x8000  }
0x129: {  	[sflag:s12] =	ssyncset.done $0x0  }
0x12a: {  	[sflag:s12] =	ssyncadd.s32 $0xFFFF8000  }
0x12b: {  	v3 =	vld [tilespmem:$0x10180];
	_ =	sdelay $0x4  }
0x12c: {  	v62 =	vshll.u32 v3, $0x4  }
0x12d: {  	v3 =	vand.u32 $0x7, v3;
	v4 =	vand.u32 $0xFFFFFF80, v62  }
0x12e: {  	v3 =	vor.u32 v3, v4  }
0x12f: {  	v4 =	vperm.xlane v3, v0;
	_ =	sdelay $0x1  }
0x130: {  	v4 =	vadd.s32 v1, v4;
	_ =	sdelay $0x4  }
0x131: {  	[tilespmem:s2], [sflag:$0x1] =	stream.indirect_vreg.gather [hbm4b:s3+s2], $0x80, v4, vm0, $0xb8;
	[tilespmem:$0x10400] =	vst v63  }
0x132: {  	_ = 	snop  }
0x133: {  	[tilespmem:s28], [sflag:$0x1] =	stream.indirect_vreg.gather [hbm4b:s4+s2], $0x80, v4, vm0, $0xb8;
	[tilespmem:$0x10400] =	vst v63  }
0x134: {  	_ = 	snop  }
0x135: {  	[tilespmem:s30], [sflag:$0x1] =	stream.indirect_vreg.gather [hbm4b:s5+s2], $0x80, v4, vm0, $0xb8;
	[tilespmem:$0x10400] =	vst v63  }
0x136: {  	_ = 	snop  }
0x137: {  	[tilespmem:s31], [sflag:$0x1] =	stream.indirect_vreg.gather [hbm4b:s6+s2], $0x80, v4, vm0, $0xb8;
	[tilespmem:$0x10400] =	vst v63  }
0x138: {  	_ = 	snop  }
0x139: {  	[tilespmem:s0], [sflag:$0x1] =	stream.indirect_vreg.gather [hbm4b:s7+s2], $0x80, v4, vm0, $0xb8;
	[tilespmem:$0x10400] =	vst v63  }
0x13a: {  	v3 =	vperm.xlane v3, v2  }
0x13b: {  	[tilespmem:s1], [sflag:$0x1] =	stream.indirect_vreg.gather [hbm4b:s8+s2], $0x80, v4, vm0, $0xb8;
	[tilespmem:$0x10400] =	vst v63  }
0x13c: {  	v3 =	vadd.s32 v1, v3  }
0x13d: {  	[tilespmem:s13], [sflag:$0x1] =	stream.indirect_vreg.gather [hbm4b:s9+s2], $0x80, v4, vm0, $0xb8;
	[tilespmem:$0x10400] =	vst v63  }
0x13e: {  	_ = 	snop  }
0x13f: {  	[tilespmem:s14], [sflag:$0x1] =	stream.indirect_vreg.gather [hbm4b:s10+s2], $0x80, v4, vm0, $0xb8;
	[tilespmem:$0x10400] =	vst v63  }
0x140: {  	_ = 	snop  }
0x141: {  	[tilespmem:s15], [sflag:$0x1] =	stream.indirect_vreg.gather [hbm4b:s3+s2], $0x80, v3, vm0, $0xb8;
	[tilespmem:$0x10400] =	vst v63  }
0x142: {  	_ = 	snop  }
0x143: {  	[tilespmem:s16], [sflag:$0x1] =	stream.indirect_vreg.gather [hbm4b:s4+s2], $0x80, v3, vm0, $0xb8;
	[tilespmem:$0x10400] =	vst v63  }
0x144: {  	_ = 	snop  }
0x145: {  	[tilespmem:s17], [sflag:$0x1] =	stream.indirect_vreg.gather [hbm4b:s5+s2], $0x80, v3, vm0, $0xb8;
	[tilespmem:$0x10400] =	vst v63  }
0x146: {  	_ = 	snop  }
0x147: {  	[tilespmem:s18], [sflag:$0x1] =	stream.indirect_vreg.gather [hbm4b:s6+s2], $0x80, v3, vm0, $0xb8;
	[tilespmem:$0x10400] =	vst v63  }
0x148: {  	_ = 	snop  }
0x149: {  	[tilespmem:s19], [sflag:$0x1] =	stream.indirect_vreg.gather [hbm4b:s7+s2], $0x80, v3, vm0, $0xb8;
	[tilespmem:$0x10400] =	vst v63  }
0x14a: {  	_ = 	snop  }
0x14b: {  	[tilespmem:s20], [sflag:$0x1] =	stream.indirect_vreg.gather [hbm4b:s8+s2], $0x80, v3, vm0, $0xb8;
	[tilespmem:$0x10400] =	vst v63  }
0x14c: {  	_ = 	snop  }
0x14d: {  	[tilespmem:s21], [sflag:$0x1] =	stream.indirect_vreg.gather [hbm4b:s9+s2], $0x80, v3, vm0, $0xb8;
	[tilespmem:$0x10400] =	vst v63  }
0x14e: {  	_ = 	snop  }
0x14f: {  	[tilespmem:s22], [sflag:$0x1] =	stream.indirect_vreg.gather [hbm4b:s10+s2], $0x80, v3, vm0, $0xb8;
	[tilespmem:$0x10400] =	vst v63  }
0x150: {  	v3 =	vld [tilespmem:$0x10380];
	_ =	sdelay $0x4  }
0x151: {  	v63 =	vshll.u32 v3, $0x4  }
0x152: {  	v3 =	vand.u32 $0x7, v3;
	v4 =	vand.u32 $0xFFFFFF80, v63  }
0x153: {  	v3 =	vor.u32 v3, v4  }
0x154: {  	v4 =	vperm.xlane v3, v0;
	_ =	sdelay $0x1  }
0x155: {  	v4 =	vadd.s32 v1, v4;
	_ =	sdelay $0x4  }
0x156: {  	[tilespmem:s29], [sflag:$0x2] =	stream.indirect_vreg.gather [hbm4b:s3+s2], $0x80, v4, vm0, $0xb8;
	[tilespmem:$0x10400] =	vst v63  }
0x157: {  	_ = 	snop  }
0x158: {  	[tilespmem:s23], [sflag:$0x2] =	stream.indirect_vreg.gather [hbm4b:s4+s2], $0x80, v4, vm0, $0xb8;
	[tilespmem:$0x10400] =	vst v63  }
0x159: {  	s26 =	simm.s32 $0x9000  }
0x15a: {  	[tilespmem:s26], [sflag:$0x2] =	stream.indirect_vreg.gather [hbm4b:s5+s2], $0x80, v4, vm0, $0xb8;
	[tilespmem:$0x10400] =	vst v63  }
0x15b: {  	s28 =	simm.s32 $0x9800  }
0x15c: {  	[tilespmem:s28], [sflag:$0x2] =	stream.indirect_vreg.gather [hbm4b:s6+s2], $0x80, v4, vm0, $0xb8;
	[tilespmem:$0x10400] =	vst v63  }
0x15d: {  	s26 =	simm.s32 $0xA000  }
0x15e: {  	[tilespmem:s26], [sflag:$0x2] =	stream.indirect_vreg.gather [hbm4b:s7+s2], $0x80, v4, vm0, $0xb8;
	[tilespmem:$0x10400] =	vst v63  }
0x15f: {  	v3 =	vperm.xlane v3, v2;
	s28 =	simm.s32 $0xA800  }
0x160: {  	[tilespmem:s28], [sflag:$0x2] =	stream.indirect_vreg.gather [hbm4b:s8+s2], $0x80, v4, vm0, $0xb8;
	[tilespmem:$0x10400] =	vst v63  }
0x161: {  	v3 =	vadd.s32 v1, v3;
	s26 =	simm.s32 $0xB000  }
0x162: {  	[tilespmem:s26], [sflag:$0x2] =	stream.indirect_vreg.gather [hbm4b:s9+s2], $0x80, v4, vm0, $0xb8;
	[tilespmem:$0x10400] =	vst v63  }
0x163: {  	s28 =	simm.s32 $0xB800  }
0x164: {  	[tilespmem:s28], [sflag:$0x2] =	stream.indirect_vreg.gather [hbm4b:s10+s2], $0x80, v4, vm0, $0xb8;
	[tilespmem:$0x10400] =	vst v63  }
0x165: {  	s26 =	simm.s32 $0xC000  }
0x166: {  	[tilespmem:s26], [sflag:$0x2] =	stream.indirect_vreg.gather [hbm4b:s3+s2], $0x80, v3, vm0, $0xb8;
	[tilespmem:$0x10400] =	vst v63  }
0x167: {  	s28 =	simm.s32 $0xC800  }
0x168: {  	[tilespmem:s28], [sflag:$0x2] =	stream.indirect_vreg.gather [hbm4b:s4+s2], $0x80, v3, vm0, $0xb8;
	[tilespmem:$0x10400] =	vst v63  }
0x169: {  	s26 =	simm.s32 $0xD000  }
0x16a: {  	[tilespmem:s26], [sflag:$0x2] =	stream.indirect_vreg.gather [hbm4b:s5+s2], $0x80, v3, vm0, $0xb8;
	[tilespmem:$0x10400] =	vst v63  }
0x16b: {  	s28 =	simm.s32 $0xD800  }
0x16c: {  	[tilespmem:s28], [sflag:$0x2] =	stream.indirect_vreg.gather [hbm4b:s6+s2], $0x80, v3, vm0, $0xb8;
	[tilespmem:$0x10400] =	vst v63  }
0x16d: {  	s26 =	simm.s32 $0xE000  }
0x16e: {  	[tilespmem:s26], [sflag:$0x2] =	stream.indirect_vreg.gather [hbm4b:s7+s2], $0x80, v3, vm0, $0xb8;
	[tilespmem:$0x10400] =	vst v63  }
0x16f: {  	s28 =	simm.s32 $0xE800  }
0x170: {  	[tilespmem:s28], [sflag:$0x2] =	stream.indirect_vreg.gather [hbm4b:s8+s2], $0x80, v3, vm0, $0xb8;
	[tilespmem:$0x10400] =	vst v63  }
0x171: {  	s26 =	simm.s32 $0xF000  }
0x172: {  	[tilespmem:s26], [sflag:$0x2] =	stream.indirect_vreg.gather [hbm4b:s9+s2], $0x80, v3, vm0, $0xb8;
	[tilespmem:$0x10400] =	vst v63  }
0x173: {  	s28 =	simm.s32 $0xF800  }
0x174: {  	[tilespmem:s28], [sflag:$0x2] =	stream.indirect_vreg.gather [hbm4b:s10+s2], $0x80, v3, vm0, $0xb8;
	[tilespmem:$0x10400] =	vst v63  }
0x175: {  	_ =	swait.ge [sflag:s24], $0x8000  }
0x176: {  	[sflag:s24] =	ssyncset.done $0x0  }
0x177: {  	[sflag:s24] =	ssyncadd.s32 $0xFFFF8000  }
0x178: {  	_ =	swait.ge [sflag:s25], $0x8000  }
0x179: {  	[sflag:s25] =	ssyncset.done $0x0  }
0x17a: {  	s0 =	rddreg [dreg:$0xa];
	[sflag:s25] =	ssyncadd.s32 $0xFFFF8000  }
0x17b: {  	[hbm4b:s0+s2] =	stream.linear.scatter [tilespmem:s2], [sflag:$0x3], $0x8000, $0x38;
	[tilespmem:$0x10400] =	vst v63  }
0x17c: {  	_ =	swait.ge [sflag:s12], $0x8000  }
0x17d: {  	p0 =	sne.s32 s11, $0x1;
	[sflag:s12] =	ssyncset.done $0x0  }
.Ltmp0:
0x17e: {  	s28 =	rddreg [dreg:$0xb];
	[sflag:s12] =	ssyncadd.s32 $0xFFFF8000;
	(pc) =	sbr.rel @p0 .LBB2_1-.Ltmp0, $4  }
0x17f: {  	[hbm4b:s28+s2] =	stream.linear.scatter [tilespmem:s29], [sflag:$0x3], $0x8000, $0x38;
	[tilespmem:$0x10400] =	vst v63  }
0x180: {  	_ =	swait.ge [sflag:s12], $0x8000  }
0x181: {  	[sflag:s12] =	ssyncset.done $0x0  }
0x182: {  	s11 =	sadd.s32 $0xFFFFFFFF, s11;
	[sflag:s12] =	ssyncadd.s32 $0xFFFF8000  }
0x183: {  	_ =	sfence.sel $0x180000  }
0x184: {  	[bflag:$0x0] =	sbarrier.arrive $0xFFFF  }
0x185: {  	_ =	strace $0x9000004A  }
0x186: {  	s0 =	stileid.u32;
	[bflag:$0x2] =	sbarrier.arrive $0xFFFF  }
0x187: {  	p0 =	sne.s32 s0, $0x0;
	s0 =	rddreg [dreg:$0x1]  }
0x188: {  	s0 =	sadd.s32 @!p0 $0x100000, s0  }
0x189: {  	[sflag:s0] =	ssyncadd.tile.s32 @!p0 $0x1;
	_ =	shalt  }
.Lfunc_end2:
_tile_overlayer_lowered:
.L_overlay_start_2:
0x18a: {  	(tag) =	ssettag $0x2  }
0x18b: {  	s0 =	rddreg [dreg:$0x0];
	s2 =	stileid.u32  }
0x18c: {  	s1 =	rddreg [dreg:$0x1];
	p0 =	sne.s32 s2, $0x0  }
0x18d: {  	s3 =	rddreg [dreg:$0x2];
	[bflag:$0x3] =	sbarrier.arrive $0xFFFF;
	s2 =	simm.s32 @!p0 $0x1C03  }
0x18e: {  	[timem:s3], [sflag:s2] =	dma.local @!p0 [hbm:s0], s1  }
0x18f: {  	s0 =	simm.s32 @!p0 $0x3  }
0x190: {  	_ =	swait.ge @!p0 [sflag:s0], s1  }
0x191: {  	s1 =	ssub.s32 @!p0 $0x0, s1;
	[sflag:s0] =	ssyncset.done @!p0 $0x0  }
0x192: {  	[sflag:s0] =	ssyncadd.s32 @!p0 s1  }
0x193: {  	[bflag:$0x3] =	sbarrier.arrive $0xFFFF  }
0x194: {  	_ =	shalt  }

</sc_bundles>
